<compile_context>
chip_gen: v7x
topology: tpu7x:2x2x1
jax: 0.10.2.dev20260603
libtpu: 0.0.44.dev20260713+nightly
codegen_flags: <defaults>
</compile_context>

<pallas_src>
import functools
import jax
import jax.numpy as jnp
from jax import lax
from jax.experimental import pallas as pl
from jax.experimental.pallas import tpu as pltpu
from jax.experimental.pallas import tpu_sc as plsc

_N = 100000
_D = 128
_K = 10
_SPEED = 2.0

_NW = 32
_CHUNK = 256
_CPW = 1
_RPW = _CHUNK * _CPW
_M = _NW * _RPW
_NT = _N - _M

_GRID = 4
_BLK = -(-_NT // (_GRID * 128)) * 128
_G = _BLK // 128
_SROWS = _GRID * _G


def _tc_main_kernel(x_ref, data_ref, cand_ref, d2_ref):
    i = pl.program_id(0)
    xv = x_ref[...]
    blk = data_ref[...]
    t = jnp.swapaxes(blk.reshape(_G, 128, 128), 1, 2)
    xc = xv.reshape(1, 128, 1)
    d2 = jnp.sum(t * (t - 2.0 * xc), axis=1) + jnp.sum(xv * xv)
    g = jax.lax.broadcasted_iota(jnp.int32, d2.shape, 0)
    r = jax.lax.broadcasted_iota(jnp.int32, d2.shape, 1)
    row = i * _BLK + g * 128 + r
    d2 = jnp.where(row < _NT, d2, jnp.inf)
    d2_ref[pl.ds(i * _G, _G), :] = d2

    @pl.when(i == _GRID - 1)
    def _finalize():
        s = d2_ref[...]
        fi = (jax.lax.broadcasted_iota(jnp.int32, s.shape, 0) * 128
              + jax.lax.broadcasted_iota(jnp.int32, s.shape, 1))
        cr = jax.lax.broadcasted_iota(jnp.int32, (8, 128), 0)
        cl = jax.lax.broadcasted_iota(jnp.int32, (8, 128), 1)
        cand = jnp.full((8, 128), jnp.inf, jnp.float32)
        for k in range(_K):
            m = jnp.min(s)
            cand = jnp.where((cr == 0) & (cl == k), m, cand)
            idx = jnp.min(jnp.where(s == m, fi, jnp.int32(2**31 - 1)))
            s = jnp.where(fi == idx, jnp.inf, s)
        cand_ref[...] = cand


def _tc_main(x2, data):
    return pl.pallas_call(
        _tc_main_kernel,
        grid=(_GRID,),
        in_specs=[
            pl.BlockSpec((1, _D), lambda i: (0, 0)),
            pl.BlockSpec((_BLK, _D), lambda i: (i, 0)),
        ],
        out_specs=pl.BlockSpec((8, 128), lambda i: (0, 0)),
        out_shape=jax.ShapeDtypeStruct((8, 128), jnp.float32),
        scratch_shapes=[pltpu.VMEM((_SROWS, 128), jnp.float32)],
    )(x2, data)



def _sc_distances(x, data):
    mesh = plsc.VectorSubcoreMesh(
        core_axis_name="c", subcore_axis_name="s", num_cores=2)

    @functools.partial(
        pl.kernel, mesh=mesh,
        out_type=jax.ShapeDtypeStruct((_M,), jnp.float32),
        scratch_types=[
            pltpu.VMEM((_D,), jnp.float32),
            pltpu.VMEM((_CHUNK, _D), jnp.float32),
            pltpu.VMEM((_CHUNK, _D), jnp.float32),
            pltpu.VMEM((_RPW,), jnp.float32),
            pltpu.SemaphoreType.DMA,
            pltpu.SemaphoreType.DMA,
        ],
    )
    def k(x_hbm, data_hbm, out_hbm, x_v, buf_a, buf_b, d2buf,
          sem_a, sem_b):
        wid = lax.axis_index("s") * 2 + lax.axis_index("c")
        w0 = _NT + wid * _RPW
        pltpu.sync_copy(x_hbm, x_v)
        xw = [x_v[pl.ds(j * 16, 16)] for j in range(8)]
        li = jax.lax.broadcasted_iota(jnp.int32, (16,), 0)
        dnums = lax.GatherDimensionNumbers(
            offset_dims=(), collapsed_slice_dims=(0,), start_index_map=(0,))
        perms = [(li ^ k)[:, None] for k in (1, 2, 4, 8)]

        def lane_sum(v):
            for p in perms:
                v = v + lax.gather(
                    v, p, dnums, slice_sizes=(1,),
                    mode=lax.GatherScatterMode.PROMISE_IN_BOUNDS)
            return v

        bufs = [buf_a, buf_b]
        sems = [sem_a, sem_b]
        copies = [None, None]
        copies[0] = pltpu.make_async_copy(
            data_hbm.at[pl.ds(w0, _CHUNK)], buf_a, sem_a)
        copies[0].start()

        for c in range(_CPW):
            if c + 1 < _CPW:
                copies[(c + 1) % 2] = pltpu.make_async_copy(
                    data_hbm.at[pl.ds(w0 + (c + 1) * _CHUNK, _CHUNK)],
                    bufs[(c + 1) % 2], sems[(c + 1) % 2])
                copies[(c + 1) % 2].start()
            copies[c % 2].wait()
            buf = bufs[c % 2]

            def group(g, _, buf=buf, c=c):
                base = g * 16
                dv = jnp.zeros((16,), jnp.float32)
                for r in range(16):
                    acc = None
                    for j in range(8):
                        t = buf[base + r, pl.ds(j * 16, 16)]
                        d = t - xw[j]
                        acc = d * d if acc is None else acc + d * d
                    dv = jnp.where(li == r, lane_sum(acc), dv)
                d2buf[pl.ds(c * _CHUNK + base, 16)] = dv
                return 0

            lax.fori_loop(0, _CHUNK // 16, group, 0)

        pltpu.sync_copy(d2buf, out_hbm.at[pl.ds(wid * _RPW, _RPW)])

    return k(x, data)


_MROWS = _M // 128


def _merge_kernel(x_ref, y_ref, cand_ref, d2sc_ref, out_ref):
    s = jnp.concatenate([cand_ref[...], d2sc_ref[...]], axis=0)
    fi = (jax.lax.broadcasted_iota(jnp.int32, s.shape, 0) * 128
          + jax.lax.broadcasted_iota(jnp.int32, s.shape, 1))
    total = jnp.float32(0.0)
    for _ in range(_K):
        m = jnp.min(s)
        total = total + jnp.sqrt(m)
        idx = jnp.min(jnp.where(s == m, fi, jnp.int32(2**31 - 1)))
        s = jnp.where(fi == idx, jnp.inf, s)
    xy = x_ref[...] - y_ref[...]
    geo = jnp.sqrt(jnp.sum(xy * xy)) / jnp.float32(_SPEED)
    out_ref[...] = (geo + total / jnp.float32(_K)).reshape(1, 1)


def _merge(x2, y2, cand, d2sc):
    return pl.pallas_call(
        _merge_kernel,
        in_specs=[
            pl.BlockSpec((1, _D), lambda: (0, 0)),
            pl.BlockSpec((1, _D), lambda: (0, 0)),
            pl.BlockSpec((8, 128), lambda: (0, 0)),
            pl.BlockSpec((_MROWS, 128), lambda: (0, 0)),
        ],
        out_specs=pl.BlockSpec((1, 1), lambda: (0, 0)),
        out_shape=jax.ShapeDtypeStruct((1, 1), jnp.float32),
    )(x2, y2, cand, d2sc)


@jax.jit
def kernel(x, y, data):
    x2 = x.reshape(1, _D)
    y2 = y.reshape(1, _D)
    cand = _tc_main(x2, data)
    d2sc = _sc_distances(x, data)
    out = _merge(x2, y2, cand, d2sc.reshape(_MROWS, 128))
    return out[0, 0]

# --- scband reference (transcript-rebuilt; emitter-appended) ---
"""Pipeline reference for scband-expanded-geodesic-dist-45827301048583 (READ-ONLY COPY).

The authoritative reference and input builder live on the scoring server;
editing this copy changes nothing except your own understanding.
"""

import jax, jax.numpy as jnp
import numpy as np

N_DATA = 100000
D_FEAT = 128
NB_SOFTMIN = 10
MANIFOLD_SPEED = 2.0


def setup_inputs(seed: int = 0) -> dict:
    key = jax.random.key(seed)
    k1, k2, k3 = jax.random.split(key, 3)
    x = jax.random.normal(k1, (D_FEAT,), dtype=jnp.float32)
    y = jax.random.normal(k2, (D_FEAT,), dtype=jnp.float32)
    data = jax.random.normal(k3, (N_DATA, D_FEAT), dtype=jnp.float32)
    return {"x": x, "y": y, "data": data}


def reference(x, y, data):
    # get_knn: distances from query x to every stored data point,
    # then the nb_softmin smallest distances (torch.topk(..., largest=False)).
    diff_x = data - x[None, :]
    distances = jnp.linalg.norm(diff_x, axis=1)
    neg_topk, indices_x = jax.lax.top_k(-distances, NB_SOFTMIN)
    closest_distances = -neg_topk
    # forward: torch.dist(x, y) / manifold_speed + euc_dist_x.mean()
    out = jnp.linalg.norm(x - y) / jnp.float32(MANIFOLD_SPEED) + jnp.mean(closest_distances)
    return out

if __name__ == "__main__":
    import jax
    _d = setup_inputs()
    print(jax.jit(kernel)(*tuple(_d.values())))

</pallas_src>

<mosaic_0001>
#map = affine_map<(d0, d1) -> (0)>
#map1 = affine_map<(d0, d1) -> (0, 0)>
module attributes {stable_mosaic.version = 14 : i64} {
  func.func @k(%arg0: i32, %arg1: i32, %arg2: memref<128xf32, #tpu.memory_space<hbm>>, %arg3: memref<100000x128xf32, #tpu.memory_space<hbm>>, %arg4: memref<8192xf32, #tpu.memory_space<hbm>>, %arg5: memref<128xf32, #tpu.memory_space<vmem>>, %arg6: memref<256x128xf32, #tpu.memory_space<vmem>>, %arg7: memref<256x128xf32, #tpu.memory_space<vmem>>, %arg8: memref<256xf32, #tpu.memory_space<vmem>>, %arg9: memref<!tpu.dma_semaphore, #tpu.memory_space<semaphore_mem>>, %arg10: memref<!tpu.dma_semaphore, #tpu.memory_space<semaphore_mem>>) attributes {dimension_semantics = [#tpu.dimension_semantics<core_parallel>, #tpu.dimension_semantics<subcore_parallel>], iteration_bounds = array<i64: 2, 16>, scalar_prefetch = 0 : i64, scratch_operands = 6 : i64, tpu.core_type = #tpu.core_type<sc_vector_subcore>, window_params = [{transform_indices = #map}, {transform_indices = #map1}, {transform_indices = #map}]} {
    %mul3A = arith.constant 2 : i32
    %mul3A_0 = arith.muli %arg1, %mul3A : i32
    %add3A = arith.addi %mul3A_0, %arg0 : i32
    %mul3A_1 = arith.constant 256 : i32
    %mul3A_2 = arith.muli %add3A, %mul3A_1 : i32
    %add3A_3 = arith.constant 91808 : i32
    %add3A_4 = arith.addi %add3A_3, %mul3A_2 : i32
    "tpu.region"() ({
      %run_scoped3A = tpu.sem_alloc : memref<!tpu.dma_semaphore, #tpu.memory_space<semaphore_mem>>
      tpu.enqueue_dma source(%arg2 : memref<128xf32, #tpu.memory_space<hbm>>) target(%arg5 : memref<128xf32, #tpu.memory_space<vmem>>) target_semaphore(%run_scoped3A : memref<!tpu.dma_semaphore, #tpu.memory_space<semaphore_mem>>)
      tpu.wait_dma2 semaphore(%run_scoped3A : memref<!tpu.dma_semaphore, #tpu.memory_space<semaphore_mem>>) src(%arg2 : memref<128xf32, #tpu.memory_space<hbm>>) dst(%arg5 : memref<128xf32, #tpu.memory_space<vmem>>)
      tpu.yield
    }) : () -> ()
    %get3A = arith.constant 0 : index
    %get3A_5 = tpu.vector_load %arg5[%get3A] {strides = array<i32>} : memref<128xf32, #tpu.memory_space<vmem>>, vector<16xf32>,
    %get3A_6 = vector.shape_cast %get3A_5 : vector<16xf32> to vector<16xf32>
    %get3A_7 = arith.constant 16 : index
    %get3A_8 = tpu.vector_load %arg5[%get3A_7] {strides = array<i32>} : memref<128xf32, #tpu.memory_space<vmem>>, vector<16xf32>,
    %get3A_9 = vector.shape_cast %get3A_8 : vector<16xf32> to vector<16xf32>
    %get3A_10 = arith.constant 32 : index
    %get3A_11 = tpu.vector_load %arg5[%get3A_10] {strides = array<i32>} : memref<128xf32, #tpu.memory_space<vmem>>, vector<16xf32>,
    %get3A_12 = vector.shape_cast %get3A_11 : vector<16xf32> to vector<16xf32>
    %get3A_13 = arith.constant 48 : index
    %get3A_14 = tpu.vector_load %arg5[%get3A_13] {strides = array<i32>} : memref<128xf32, #tpu.memory_space<vmem>>, vector<16xf32>,
    %get3A_15 = vector.shape_cast %get3A_14 : vector<16xf32> to vector<16xf32>
    %get3A_16 = arith.constant 64 : index
    %get3A_17 = tpu.vector_load %arg5[%get3A_16] {strides = array<i32>} : memref<128xf32, #tpu.memory_space<vmem>>, vector<16xf32>,
    %get3A_18 = vector.shape_cast %get3A_17 : vector<16xf32> to vector<16xf32>
    %get3A_19 = arith.constant 80 : index
    %get3A_20 = tpu.vector_load %arg5[%get3A_19] {strides = array<i32>} : memref<128xf32, #tpu.memory_space<vmem>>, vector<16xf32>,
    %get3A_21 = vector.shape_cast %get3A_20 : vector<16xf32> to vector<16xf32>
    %get3A_22 = arith.constant 96 : index
    %get3A_23 = tpu.vector_load %arg5[%get3A_22] {strides = array<i32>} : memref<128xf32, #tpu.memory_space<vmem>>, vector<16xf32>,
    %get3A_24 = vector.shape_cast %get3A_23 : vector<16xf32> to vector<16xf32>
    %get3A_25 = arith.constant 112 : index
    %get3A_26 = tpu.vector_load %arg5[%get3A_25] {strides = array<i32>} : memref<128xf32, #tpu.memory_space<vmem>>, vector<16xf32>,
    %get3A_27 = vector.shape_cast %get3A_26 : vector<16xf32> to vector<16xf32>
    %iota3A = tpu.iota {dimensions = array<i32: 0>} : vector<16xi32>
    %xor3A = arith.constant 1 : i32
    %xor3A_28 = vector.broadcast %xor3A : i32 to vector<16xi32>
    %xor3A_29 = arith.xori %iota3A, %xor3A_28 : vector<16xi32>
    %broadcast_in_dim3A = vector.shape_cast %xor3A_29 : vector<16xi32> to vector<16x1xi32>
    %xor3A_30 = arith.constant 2 : i32
    %xor3A_31 = vector.broadcast %xor3A_30 : i32 to vector<16xi32>
    %xor3A_32 = arith.xori %iota3A, %xor3A_31 : vector<16xi32>
    %broadcast_in_dim3A_33 = vector.shape_cast %xor3A_32 : vector<16xi32> to vector<16x1xi32>
    %xor3A_34 = arith.constant 4 : i32
    %xor3A_35 = vector.broadcast %xor3A_34 : i32 to vector<16xi32>
    %xor3A_36 = arith.xori %iota3A, %xor3A_35 : vector<16xi32>
    %broadcast_in_dim3A_37 = vector.shape_cast %xor3A_36 : vector<16xi32> to vector<16x1xi32>
    %xor3A_38 = arith.constant 8 : i32
    %xor3A_39 = vector.broadcast %xor3A_38 : i32 to vector<16xi32>
    %xor3A_40 = arith.xori %iota3A, %xor3A_39 : vector<16xi32>
    %broadcast_in_dim3A_41 = vector.shape_cast %xor3A_40 : vector<16xi32> to vector<16x1xi32>
    %dma_start3A = arith.constant 0 : i32
    %dma_start3A_42 = tpu.memref_slice %arg3[%add3A_4, %dma_start3A] : memref<100000x128xf32, #tpu.memory_space<hbm>> -> memref<256x128xf32, #tpu.memory_space<hbm>>
    %dma_start3A_43 = arith.constant 0 : i32
    %dma_start3A_44 = tpu.memref_slice %arg3[%add3A_4, %dma_start3A_43] : memref<100000x128xf32, #tpu.memory_space<hbm>> -> memref<256x128xf32, #tpu.memory_space<hbm>>
    tpu.enqueue_dma source(%dma_start3A_44 : memref<256x128xf32, #tpu.memory_space<hbm>>) target(%arg6 : memref<256x128xf32, #tpu.memory_space<vmem>>) target_semaphore(%arg9 : memref<!tpu.dma_semaphore, #tpu.memory_space<semaphore_mem>>)
    %dma_wait3A = arith.constant 0 : i32
    %dma_wait3A_45 = tpu.memref_slice %arg3[%add3A_4, %dma_wait3A] : memref<100000x128xf32, #tpu.memory_space<hbm>> -> memref<256x128xf32, #tpu.memory_space<hbm>>
    %dma_wait3A_46 = arith.constant 0 : i32
    %dma_wait3A_47 = tpu.memref_slice %arg3[%add3A_4, %dma_wait3A_46] : memref<100000x128xf32, #tpu.memory_space<hbm>> -> memref<256x128xf32, #tpu.memory_space<hbm>>
    tpu.wait_dma2 semaphore(%arg9 : memref<!tpu.dma_semaphore, #tpu.memory_space<semaphore_mem>>) src(%dma_wait3A_47 : memref<256x128xf32, #tpu.memory_space<hbm>>) dst(%arg6 : memref<256x128xf32, #tpu.memory_space<vmem>>)
    %scan3A = arith.constant 0 : i32
    %scan3A_48 = arith.constant 0 : i32
    %scan3A_49 = arith.constant 16 : i32
    %scan3A_50 = arith.addi %scan3A_48, %scan3A_49 : i32
    %scan3A_51 = arith.constant 1 : i32
    %scan3A_52 = scf.for %scan3A_56 = %scan3A_48 to %scan3A_50 step %scan3A_51 iter_args(%scan3A_57 = %scan3A) -> (i32)  : i32 {
      %mul3A_58 = arith.constant 16 : i32
      %mul3A_59 = arith.muli %scan3A_56, %mul3A_58 : i32
      %broadcast_in_dim3A_60 = arith.constant 0.000000e+00 : f32
      %broadcast_in_dim3A_61 = vector.broadcast %broadcast_in_dim3A_60 : f32 to vector<16xf32>
      %add3A_62 = arith.constant 0 : i32
      %add3A_63 = arith.addi %mul3A_59, %add3A_62 : i32
      %get3A_64 = arith.index_cast %add3A_63 : i32 to index
      %get3A_65 = arith.constant 0 : index
      %get3A_66 = tpu.vector_load %arg6[%get3A_64, %get3A_65] {strides = array<i32>} : memref<256x128xf32, #tpu.memory_space<vmem>>, vector<1x16xf32>,
      %get3A_67 = vector.shape_cast %get3A_66 : vector<1x16xf32> to vector<16xf32>
      %sub3A = arith.subf %get3A_67, %get3A_6 : vector<16xf32>
      %mul3A_68 = arith.mulf %sub3A, %sub3A : vector<16xf32>
      %add3A_69 = arith.constant 0 : i32
      %add3A_70 = arith.addi %mul3A_59, %add3A_69 : i32
      %get3A_71 = arith.index_cast %add3A_70 : i32 to index
      %get3A_72 = arith.constant 16 : index
      %get3A_73 = tpu.vector_load %arg6[%get3A_71, %get3A_72] {strides = array<i32>} : memref<256x128xf32, #tpu.memory_space<vmem>>, vector<1x16xf32>,
      %get3A_74 = vector.shape_cast %get3A_73 : vector<1x16xf32> to vector<16xf32>
      %sub3A_75 = arith.subf %get3A_74, %get3A_9 : vector<16xf32>
      %mul3A_76 = arith.mulf %sub3A_75, %sub3A_75 : vector<16xf32>
      %add3A_77 = arith.addf %mul3A_68, %mul3A_76 : vector<16xf32>
      %add3A_78 = arith.constant 0 : i32
      %add3A_79 = arith.addi %mul3A_59, %add3A_78 : i32
      %get3A_80 = arith.index_cast %add3A_79 : i32 to index
      %get3A_81 = arith.constant 32 : index
      %get3A_82 = tpu.vector_load %arg6[%get3A_80, %get3A_81] {strides = array<i32>} : memref<256x128xf32, #tpu.memory_space<vmem>>, vector<1x16xf32>,
      %get3A_83 = vector.shape_cast %get3A_82 : vector<1x16xf32> to vector<16xf32>
      %sub3A_84 = arith.subf %get3A_83, %get3A_12 : vector<16xf32>
      %mul3A_85 = arith.mulf %sub3A_84, %sub3A_84 : vector<16xf32>
      %add3A_86 = arith.addf %add3A_77, %mul3A_85 : vector<16xf32>
      %add3A_87 = arith.constant 0 : i32
      %add3A_88 = arith.addi %mul3A_59, %add3A_87 : i32
      %get3A_89 = arith.index_cast %add3A_88 : i32 to index
      %get3A_90 = arith.constant 48 : index
      %get3A_91 = tpu.vector_load %arg6[%get3A_89, %get3A_90] {strides = array<i32>} : memref<256x128xf32, #tpu.memory_space<vmem>>, vector<1x16xf32>,
      %get3A_92 = vector.shape_cast %get3A_91 : vector<1x16xf32> to vector<16xf32>
      %sub3A_93 = arith.subf %get3A_92, %get3A_15 : vector<16xf32>
      %mul3A_94 = arith.mulf %sub3A_93, %sub3A_93 : vector<16xf32>
      %add3A_95 = arith.addf %add3A_86, %mul3A_94 : vector<16xf32>
      %add3A_96 = arith.constant 0 : i32
      %add3A_97 = arith.addi %mul3A_59, %add3A_96 : i32
      %get3A_98 = arith.index_cast %add3A_97 : i32 to index
      %get3A_99 = arith.constant 64 : index
      %get3A_100 = tpu.vector_load %arg6[%get3A_98, %get3A_99] {strides = array<i32>} : memref<256x128xf32, #tpu.memory_space<vmem>>, vector<1x16xf32>,
      %get3A_101 = vector.shape_cast %get3A_100 : vector<1x16xf32> to vector<16xf32>
      %sub3A_102 = arith.subf %get3A_101, %get3A_18 : vector<16xf32>
      %mul3A_103 = arith.mulf %sub3A_102, %sub3A_102 : vector<16xf32>
      %add3A_104 = arith.addf %add3A_95, %mul3A_103 : vector<16xf32>
      %add3A_105 = arith.constant 0 : i32
      %add3A_106 = arith.addi %mul3A_59, %add3A_105 : i32
      %get3A_107 = arith.index_cast %add3A_106 : i32 to index
      %get3A_108 = arith.constant 80 : index
      %get3A_109 = tpu.vector_load %arg6[%get3A_107, %get3A_108] {strides = array<i32>} : memref<256x128xf32, #tpu.memory_space<vmem>>, vector<1x16xf32>,
      %get3A_110 = vector.shape_cast %get3A_109 : vector<1x16xf32> to vector<16xf32>
      %sub3A_111 = arith.subf %get3A_110, %get3A_21 : vector<16xf32>
      %mul3A_112 = arith.mulf %sub3A_111, %sub3A_111 : vector<16xf32>
      %add3A_113 = arith.addf %add3A_104, %mul3A_112 : vector<16xf32>
      %add3A_114 = arith.constant 0 : i32
      %add3A_115 = arith.addi %mul3A_59, %add3A_114 : i32
      %get3A_116 = arith.index_cast %add3A_115 : i32 to index
      %get3A_117 = arith.constant 96 : index
      %get3A_118 = tpu.vector_load %arg6[%get3A_116, %get3A_117] {strides = array<i32>} : memref<256x128xf32, #tpu.memory_space<vmem>>, vector<1x16xf32>,
      %get3A_119 = vector.shape_cast %get3A_118 : vector<1x16xf32> to vector<16xf32>
      %sub3A_120 = arith.subf %get3A_119, %get3A_24 : vector<16xf32>
      %mul3A_121 = arith.mulf %sub3A_120, %sub3A_120 : vector<16xf32>
      %add3A_122 = arith.addf %add3A_113, %mul3A_121 : vector<16xf32>
      %add3A_123 = arith.constant 0 : i32
      %add3A_124 = arith.addi %mul3A_59, %add3A_123 : i32
      %get3A_125 = arith.index_cast %add3A_124 : i32 to index
      %get3A_126 = arith.constant 112 : index
      %get3A_127 = tpu.vector_load %arg6[%get3A_125, %get3A_126] {strides = array<i32>} : memref<256x128xf32, #tpu.memory_space<vmem>>, vector<1x16xf32>,
      %get3A_128 = vector.shape_cast %get3A_127 : vector<1x16xf32> to vector<16xf32>
      %sub3A_129 = arith.subf %get3A_128, %get3A_27 : vector<16xf32>
      %mul3A_130 = arith.mulf %sub3A_129, %sub3A_129 : vector<16xf32>
      %add3A_131 = arith.addf %add3A_122, %mul3A_130 : vector<16xf32>
      %eq3A = arith.constant 0 : i32
      %eq3A_132 = vector.broadcast %eq3A : i32 to vector<16xi32>
      %eq3A_133 = arith.cmpi eq, %iota3A, %eq3A_132 : vector<16xi32>
      %gather3A = vector.shape_cast %broadcast_in_dim3A : vector<16x1xi32> to vector<16xi32>
      %gather3A_134 = tpu.dynamic_gather %add3A_131[%gather3A] in [0] : vector<16xf32>, vector<16xi32> -> vector<16xf32>
      %add3A_135 = arith.addf %add3A_131, %gather3A_134 : vector<16xf32>
      %gather3A_136 = vector.shape_cast %broadcast_in_dim3A_33 : vector<16x1xi32> to vector<16xi32>
      %gather3A_137 = tpu.dynamic_gather %add3A_135[%gather3A_136] in [0] : vector<16xf32>, vector<16xi32> -> vector<16xf32>
      %add3A_138 = arith.addf %add3A_135, %gather3A_137 : vector<16xf32>
      %gather3A_139 = vector.shape_cast %broadcast_in_dim3A_37 : vector<16x1xi32> to vector<16xi32>
      %gather3A_140 = tpu.dynamic_gather %add3A_138[%gather3A_139] in [0] : vector<16xf32>, vector<16xi32> -> vector<16xf32>
      %add3A_141 = arith.addf %add3A_138, %gather3A_140 : vector<16xf32>
      %gather3A_142 = vector.shape_cast %broadcast_in_dim3A_41 : vector<16x1xi32> to vector<16xi32>
      %gather3A_143 = tpu.dynamic_gather %add3A_141[%gather3A_142] in [0] : vector<16xf32>, vector<16xi32> -> vector<16xf32>
      %add3A_144 = arith.addf %add3A_141, %gather3A_143 : vector<16xf32>
      %select_n3A = arith.select %eq3A_133, %add3A_144, %broadcast_in_dim3A_61 : vector<16xi1>, vector<16xf32>
      %add3A_145 = arith.constant 1 : i32
      %add3A_146 = arith.addi %mul3A_59, %add3A_145 : i32
      %get3A_147 = arith.index_cast %add3A_146 : i32 to index
      %get3A_148 = arith.constant 0 : index
      %get3A_149 = tpu.vector_load %arg6[%get3A_147, %get3A_148] {strides = array<i32>} : memref<256x128xf32, #tpu.memory_space<vmem>>, vector<1x16xf32>,
      %get3A_150 = vector.shape_cast %get3A_149 : vector<1x16xf32> to vector<16xf32>
      %sub3A_151 = arith.subf %get3A_150, %get3A_6 : vector<16xf32>
      %mul3A_152 = arith.mulf %sub3A_151, %sub3A_151 : vector<16xf32>
      %add3A_153 = arith.constant 1 : i32
      %add3A_154 = arith.addi %mul3A_59, %add3A_153 : i32
      %get3A_155 = arith.index_cast %add3A_154 : i32 to index
      %get3A_156 = arith.constant 16 : index
      %get3A_157 = tpu.vector_load %arg6[%get3A_155, %get3A_156] {strides = array<i32>} : memref<256x128xf32, #tpu.memory_space<vmem>>, vector<1x16xf32>,
      %get3A_158 = vector.shape_cast %get3A_157 : vector<1x16xf32> to vector<16xf32>
      %sub3A_159 = arith.subf %get3A_158, %get3A_9 : vector<16xf32>
      %mul3A_160 = arith.mulf %sub3A_159, %sub3A_159 : vector<16xf32>
      %add3A_161 = arith.addf %mul3A_152, %mul3A_160 : vector<16xf32>
      %add3A_162 = arith.constant 1 : i32
      %add3A_163 = arith.addi %mul3A_59, %add3A_162 : i32
      %get3A_164 = arith.index_cast %add3A_163 : i32 to index
      %get3A_165 = arith.constant 32 : index
      %get3A_166 = tpu.vector_load %arg6[%get3A_164, %get3A_165] {strides = array<i32>} : memref<256x128xf32, #tpu.memory_space<vmem>>, vector<1x16xf32>,
      %get3A_167 = vector.shape_cast %get3A_166 : vector<1x16xf32> to vector<16xf32>
      %sub3A_168 = arith.subf %get3A_167, %get3A_12 : vector<16xf32>
      %mul3A_169 = arith.mulf %sub3A_168, %sub3A_168 : vector<16xf32>
      %add3A_170 = arith.addf %add3A_161, %mul3A_169 : vector<16xf32>
      %add3A_171 = arith.constant 1 : i32
      %add3A_172 = arith.addi %mul3A_59, %add3A_171 : i32
      %get3A_173 = arith.index_cast %add3A_172 : i32 to index
      %get3A_174 = arith.constant 48 : index
      %get3A_175 = tpu.vector_load %arg6[%get3A_173, %get3A_174] {strides = array<i32>} : memref<256x128xf32, #tpu.memory_space<vmem>>, vector<1x16xf32>,
      %get3A_176 = vector.shape_cast %get3A_175 : vector<1x16xf32> to vector<16xf32>
      %sub3A_177 = arith.subf %get3A_176, %get3A_15 : vector<16xf32>
      %mul3A_178 = arith.mulf %sub3A_177, %sub3A_177 : vector<16xf32>
      %add3A_179 = arith.addf %add3A_170, %mul3A_178 : vector<16xf32>
      %add3A_180 = arith.constant 1 : i32
      %add3A_181 = arith.addi %mul3A_59, %add3A_180 : i32
      %get3A_182 = arith.index_cast %add3A_181 : i32 to index
      %get3A_183 = arith.constant 64 : index
      %get3A_184 = tpu.vector_load %arg6[%get3A_182, %get3A_183] {strides = array<i32>} : memref<256x128xf32, #tpu.memory_space<vmem>>, vector<1x16xf32>,
      %get3A_185 = vector.shape_cast %get3A_184 : vector<1x16xf32> to vector<16xf32>
      %sub3A_186 = arith.subf %get3A_185, %get3A_18 : vector<16xf32>
      %mul3A_187 = arith.mulf %sub3A_186, %sub3A_186 : vector<16xf32>
      %add3A_188 = arith.addf %add3A_179, %mul3A_187 : vector<16xf32>
      %add3A_189 = arith.constant 1 : i32
      %add3A_190 = arith.addi %mul3A_59, %add3A_189 : i32
      %get3A_191 = arith.index_cast %add3A_190 : i32 to index
      %get3A_192 = arith.constant 80 : index
      %get3A_193 = tpu.vector_load %arg6[%get3A_191, %get3A_192] {strides = array<i32>} : memref<256x128xf32, #tpu.memory_space<vmem>>, vector<1x16xf32>,
      %get3A_194 = vector.shape_cast %get3A_193 : vector<1x16xf32> to vector<16xf32>
      %sub3A_195 = arith.subf %get3A_194, %get3A_21 : vector<16xf32>
      %mul3A_196 = arith.mulf %sub3A_195, %sub3A_195 : vector<16xf32>
      %add3A_197 = arith.addf %add3A_188, %mul3A_196 : vector<16xf32>
      %add3A_198 = arith.constant 1 : i32
      %add3A_199 = arith.addi %mul3A_59, %add3A_198 : i32
      %get3A_200 = arith.index_cast %add3A_199 : i32 to index
      %get3A_201 = arith.constant 96 : index
      %get3A_202 = tpu.vector_load %arg6[%get3A_200, %get3A_201] {strides = array<i32>} : memref<256x128xf32, #tpu.memory_space<vmem>>, vector<1x16xf32>,
      %get3A_203 = vector.shape_cast %get3A_202 : vector<1x16xf32> to vector<16xf32>
      %sub3A_204 = arith.subf %get3A_203, %get3A_24 : vector<16xf32>
      %mul3A_205 = arith.mulf %sub3A_204, %sub3A_204 : vector<16xf32>
      %add3A_206 = arith.addf %add3A_197, %mul3A_205 : vector<16xf32>
      %add3A_207 = arith.constant 1 : i32
      %add3A_208 = arith.addi %mul3A_59, %add3A_207 : i32
      %get3A_209 = arith.index_cast %add3A_208 : i32 to index
      %get3A_210 = arith.constant 112 : index
      %get3A_211 = tpu.vector_load %arg6[%get3A_209, %get3A_210] {strides = array<i32>} : memref<256x128xf32, #tpu.memory_space<vmem>>, vector<1x16xf32>,
      %get3A_212 = vector.shape_cast %get3A_211 : vector<1x16xf32> to vector<16xf32>
      %sub3A_213 = arith.subf %get3A_212, %get3A_27 : vector<16xf32>
      %mul3A_214 = arith.mulf %sub3A_213, %sub3A_213 : vector<16xf32>
      %add3A_215 = arith.addf %add3A_206, %mul3A_214 : vector<16xf32>
      %eq3A_216 = arith.constant 1 : i32
      %eq3A_217 = vector.broadcast %eq3A_216 : i32 to vector<16xi32>
      %eq3A_218 = arith.cmpi eq, %iota3A, %eq3A_217 : vector<16xi32>
      %gather3A_219 = vector.shape_cast %broadcast_in_dim3A : vector<16x1xi32> to vector<16xi32>
      %gather3A_220 = tpu.dynamic_gather %add3A_215[%gather3A_219] in [0] : vector<16xf32>, vector<16xi32> -> vector<16xf32>
      %add3A_221 = arith.addf %add3A_215, %gather3A_220 : vector<16xf32>
      %gather3A_222 = vector.shape_cast %broadcast_in_dim3A_33 : vector<16x1xi32> to vector<16xi32>
      %gather3A_223 = tpu.dynamic_gather %add3A_221[%gather3A_222] in [0] : vector<16xf32>, vector<16xi32> -> vector<16xf32>
      %add3A_224 = arith.addf %add3A_221, %gather3A_223 : vector<16xf32>
      %gather3A_225 = vector.shape_cast %broadcast_in_dim3A_37 : vector<16x1xi32> to vector<16xi32>
      %gather3A_226 = tpu.dynamic_gather %add3A_224[%gather3A_225] in [0] : vector<16xf32>, vector<16xi32> -> vector<16xf32>
      %add3A_227 = arith.addf %add3A_224, %gather3A_226 : vector<16xf32>
      %gather3A_228 = vector.shape_cast %broadcast_in_dim3A_41 : vector<16x1xi32> to vector<16xi32>
      %gather3A_229 = tpu.dynamic_gather %add3A_227[%gather3A_228] in [0] : vector<16xf32>, vector<16xi32> -> vector<16xf32>
      %add3A_230 = arith.addf %add3A_227, %gather3A_229 : vector<16xf32>
      %select_n3A_231 = arith.select %eq3A_218, %add3A_230, %select_n3A : vector<16xi1>, vector<16xf32>
      %add3A_232 = arith.constant 2 : i32
      %add3A_233 = arith.addi %mul3A_59, %add3A_232 : i32
      %get3A_234 = arith.index_cast %add3A_233 : i32 to index
      %get3A_235 = arith.constant 0 : index
      %get3A_236 = tpu.vector_load %arg6[%get3A_234, %get3A_235] {strides = array<i32>} : memref<256x128xf32, #tpu.memory_space<vmem>>, vector<1x16xf32>,
      %get3A_237 = vector.shape_cast %get3A_236 : vector<1x16xf32> to vector<16xf32>
      %sub3A_238 = arith.subf %get3A_237, %get3A_6 : vector<16xf32>
      %mul3A_239 = arith.mulf %sub3A_238, %sub3A_238 : vector<16xf32>
      %add3A_240 = arith.constant 2 : i32
      %add3A_241 = arith.addi %mul3A_59, %add3A_240 : i32
      %get3A_242 = arith.index_cast %add3A_241 : i32 to index
      %get3A_243 = arith.constant 16 : index
      %get3A_244 = tpu.vector_load %arg6[%get3A_242, %get3A_243] {strides = array<i32>} : memref<256x128xf32, #tpu.memory_space<vmem>>, vector<1x16xf32>,
      %get3A_245 = vector.shape_cast %get3A_244 : vector<1x16xf32> to vector<16xf32>
      %sub3A_246 = arith.subf %get3A_245, %get3A_9 : vector<16xf32>
      %mul3A_247 = arith.mulf %sub3A_246, %sub3A_246 : vector<16xf32>
      %add3A_248 = arith.addf %mul3A_239, %mul3A_247 : vector<16xf32>
      %add3A_249 = arith.constant 2 : i32
      %add3A_250 = arith.addi %mul3A_59, %add3A_249 : i32
      %get3A_251 = arith.index_cast %add3A_250 : i32 to index
      %get3A_252 = arith.constant 32 : index
      %get3A_253 = tpu.vector_load %arg6[%get3A_251, %get3A_252] {strides = array<i32>} : memref<256x128xf32, #tpu.memory_space<vmem>>, vector<1x16xf32>,
      %get3A_254 = vector.shape_cast %get3A_253 : vector<1x16xf32> to vector<16xf32>
      %sub3A_255 = arith.subf %get3A_254, %get3A_12 : vector<16xf32>
      %mul3A_256 = arith.mulf %sub3A_255, %sub3A_255 : vector<16xf32>
      %add3A_257 = arith.addf %add3A_248, %mul3A_256 : vector<16xf32>
      %add3A_258 = arith.constant 2 : i32
      %add3A_259 = arith.addi %mul3A_59, %add3A_258 : i32
      %get3A_260 = arith.index_cast %add3A_259 : i32 to index
      %get3A_261 = arith.constant 48 : index
      %get3A_262 = tpu.vector_load %arg6[%get3A_260, %get3A_261] {strides = array<i32>} : memref<256x128xf32, #tpu.memory_space<vmem>>, vector<1x16xf32>,
      %get3A_263 = vector.shape_cast %get3A_262 : vector<1x16xf32> to vector<16xf32>
      %sub3A_264 = arith.subf %get3A_263, %get3A_15 : vector<16xf32>
      %mul3A_265 = arith.mulf %sub3A_264, %sub3A_264 : vector<16xf32>
      %add3A_266 = arith.addf %add3A_257, %mul3A_265 : vector<16xf32>
      %add3A_267 = arith.constant 2 : i32
      %add3A_268 = arith.addi %mul3A_59, %add3A_267 : i32
      %get3A_269 = arith.index_cast %add3A_268 : i32 to index
      %get3A_270 = arith.constant 64 : index
      %get3A_271 = tpu.vector_load %arg6[%get3A_269, %get3A_270] {strides = array<i32>} : memref<256x128xf32, #tpu.memory_space<vmem>>, vector<1x16xf32>,
      %get3A_272 = vector.shape_cast %get3A_271 : vector<1x16xf32> to vector<16xf32>
      %sub3A_273 = arith.subf %get3A_272, %get3A_18 : vector<16xf32>
      %mul3A_274 = arith.mulf %sub3A_273, %sub3A_273 : vector<16xf32>
      %add3A_275 = arith.addf %add3A_266, %mul3A_274 : vector<16xf32>
      %add3A_276 = arith.constant 2 : i32
      %add3A_277 = arith.addi %mul3A_59, %add3A_276 : i32
      %get3A_278 = arith.index_cast %add3A_277 : i32 to index
      %get3A_279 = arith.constant 80 : index
      %get3A_280 = tpu.vector_load %arg6[%get3A_278, %get3A_279] {strides = array<i32>} : memref<256x128xf32, #tpu.memory_space<vmem>>, vector<1x16xf32>,
      %get3A_281 = vector.shape_cast %get3A_280 : vector<1x16xf32> to vector<16xf32>
      %sub3A_282 = arith.subf %get3A_281, %get3A_21 : vector<16xf32>
      %mul3A_283 = arith.mulf %sub3A_282, %sub3A_282 : vector<16xf32>
      %add3A_284 = arith.addf %add3A_275, %mul3A_283 : vector<16xf32>
      %add3A_285 = arith.constant 2 : i32
      %add3A_286 = arith.addi %mul3A_59, %add3A_285 : i32
      %get3A_287 = arith.index_cast %add3A_286 : i32 to index
      %get3A_288 = arith.constant 96 : index
      %get3A_289 = tpu.vector_load %arg6[%get3A_287, %get3A_288] {strides = array<i32>} : memref<256x128xf32, #tpu.memory_space<vmem>>, vector<1x16xf32>,
      %get3A_290 = vector.shape_cast %get3A_289 : vector<1x16xf32> to vector<16xf32>
      %sub3A_291 = arith.subf %get3A_290, %get3A_24 : vector<16xf32>
      %mul3A_292 = arith.mulf %sub3A_291, %sub3A_291 : vector<16xf32>
      %add3A_293 = arith.addf %add3A_284, %mul3A_292 : vector<16xf32>
      %add3A_294 = arith.constant 2 : i32
      %add3A_295 = arith.addi %mul3A_59, %add3A_294 : i32
      %get3A_296 = arith.index_cast %add3A_295 : i32 to index
      %get3A_297 = arith.constant 112 : index
      %get3A_298 = tpu.vector_load %arg6[%get3A_296, %get3A_297] {strides = array<i32>} : memref<256x128xf32, #tpu.memory_space<vmem>>, vector<1x16xf32>,
      %get3A_299 = vector.shape_cast %get3A_298 : vector<1x16xf32> to vector<16xf32>
      %sub3A_300 = arith.subf %get3A_299, %get3A_27 : vector<16xf32>
      %mul3A_301 = arith.mulf %sub3A_300, %sub3A_300 : vector<16xf32>
      %add3A_302 = arith.addf %add3A_293, %mul3A_301 : vector<16xf32>
      %eq3A_303 = arith.constant 2 : i32
      %eq3A_304 = vector.broadcast %eq3A_303 : i32 to vector<16xi32>
      %eq3A_305 = arith.cmpi eq, %iota3A, %eq3A_304 : vector<16xi32>
      %gather3A_306 = vector.shape_cast %broadcast_in_dim3A : vector<16x1xi32> to vector<16xi32>
      %gather3A_307 = tpu.dynamic_gather %add3A_302[%gather3A_306] in [0] : vector<16xf32>, vector<16xi32> -> vector<16xf32>
      %add3A_308 = arith.addf %add3A_302, %gather3A_307 : vector<16xf32>
      %gather3A_309 = vector.shape_cast %broadcast_in_dim3A_33 : vector<16x1xi32> to vector<16xi32>
      %gather3A_310 = tpu.dynamic_gather %add3A_308[%gather3A_309] in [0] : vector<16xf32>, vector<16xi32> -> vector<16xf32>
      %add3A_311 = arith.addf %add3A_308, %gather3A_310 : vector<16xf32>
      %gather3A_312 = vector.shape_cast %broadcast_in_dim3A_37 : vector<16x1xi32> to vector<16xi32>
      %gather3A_313 = tpu.dynamic_gather %add3A_311[%gather3A_312] in [0] : vector<16xf32>, vector<16xi32> -> vector<16xf32>
      %add3A_314 = arith.addf %add3A_311, %gather3A_313 : vector<16xf32>
      %gather3A_315 = vector.shape_cast %broadcast_in_dim3A_41 : vector<16x1xi32> to vector<16xi32>
      %gather3A_316 = tpu.dynamic_gather %add3A_314[%gather3A_315] in [0] : vector<16xf32>, vector<16xi32> -> vector<16xf32>
      %add3A_317 = arith.addf %add3A_314, %gather3A_316 : vector<16xf32>
      %select_n3A_318 = arith.select %eq3A_305, %add3A_317, %select_n3A_231 : vector<16xi1>, vector<16xf32>
      %add3A_319 = arith.constant 3 : i32
      %add3A_320 = arith.addi %mul3A_59, %add3A_319 : i32
      %get3A_321 = arith.index_cast %add3A_320 : i32 to index
      %get3A_322 = arith.constant 0 : index
      %get3A_323 = tpu.vector_load %arg6[%get3A_321, %get3A_322] {strides = array<i32>} : memref<256x128xf32, #tpu.memory_space<vmem>>, vector<1x16xf32>,
      %get3A_324 = vector.shape_cast %get3A_323 : vector<1x16xf32> to vector<16xf32>
      %sub3A_325 = arith.subf %get3A_324, %get3A_6 : vector<16xf32>
      %mul3A_326 = arith.mulf %sub3A_325, %sub3A_325 : vector<16xf32>
      %add3A_327 = arith.constant 3 : i32
      %add3A_328 = arith.addi %mul3A_59, %add3A_327 : i32
      %get3A_329 = arith.index_cast %add3A_328 : i32 to index
      %get3A_330 = arith.constant 16 : index
      %get3A_331 = tpu.vector_load %arg6[%get3A_329, %get3A_330] {strides = array<i32>} : memref<256x128xf32, #tpu.memory_space<vmem>>, vector<1x16xf32>,
      %get3A_332 = vector.shape_cast %get3A_331 : vector<1x16xf32> to vector<16xf32>
      %sub3A_333 = arith.subf %get3A_332, %get3A_9 : vector<16xf32>
      %mul3A_334 = arith.mulf %sub3A_333, %sub3A_333 : vector<16xf32>
      %add3A_335 = arith.addf %mul3A_326, %mul3A_334 : vector<16xf32>
      %add3A_336 = arith.constant 3 : i32
      %add3A_337 = arith.addi %mul3A_59, %add3A_336 : i32
      %get3A_338 = arith.index_cast %add3A_337 : i32 to index
      %get3A_339 = arith.constant 32 : index
      %get3A_340 = tpu.vector_load %arg6[%get3A_338, %get3A_339] {strides = array<i32>} : memref<256x128xf32, #tpu.memory_space<vmem>>, vector<1x16xf32>,
      %get3A_341 = vector.shape_cast %get3A_340 : vector<1x16xf32> to vector<16xf32>
      %sub3A_342 = arith.subf %get3A_341, %get3A_12 : vector<16xf32>
      %mul3A_343 = arith.mulf %sub3A_342, %sub3A_342 : vector<16xf32>
      %add3A_344 = arith.addf %add3A_335, %mul3A_343 : vector<16xf32>
      %add3A_345 = arith.constant 3 : i32
      %add3A_346 = arith.addi %mul3A_59, %add3A_345 : i32
      %get3A_347 = arith.index_cast %add3A_346 : i32 to index
      %get3A_348 = arith.constant 48 : index
      %get3A_349 = tpu.vector_load %arg6[%get3A_347, %get3A_348] {strides = array<i32>} : memref<256x128xf32, #tpu.memory_space<vmem>>, vector<1x16xf32>,
      %get3A_350 = vector.shape_cast %get3A_349 : vector<1x16xf32> to vector<16xf32>
      %sub3A_351 = arith.subf %get3A_350, %get3A_15 : vector<16xf32>
      %mul3A_352 = arith.mulf %sub3A_351, %sub3A_351 : vector<16xf32>
      %add3A_353 = arith.addf %add3A_344, %mul3A_352 : vector<16xf32>
      %add3A_354 = arith.constant 3 : i32
      %add3A_355 = arith.addi %mul3A_59, %add3A_354 : i32
      %get3A_356 = arith.index_cast %add3A_355 : i32 to index
      %get3A_357 = arith.constant 64 : index
      %get3A_358 = tpu.vector_load %arg6[%get3A_356, %get3A_357] {strides = array<i32>} : memref<256x128xf32, #tpu.memory_space<vmem>>, vector<1x16xf32>,
      %get3A_359 = vector.shape_cast %get3A_358 : vector<1x16xf32> to vector<16xf32>
      %sub3A_360 = arith.subf %get3A_359, %get3A_18 : vector<16xf32>
      %mul3A_361 = arith.mulf %sub3A_360, %sub3A_360 : vector<16xf32>
      %add3A_362 = arith.addf %add3A_353, %mul3A_361 : vector<16xf32>
      %add3A_363 = arith.constant 3 : i32
      %add3A_364 = arith.addi %mul3A_59, %add3A_363 : i32
      %get3A_365 = arith.index_cast %add3A_364 : i32 to index
      %get3A_366 = arith.constant 80 : index
      %get3A_367 = tpu.vector_load %arg6[%get3A_365, %get3A_366] {strides = array<i32>} : memref<256x128xf32, #tpu.memory_space<vmem>>, vector<1x16xf32>,
      %get3A_368 = vector.shape_cast %get3A_367 : vector<1x16xf32> to vector<16xf32>
      %sub3A_369 = arith.subf %get3A_368, %get3A_21 : vector<16xf32>
      %mul3A_370 = arith.mulf %sub3A_369, %sub3A_369 : vector<16xf32>
      %add3A_371 = arith.addf %add3A_362, %mul3A_370 : vector<16xf32>
      %add3A_372 = arith.constant 3 : i32
      %add3A_373 = arith.addi %mul3A_59, %add3A_372 : i32
      %get3A_374 = arith.index_cast %add3A_373 : i32 to index
      %get3A_375 = arith.constant 96 : index
      %get3A_376 = tpu.vector_load %arg6[%get3A_374, %get3A_375] {strides = array<i32>} : memref<256x128xf32, #tpu.memory_space<vmem>>, vector<1x16xf32>,
      %get3A_377 = vector.shape_cast %get3A_376 : vector<1x16xf32> to vector<16xf32>
      %sub3A_378 = arith.subf %get3A_377, %get3A_24 : vector<16xf32>
      %mul3A_379 = arith.mulf %sub3A_378, %sub3A_378 : vector<16xf32>
      %add3A_380 = arith.addf %add3A_371, %mul3A_379 : vector<16xf32>
      %add3A_381 = arith.constant 3 : i32
      %add3A_382 = arith.addi %mul3A_59, %add3A_381 : i32
      %get3A_383 = arith.index_cast %add3A_382 : i32 to index
      %get3A_384 = arith.constant 112 : index
      %get3A_385 = tpu.vector_load %arg6[%get3A_383, %get3A_384] {strides = array<i32>} : memref<256x128xf32, #tpu.memory_space<vmem>>, vector<1x16xf32>,
      %get3A_386 = vector.shape_cast %get3A_385 : vector<1x16xf32> to vector<16xf32>
      %sub3A_387 = arith.subf %get3A_386, %get3A_27 : vector<16xf32>
      %mul3A_388 = arith.mulf %sub3A_387, %sub3A_387 : vector<16xf32>
      %add3A_389 = arith.addf %add3A_380, %mul3A_388 : vector<16xf32>
      %eq3A_390 = arith.constant 3 : i32
      %eq3A_391 = vector.broadcast %eq3A_390 : i32 to vector<16xi32>
      %eq3A_392 = arith.cmpi eq, %iota3A, %eq3A_391 : vector<16xi32>
      %gather3A_393 = vector.shape_cast %broadcast_in_dim3A : vector<16x1xi32> to vector<16xi32>
      %gather3A_394 = tpu.dynamic_gather %add3A_389[%gather3A_393] in [0] : vector<16xf32>, vector<16xi32> -> vector<16xf32>
      %add3A_395 = arith.addf %add3A_389, %gather3A_394 : vector<16xf32>
      %gather3A_396 = vector.shape_cast %broadcast_in_dim3A_33 : vector<16x1xi32> to vector<16xi32>
      %gather3A_397 = tpu.dynamic_gather %add3A_395[%gather3A_396] in [0] : vector<16xf32>, vector<16xi32> -> vector<16xf32>
      %add3A_398 = arith.addf %add3A_395, %gather3A_397 : vector<16xf32>
      %gather3A_399 = vector.shape_cast %broadcast_in_dim3A_37 : vector<16x1xi32> to vector<16xi32>
      %gather3A_400 = tpu.dynamic_gather %add3A_398[%gather3A_399] in [0] : vector<16xf32>, vector<16xi32> -> vector<16xf32>
      %add3A_401 = arith.addf %add3A_398, %gather3A_400 : vector<16xf32>
      %gather3A_402 = vector.shape_cast %broadcast_in_dim3A_41 : vector<16x1xi32> to vector<16xi32>
      %gather3A_403 = tpu.dynamic_gather %add3A_401[%gather3A_402] in [0] : vector<16xf32>, vector<16xi32> -> vector<16xf32>
      %add3A_404 = arith.addf %add3A_401, %gather3A_403 : vector<16xf32>
      %select_n3A_405 = arith.select %eq3A_392, %add3A_404, %select_n3A_318 : vector<16xi1>, vector<16xf32>
      %add3A_406 = arith.constant 4 : i32
      %add3A_407 = arith.addi %mul3A_59, %add3A_406 : i32
      %get3A_408 = arith.index_cast %add3A_407 : i32 to index
      %get3A_409 = arith.constant 0 : index
      %get3A_410 = tpu.vector_load %arg6[%get3A_408, %get3A_409] {strides = array<i32>} : memref<256x128xf32, #tpu.memory_space<vmem>>, vector<1x16xf32>,
      %get3A_411 = vector.shape_cast %get3A_410 : vector<1x16xf32> to vector<16xf32>
      %sub3A_412 = arith.subf %get3A_411, %get3A_6 : vector<16xf32>
      %mul3A_413 = arith.mulf %sub3A_412, %sub3A_412 : vector<16xf32>
      %add3A_414 = arith.constant 4 : i32
      %add3A_415 = arith.addi %mul3A_59, %add3A_414 : i32
      %get3A_416 = arith.index_cast %add3A_415 : i32 to index
      %get3A_417 = arith.constant 16 : index
      %get3A_418 = tpu.vector_load %arg6[%get3A_416, %get3A_417] {strides = array<i32>} : memref<256x128xf32, #tpu.memory_space<vmem>>, vector<1x16xf32>,
      %get3A_419 = vector.shape_cast %get3A_418 : vector<1x16xf32> to vector<16xf32>
      %sub3A_420 = arith.subf %get3A_419, %get3A_9 : vector<16xf32>
      %mul3A_421 = arith.mulf %sub3A_420, %sub3A_420 : vector<16xf32>
      %add3A_422 = arith.addf %mul3A_413, %mul3A_421 : vector<16xf32>
      %add3A_423 = arith.constant 4 : i32
      %add3A_424 = arith.addi %mul3A_59, %add3A_423 : i32
      %get3A_425 = arith.index_cast %add3A_424 : i32 to index
      %get3A_426 = arith.constant 32 : index
      %get3A_427 = tpu.vector_load %arg6[%get3A_425, %get3A_426] {strides = array<i32>} : memref<256x128xf32, #tpu.memory_space<vmem>>, vector<1x16xf32>,
      %get3A_428 = vector.shape_cast %get3A_427 : vector<1x16xf32> to vector<16xf32>
      %sub3A_429 = arith.subf %get3A_428, %get3A_12 : vector<16xf32>
      %mul3A_430 = arith.mulf %sub3A_429, %sub3A_429 : vector<16xf32>
      %add3A_431 = arith.addf %add3A_422, %mul3A_430 : vector<16xf32>
      %add3A_432 = arith.constant 4 : i32
      %add3A_433 = arith.addi %mul3A_59, %add3A_432 : i32
      %get3A_434 = arith.index_cast %add3A_433 : i32 to index
      %get3A_435 = arith.constant 48 : index
      %get3A_436 = tpu.vector_load %arg6[%get3A_434, %get3A_435] {strides = array<i32>} : memref<256x128xf32, #tpu.memory_space<vmem>>, vector<1x16xf32>,
      %get3A_437 = vector.shape_cast %get3A_436 : vector<1x16xf32> to vector<16xf32>
      %sub3A_438 = arith.subf %get3A_437, %get3A_15 : vector<16xf32>
      %mul3A_439 = arith.mulf %sub3A_438, %sub3A_438 : vector<16xf32>
      %add3A_440 = arith.addf %add3A_431, %mul3A_439 : vector<16xf32>
      %add3A_441 = arith.constant 4 : i32
      %add3A_442 = arith.addi %mul3A_59, %add3A_441 : i32
      %get3A_443 = arith.index_cast %add3A_442 : i32 to index
      %get3A_444 = arith.constant 64 : index
      %get3A_445 = tpu.vector_load %arg6[%get3A_443, %get3A_444] {strides = array<i32>} : memref<256x128xf32, #tpu.memory_space<vmem>>, vector<1x16xf32>,
      %get3A_446 = vector.shape_cast %get3A_445 : vector<1x16xf32> to vector<16xf32>
      %sub3A_447 = arith.subf %get3A_446, %get3A_18 : vector<16xf32>
      %mul3A_448 = arith.mulf %sub3A_447, %sub3A_447 : vector<16xf32>
      %add3A_449 = arith.addf %add3A_440, %mul3A_448 : vector<16xf32>
      %add3A_450 = arith.constant 4 : i32
      %add3A_451 = arith.addi %mul3A_59, %add3A_450 : i32
      %get3A_452 = arith.index_cast %add3A_451 : i32 to index
      %get3A_453 = arith.constant 80 : index
      %get3A_454 = tpu.vector_load %arg6[%get3A_452, %get3A_453] {strides = array<i32>} : memref<256x128xf32, #tpu.memory_space<vmem>>, vector<1x16xf32>,
      %get3A_455 = vector.shape_cast %get3A_454 : vector<1x16xf32> to vector<16xf32>
      %sub3A_456 = arith.subf %get3A_455, %get3A_21 : vector<16xf32>
      %mul3A_457 = arith.mulf %sub3A_456, %sub3A_456 : vector<16xf32>
      %add3A_458 = arith.addf %add3A_449, %mul3A_457 : vector<16xf32>
      %add3A_459 = arith.constant 4 : i32
      %add3A_460 = arith.addi %mul3A_59, %add3A_459 : i32
      %get3A_461 = arith.index_cast %add3A_460 : i32 to index
      %get3A_462 = arith.constant 96 : index
      %get3A_463 = tpu.vector_load %arg6[%get3A_461, %get3A_462] {strides = array<i32>} : memref<256x128xf32, #tpu.memory_space<vmem>>, vector<1x16xf32>,
      %get3A_464 = vector.shape_cast %get3A_463 : vector<1x16xf32> to vector<16xf32>
      %sub3A_465 = arith.subf %get3A_464, %get3A_24 : vector<16xf32>
      %mul3A_466 = arith.mulf %sub3A_465, %sub3A_465 : vector<16xf32>
      %add3A_467 = arith.addf %add3A_458, %mul3A_466 : vector<16xf32>
      %add3A_468 = arith.constant 4 : i32
      %add3A_469 = arith.addi %mul3A_59, %add3A_468 : i32
      %get3A_470 = arith.index_cast %add3A_469 : i32 to index
      %get3A_471 = arith.constant 112 : index
      %get3A_472 = tpu.vector_load %arg6[%get3A_470, %get3A_471] {strides = array<i32>} : memref<256x128xf32, #tpu.memory_space<vmem>>, vector<1x16xf32>,
      %get3A_473 = vector.shape_cast %get3A_472 : vector<1x16xf32> to vector<16xf32>
      %sub3A_474 = arith.subf %get3A_473, %get3A_27 : vector<16xf32>
      %mul3A_475 = arith.mulf %sub3A_474, %sub3A_474 : vector<16xf32>
      %add3A_476 = arith.addf %add3A_467, %mul3A_475 : vector<16xf32>
      %eq3A_477 = arith.constant 4 : i32
      %eq3A_478 = vector.broadcast %eq3A_477 : i32 to vector<16xi32>
      %eq3A_479 = arith.cmpi eq, %iota3A, %eq3A_478 : vector<16xi32>
      %gather3A_480 = vector.shape_cast %broadcast_in_dim3A : vector<16x1xi32> to vector<16xi32>
      %gather3A_481 = tpu.dynamic_gather %add3A_476[%gather3A_480] in [0] : vector<16xf32>, vector<16xi32> -> vector<16xf32>
      %add3A_482 = arith.addf %add3A_476, %gather3A_481 : vector<16xf32>
      %gather3A_483 = vector.shape_cast %broadcast_in_dim3A_33 : vector<16x1xi32> to vector<16xi32>
      %gather3A_484 = tpu.dynamic_gather %add3A_482[%gather3A_483] in [0] : vector<16xf32>, vector<16xi32> -> vector<16xf32>
      %add3A_485 = arith.addf %add3A_482, %gather3A_484 : vector<16xf32>
      %gather3A_486 = vector.shape_cast %broadcast_in_dim3A_37 : vector<16x1xi32> to vector<16xi32>
      %gather3A_487 = tpu.dynamic_gather %add3A_485[%gather3A_486] in [0] : vector<16xf32>, vector<16xi32> -> vector<16xf32>
      %add3A_488 = arith.addf %add3A_485, %gather3A_487 : vector<16xf32>
      %gather3A_489 = vector.shape_cast %broadcast_in_dim3A_41 : vector<16x1xi32> to vector<16xi32>
      %gather3A_490 = tpu.dynamic_gather %add3A_488[%gather3A_489] in [0] : vector<16xf32>, vector<16xi32> -> vector<16xf32>
      %add3A_491 = arith.addf %add3A_488, %gather3A_490 : vector<16xf32>
      %select_n3A_492 = arith.select %eq3A_479, %add3A_491, %select_n3A_405 : vector<16xi1>, vector<16xf32>
      %add3A_493 = arith.constant 5 : i32
      %add3A_494 = arith.addi %mul3A_59, %add3A_493 : i32
      %get3A_495 = arith.index_cast %add3A_494 : i32 to index
      %get3A_496 = arith.constant 0 : index
      %get3A_497 = tpu.vector_load %arg6[%get3A_495, %get3A_496] {strides = array<i32>} : memref<256x128xf32, #tpu.memory_space<vmem>>, vector<1x16xf32>,
      %get3A_498 = vector.shape_cast %get3A_497 : vector<1x16xf32> to vector<16xf32>
      %sub3A_499 = arith.subf %get3A_498, %get3A_6 : vector<16xf32>
      %mul3A_500 = arith.mulf %sub3A_499, %sub3A_499 : vector<16xf32>
      %add3A_501 = arith.constant 5 : i32
      %add3A_502 = arith.addi %mul3A_59, %add3A_501 : i32
      %get3A_503 = arith.index_cast %add3A_502 : i32 to index
      %get3A_504 = arith.constant 16 : index
      %get3A_505 = tpu.vector_load %arg6[%get3A_503, %get3A_504] {strides = array<i32>} : memref<256x128xf32, #tpu.memory_space<vmem>>, vector<1x16xf32>,
      %get3A_506 = vector.shape_cast %get3A_505 : vector<1x16xf32> to vector<16xf32>
      %sub3A_507 = arith.subf %get3A_506, %get3A_9 : vector<16xf32>
      %mul3A_508 = arith.mulf %sub3A_507, %sub3A_507 : vector<16xf32>
      %add3A_509 = arith.addf %mul3A_500, %mul3A_508 : vector<16xf32>
      %add3A_510 = arith.constant 5 : i32
      %add3A_511 = arith.addi %mul3A_59, %add3A_510 : i32
      %get3A_512 = arith.index_cast %add3A_511 : i32 to index
      %get3A_513 = arith.constant 32 : index
      %get3A_514 = tpu.vector_load %arg6[%get3A_512, %get3A_513] {strides = array<i32>} : memref<256x128xf32, #tpu.memory_space<vmem>>, vector<1x16xf32>,
      %get3A_515 = vector.shape_cast %get3A_514 : vector<1x16xf32> to vector<16xf32>
      %sub3A_516 = arith.subf %get3A_515, %get3A_12 : vector<16xf32>
      %mul3A_517 = arith.mulf %sub3A_516, %sub3A_516 : vector<16xf32>
      %add3A_518 = arith.addf %add3A_509, %mul3A_517 : vector<16xf32>
      %add3A_519 = arith.constant 5 : i32
      %add3A_520 = arith.addi %mul3A_59, %add3A_519 : i32
      %get3A_521 = arith.index_cast %add3A_520 : i32 to index
      %get3A_522 = arith.constant 48 : index
      %get3A_523 = tpu.vector_load %arg6[%get3A_521, %get3A_522] {strides = array<i32>} : memref<256x128xf32, #tpu.memory_space<vmem>>, vector<1x16xf32>,
      %get3A_524 = vector.shape_cast %get3A_523 : vector<1x16xf32> to vector<16xf32>
      %sub3A_525 = arith.subf %get3A_524, %get3A_15 : vector<16xf32>
      %mul3A_526 = arith.mulf %sub3A_525, %sub3A_525 : vector<16xf32>
      %add3A_527 = arith.addf %add3A_518, %mul3A_526 : vector<16xf32>
      %add3A_528 = arith.constant 5 : i32
      %add3A_529 = arith.addi %mul3A_59, %add3A_528 : i32
      %get3A_530 = arith.index_cast %add3A_529 : i32 to index
      %get3A_531 = arith.constant 64 : index
      %get3A_532 = tpu.vector_load %arg6[%get3A_530, %get3A_531] {strides = array<i32>} : memref<256x128xf32, #tpu.memory_space<vmem>>, vector<1x16xf32>,
      %get3A_533 = vector.shape_cast %get3A_532 : vector<1x16xf32> to vector<16xf32>
      %sub3A_534 = arith.subf %get3A_533, %get3A_18 : vector<16xf32>
      %mul3A_535 = arith.mulf %sub3A_534, %sub3A_534 : vector<16xf32>
      %add3A_536 = arith.addf %add3A_527, %mul3A_535 : vector<16xf32>
      %add3A_537 = arith.constant 5 : i32
      %add3A_538 = arith.addi %mul3A_59, %add3A_537 : i32
      %get3A_539 = arith.index_cast %add3A_538 : i32 to index
      %get3A_540 = arith.constant 80 : index
      %get3A_541 = tpu.vector_load %arg6[%get3A_539, %get3A_540] {strides = array<i32>} : memref<256x128xf32, #tpu.memory_space<vmem>>, vector<1x16xf32>,
      %get3A_542 = vector.shape_cast %get3A_541 : vector<1x16xf32> to vector<16xf32>
      %sub3A_543 = arith.subf %get3A_542, %get3A_21 : vector<16xf32>
      %mul3A_544 = arith.mulf %sub3A_543, %sub3A_543 : vector<16xf32>
      %add3A_545 = arith.addf %add3A_536, %mul3A_544 : vector<16xf32>
      %add3A_546 = arith.constant 5 : i32
      %add3A_547 = arith.addi %mul3A_59, %add3A_546 : i32
      %get3A_548 = arith.index_cast %add3A_547 : i32 to index
      %get3A_549 = arith.constant 96 : index
      %get3A_550 = tpu.vector_load %arg6[%get3A_548, %get3A_549] {strides = array<i32>} : memref<256x128xf32, #tpu.memory_space<vmem>>, vector<1x16xf32>,
      %get3A_551 = vector.shape_cast %get3A_550 : vector<1x16xf32> to vector<16xf32>
      %sub3A_552 = arith.subf %get3A_551, %get3A_24 : vector<16xf32>
      %mul3A_553 = arith.mulf %sub3A_552, %sub3A_552 : vector<16xf32>
      %add3A_554 = arith.addf %add3A_545, %mul3A_553 : vector<16xf32>
      %add3A_555 = arith.constant 5 : i32
      %add3A_556 = arith.addi %mul3A_59, %add3A_555 : i32
      %get3A_557 = arith.index_cast %add3A_556 : i32 to index
      %get3A_558 = arith.constant 112 : index
      %get3A_559 = tpu.vector_load %arg6[%get3A_557, %get3A_558] {strides = array<i32>} : memref<256x128xf32, #tpu.memory_space<vmem>>, vector<1x16xf32>,
      %get3A_560 = vector.shape_cast %get3A_559 : vector<1x16xf32> to vector<16xf32>
      %sub3A_561 = arith.subf %get3A_560, %get3A_27 : vector<16xf32>
      %mul3A_562 = arith.mulf %sub3A_561, %sub3A_561 : vector<16xf32>
      %add3A_563 = arith.addf %add3A_554, %mul3A_562 : vector<16xf32>
      %eq3A_564 = arith.constant 5 : i32
      %eq3A_565 = vector.broadcast %eq3A_564 : i32 to vector<16xi32>
      %eq3A_566 = arith.cmpi eq, %iota3A, %eq3A_565 : vector<16xi32>
      %gather3A_567 = vector.shape_cast %broadcast_in_dim3A : vector<16x1xi32> to vector<16xi32>
      %gather3A_568 = tpu.dynamic_gather %add3A_563[%gather3A_567] in [0] : vector<16xf32>, vector<16xi32> -> vector<16xf32>
      %add3A_569 = arith.addf %add3A_563, %gather3A_568 : vector<16xf32>
      %gather3A_570 = vector.shape_cast %broadcast_in_dim3A_33 : vector<16x1xi32> to vector<16xi32>
      %gather3A_571 = tpu.dynamic_gather %add3A_569[%gather3A_570] in [0] : vector<16xf32>, vector<16xi32> -> vector<16xf32>
      %add3A_572 = arith.addf %add3A_569, %gather3A_571 : vector<16xf32>
      %gather3A_573 = vector.shape_cast %broadcast_in_dim3A_37 : vector<16x1xi32> to vector<16xi32>
      %gather3A_574 = tpu.dynamic_gather %add3A_572[%gather3A_573] in [0] : vector<16xf32>, vector<16xi32> -> vector<16xf32>
      %add3A_575 = arith.addf %add3A_572, %gather3A_574 : vector<16xf32>
      %gather3A_576 = vector.shape_cast %broadcast_in_dim3A_41 : vector<16x1xi32> to vector<16xi32>
      %gather3A_577 = tpu.dynamic_gather %add3A_575[%gather3A_576] in [0] : vector<16xf32>, vector<16xi32> -> vector<16xf32>
      %add3A_578 = arith.addf %add3A_575, %gather3A_577 : vector<16xf32>
      %select_n3A_579 = arith.select %eq3A_566, %add3A_578, %select_n3A_492 : vector<16xi1>, vector<16xf32>
      %add3A_580 = arith.constant 6 : i32
      %add3A_581 = arith.addi %mul3A_59, %add3A_580 : i32
      %get3A_582 = arith.index_cast %add3A_581 : i32 to index
      %get3A_583 = arith.constant 0 : index
      %get3A_584 = tpu.vector_load %arg6[%get3A_582, %get3A_583] {strides = array<i32>} : memref<256x128xf32, #tpu.memory_space<vmem>>, vector<1x16xf32>,
      %get3A_585 = vector.shape_cast %get3A_584 : vector<1x16xf32> to vector<16xf32>
      %sub3A_586 = arith.subf %get3A_585, %get3A_6 : vector<16xf32>
      %mul3A_587 = arith.mulf %sub3A_586, %sub3A_586 : vector<16xf32>
      %add3A_588 = arith.constant 6 : i32
      %add3A_589 = arith.addi %mul3A_59, %add3A_588 : i32
      %get3A_590 = arith.index_cast %add3A_589 : i32 to index
      %get3A_591 = arith.constant 16 : index
      %get3A_592 = tpu.vector_load %arg6[%get3A_590, %get3A_591] {strides = array<i32>} : memref<256x128xf32, #tpu.memory_space<vmem>>, vector<1x16xf32>,
      %get3A_593 = vector.shape_cast %get3A_592 : vector<1x16xf32> to vector<16xf32>
      %sub3A_594 = arith.subf %get3A_593, %get3A_9 : vector<16xf32>
      %mul3A_595 = arith.mulf %sub3A_594, %sub3A_594 : vector<16xf32>
      %add3A_596 = arith.addf %mul3A_587, %mul3A_595 : vector<16xf32>
      %add3A_597 = arith.constant 6 : i32
      %add3A_598 = arith.addi %mul3A_59, %add3A_597 : i32
      %get3A_599 = arith.index_cast %add3A_598 : i32 to index
      %get3A_600 = arith.constant 32 : index
      %get3A_601 = tpu.vector_load %arg6[%get3A_599, %get3A_600] {strides = array<i32>} : memref<256x128xf32, #tpu.memory_space<vmem>>, vector<1x16xf32>,
      %get3A_602 = vector.shape_cast %get3A_601 : vector<1x16xf32> to vector<16xf32>
      %sub3A_603 = arith.subf %get3A_602, %get3A_12 : vector<16xf32>
      %mul3A_604 = arith.mulf %sub3A_603, %sub3A_603 : vector<16xf32>
      %add3A_605 = arith.addf %add3A_596, %mul3A_604 : vector<16xf32>
      %add3A_606 = arith.constant 6 : i32
      %add3A_607 = arith.addi %mul3A_59, %add3A_606 : i32
      %get3A_608 = arith.index_cast %add3A_607 : i32 to index
      %get3A_609 = arith.constant 48 : index
      %get3A_610 = tpu.vector_load %arg6[%get3A_608, %get3A_609] {strides = array<i32>} : memref<256x128xf32, #tpu.memory_space<vmem>>, vector<1x16xf32>,
      %get3A_611 = vector.shape_cast %get3A_610 : vector<1x16xf32> to vector<16xf32>
      %sub3A_612 = arith.subf %get3A_611, %get3A_15 : vector<16xf32>
      %mul3A_613 = arith.mulf %sub3A_612, %sub3A_612 : vector<16xf32>
      %add3A_614 = arith.addf %add3A_605, %mul3A_613 : vector<16xf32>
      %add3A_615 = arith.constant 6 : i32
      %add3A_616 = arith.addi %mul3A_59, %add3A_615 : i32
      %get3A_617 = arith.index_cast %add3A_616 : i32 to index
      %get3A_618 = arith.constant 64 : index
      %get3A_619 = tpu.vector_load %arg6[%get3A_617, %get3A_618] {strides = array<i32>} : memref<256x128xf32, #tpu.memory_space<vmem>>, vector<1x16xf32>,
      %get3A_620 = vector.shape_cast %get3A_619 : vector<1x16xf32> to vector<16xf32>
      %sub3A_621 = arith.subf %get3A_620, %get3A_18 : vector<16xf32>
      %mul3A_622 = arith.mulf %sub3A_621, %sub3A_621 : vector<16xf32>
      %add3A_623 = arith.addf %add3A_614, %mul3A_622 : vector<16xf32>
      %add3A_624 = arith.constant 6 : i32
      %add3A_625 = arith.addi %mul3A_59, %add3A_624 : i32
      %get3A_626 = arith.index_cast %add3A_625 : i32 to index
      %get3A_627 = arith.constant 80 : index
      %get3A_628 = tpu.vector_load %arg6[%get3A_626, %get3A_627] {strides = array<i32>} : memref<256x128xf32, #tpu.memory_space<vmem>>, vector<1x16xf32>,
      %get3A_629 = vector.shape_cast %get3A_628 : vector<1x16xf32> to vector<16xf32>
      %sub3A_630 = arith.subf %get3A_629, %get3A_21 : vector<16xf32>
      %mul3A_631 = arith.mulf %sub3A_630, %sub3A_630 : vector<16xf32>
      %add3A_632 = arith.addf %add3A_623, %mul3A_631 : vector<16xf32>
      %add3A_633 = arith.constant 6 : i32
      %add3A_634 = arith.addi %mul3A_59, %add3A_633 : i32
      %get3A_635 = arith.index_cast %add3A_634 : i32 to index
      %get3A_636 = arith.constant 96 : index
      %get3A_637 = tpu.vector_load %arg6[%get3A_635, %get3A_636] {strides = array<i32>} : memref<256x128xf32, #tpu.memory_space<vmem>>, vector<1x16xf32>,
      %get3A_638 = vector.shape_cast %get3A_637 : vector<1x16xf32> to vector<16xf32>
      %sub3A_639 = arith.subf %get3A_638, %get3A_24 : vector<16xf32>
      %mul3A_640 = arith.mulf %sub3A_639, %sub3A_639 : vector<16xf32>
      %add3A_641 = arith.addf %add3A_632, %mul3A_640 : vector<16xf32>
      %add3A_642 = arith.constant 6 : i32
      %add3A_643 = arith.addi %mul3A_59, %add3A_642 : i32
      %get3A_644 = arith.index_cast %add3A_643 : i32 to index
      %get3A_645 = arith.constant 112 : index
      %get3A_646 = tpu.vector_load %arg6[%get3A_644, %get3A_645] {strides = array<i32>} : memref<256x128xf32, #tpu.memory_space<vmem>>, vector<1x16xf32>,
      %get3A_647 = vector.shape_cast %get3A_646 : vector<1x16xf32> to vector<16xf32>
      %sub3A_648 = arith.subf %get3A_647, %get3A_27 : vector<16xf32>
      %mul3A_649 = arith.mulf %sub3A_648, %sub3A_648 : vector<16xf32>
      %add3A_650 = arith.addf %add3A_641, %mul3A_649 : vector<16xf32>
      %eq3A_651 = arith.constant 6 : i32
      %eq3A_652 = vector.broadcast %eq3A_651 : i32 to vector<16xi32>
      %eq3A_653 = arith.cmpi eq, %iota3A, %eq3A_652 : vector<16xi32>
      %gather3A_654 = vector.shape_cast %broadcast_in_dim3A : vector<16x1xi32> to vector<16xi32>
      %gather3A_655 = tpu.dynamic_gather %add3A_650[%gather3A_654] in [0] : vector<16xf32>, vector<16xi32> -> vector<16xf32>
      %add3A_656 = arith.addf %add3A_650, %gather3A_655 : vector<16xf32>
      %gather3A_657 = vector.shape_cast %broadcast_in_dim3A_33 : vector<16x1xi32> to vector<16xi32>
      %gather3A_658 = tpu.dynamic_gather %add3A_656[%gather3A_657] in [0] : vector<16xf32>, vector<16xi32> -> vector<16xf32>
      %add3A_659 = arith.addf %add3A_656, %gather3A_658 : vector<16xf32>
      %gather3A_660 = vector.shape_cast %broadcast_in_dim3A_37 : vector<16x1xi32> to vector<16xi32>
      %gather3A_661 = tpu.dynamic_gather %add3A_659[%gather3A_660] in [0] : vector<16xf32>, vector<16xi32> -> vector<16xf32>
      %add3A_662 = arith.addf %add3A_659, %gather3A_661 : vector<16xf32>
      %gather3A_663 = vector.shape_cast %broadcast_in_dim3A_41 : vector<16x1xi32> to vector<16xi32>
      %gather3A_664 = tpu.dynamic_gather %add3A_662[%gather3A_663] in [0] : vector<16xf32>, vector<16xi32> -> vector<16xf32>
      %add3A_665 = arith.addf %add3A_662, %gather3A_664 : vector<16xf32>
      %select_n3A_666 = arith.select %eq3A_653, %add3A_665, %select_n3A_579 : vector<16xi1>, vector<16xf32>
      %add3A_667 = arith.constant 7 : i32
      %add3A_668 = arith.addi %mul3A_59, %add3A_667 : i32
      %get3A_669 = arith.index_cast %add3A_668 : i32 to index
      %get3A_670 = arith.constant 0 : index
      %get3A_671 = tpu.vector_load %arg6[%get3A_669, %get3A_670] {strides = array<i32>} : memref<256x128xf32, #tpu.memory_space<vmem>>, vector<1x16xf32>,
      %get3A_672 = vector.shape_cast %get3A_671 : vector<1x16xf32> to vector<16xf32>
      %sub3A_673 = arith.subf %get3A_672, %get3A_6 : vector<16xf32>
      %mul3A_674 = arith.mulf %sub3A_673, %sub3A_673 : vector<16xf32>
      %add3A_675 = arith.constant 7 : i32
      %add3A_676 = arith.addi %mul3A_59, %add3A_675 : i32
      %get3A_677 = arith.index_cast %add3A_676 : i32 to index
      %get3A_678 = arith.constant 16 : index
      %get3A_679 = tpu.vector_load %arg6[%get3A_677, %get3A_678] {strides = array<i32>} : memref<256x128xf32, #tpu.memory_space<vmem>>, vector<1x16xf32>,
      %get3A_680 = vector.shape_cast %get3A_679 : vector<1x16xf32> to vector<16xf32>
      %sub3A_681 = arith.subf %get3A_680, %get3A_9 : vector<16xf32>
      %mul3A_682 = arith.mulf %sub3A_681, %sub3A_681 : vector<16xf32>
      %add3A_683 = arith.addf %mul3A_674, %mul3A_682 : vector<16xf32>
      %add3A_684 = arith.constant 7 : i32
      %add3A_685 = arith.addi %mul3A_59, %add3A_684 : i32
      %get3A_686 = arith.index_cast %add3A_685 : i32 to index
      %get3A_687 = arith.constant 32 : index
      %get3A_688 = tpu.vector_load %arg6[%get3A_686, %get3A_687] {strides = array<i32>} : memref<256x128xf32, #tpu.memory_space<vmem>>, vector<1x16xf32>,
      %get3A_689 = vector.shape_cast %get3A_688 : vector<1x16xf32> to vector<16xf32>
      %sub3A_690 = arith.subf %get3A_689, %get3A_12 : vector<16xf32>
      %mul3A_691 = arith.mulf %sub3A_690, %sub3A_690 : vector<16xf32>
      %add3A_692 = arith.addf %add3A_683, %mul3A_691 : vector<16xf32>
      %add3A_693 = arith.constant 7 : i32
      %add3A_694 = arith.addi %mul3A_59, %add3A_693 : i32
      %get3A_695 = arith.index_cast %add3A_694 : i32 to index
      %get3A_696 = arith.constant 48 : index
      %get3A_697 = tpu.vector_load %arg6[%get3A_695, %get3A_696] {strides = array<i32>} : memref<256x128xf32, #tpu.memory_space<vmem>>, vector<1x16xf32>,
      %get3A_698 = vector.shape_cast %get3A_697 : vector<1x16xf32> to vector<16xf32>
      %sub3A_699 = arith.subf %get3A_698, %get3A_15 : vector<16xf32>
      %mul3A_700 = arith.mulf %sub3A_699, %sub3A_699 : vector<16xf32>
      %add3A_701 = arith.addf %add3A_692, %mul3A_700 : vector<16xf32>
      %add3A_702 = arith.constant 7 : i32
      %add3A_703 = arith.addi %mul3A_59, %add3A_702 : i32
      %get3A_704 = arith.index_cast %add3A_703 : i32 to index
      %get3A_705 = arith.constant 64 : index
      %get3A_706 = tpu.vector_load %arg6[%get3A_704, %get3A_705] {strides = array<i32>} : memref<256x128xf32, #tpu.memory_space<vmem>>, vector<1x16xf32>,
      %get3A_707 = vector.shape_cast %get3A_706 : vector<1x16xf32> to vector<16xf32>
      %sub3A_708 = arith.subf %get3A_707, %get3A_18 : vector<16xf32>
      %mul3A_709 = arith.mulf %sub3A_708, %sub3A_708 : vector<16xf32>
      %add3A_710 = arith.addf %add3A_701, %mul3A_709 : vector<16xf32>
      %add3A_711 = arith.constant 7 : i32
      %add3A_712 = arith.addi %mul3A_59, %add3A_711 : i32
      %get3A_713 = arith.index_cast %add3A_712 : i32 to index
      %get3A_714 = arith.constant 80 : index
      %get3A_715 = tpu.vector_load %arg6[%get3A_713, %get3A_714] {strides = array<i32>} : memref<256x128xf32, #tpu.memory_space<vmem>>, vector<1x16xf32>,
      %get3A_716 = vector.shape_cast %get3A_715 : vector<1x16xf32> to vector<16xf32>
      %sub3A_717 = arith.subf %get3A_716, %get3A_21 : vector<16xf32>
      %mul3A_718 = arith.mulf %sub3A_717, %sub3A_717 : vector<16xf32>
      %add3A_719 = arith.addf %add3A_710, %mul3A_718 : vector<16xf32>
      %add3A_720 = arith.constant 7 : i32
      %add3A_721 = arith.addi %mul3A_59, %add3A_720 : i32
      %get3A_722 = arith.index_cast %add3A_721 : i32 to index
      %get3A_723 = arith.constant 96 : index
      %get3A_724 = tpu.vector_load %arg6[%get3A_722, %get3A_723] {strides = array<i32>} : memref<256x128xf32, #tpu.memory_space<vmem>>, vector<1x16xf32>,
      %get3A_725 = vector.shape_cast %get3A_724 : vector<1x16xf32> to vector<16xf32>
      %sub3A_726 = arith.subf %get3A_725, %get3A_24 : vector<16xf32>
      %mul3A_727 = arith.mulf %sub3A_726, %sub3A_726 : vector<16xf32>
      %add3A_728 = arith.addf %add3A_719, %mul3A_727 : vector<16xf32>
      %add3A_729 = arith.constant 7 : i32
      %add3A_730 = arith.addi %mul3A_59, %add3A_729 : i32
      %get3A_731 = arith.index_cast %add3A_730 : i32 to index
      %get3A_732 = arith.constant 112 : index
      %get3A_733 = tpu.vector_load %arg6[%get3A_731, %get3A_732] {strides = array<i32>} : memref<256x128xf32, #tpu.memory_space<vmem>>, vector<1x16xf32>,
      %get3A_734 = vector.shape_cast %get3A_733 : vector<1x16xf32> to vector<16xf32>
      %sub3A_735 = arith.subf %get3A_734, %get3A_27 : vector<16xf32>
      %mul3A_736 = arith.mulf %sub3A_735, %sub3A_735 : vector<16xf32>
      %add3A_737 = arith.addf %add3A_728, %mul3A_736 : vector<16xf32>
      %eq3A_738 = arith.constant 7 : i32
      %eq3A_739 = vector.broadcast %eq3A_738 : i32 to vector<16xi32>
      %eq3A_740 = arith.cmpi eq, %iota3A, %eq3A_739 : vector<16xi32>
      %gather3A_741 = vector.shape_cast %broadcast_in_dim3A : vector<16x1xi32> to vector<16xi32>
      %gather3A_742 = tpu.dynamic_gather %add3A_737[%gather3A_741] in [0] : vector<16xf32>, vector<16xi32> -> vector<16xf32>
      %add3A_743 = arith.addf %add3A_737, %gather3A_742 : vector<16xf32>
      %gather3A_744 = vector.shape_cast %broadcast_in_dim3A_33 : vector<16x1xi32> to vector<16xi32>
      %gather3A_745 = tpu.dynamic_gather %add3A_743[%gather3A_744] in [0] : vector<16xf32>, vector<16xi32> -> vector<16xf32>
      %add3A_746 = arith.addf %add3A_743, %gather3A_745 : vector<16xf32>
      %gather3A_747 = vector.shape_cast %broadcast_in_dim3A_37 : vector<16x1xi32> to vector<16xi32>
      %gather3A_748 = tpu.dynamic_gather %add3A_746[%gather3A_747] in [0] : vector<16xf32>, vector<16xi32> -> vector<16xf32>
      %add3A_749 = arith.addf %add3A_746, %gather3A_748 : vector<16xf32>
      %gather3A_750 = vector.shape_cast %broadcast_in_dim3A_41 : vector<16x1xi32> to vector<16xi32>
      %gather3A_751 = tpu.dynamic_gather %add3A_749[%gather3A_750] in [0] : vector<16xf32>, vector<16xi32> -> vector<16xf32>
      %add3A_752 = arith.addf %add3A_749, %gather3A_751 : vector<16xf32>
      %select_n3A_753 = arith.select %eq3A_740, %add3A_752, %select_n3A_666 : vector<16xi1>, vector<16xf32>
      %add3A_754 = arith.constant 8 : i32
      %add3A_755 = arith.addi %mul3A_59, %add3A_754 : i32
      %get3A_756 = arith.index_cast %add3A_755 : i32 to index
      %get3A_757 = arith.constant 0 : index
      %get3A_758 = tpu.vector_load %arg6[%get3A_756, %get3A_757] {strides = array<i32>} : memref<256x128xf32, #tpu.memory_space<vmem>>, vector<1x16xf32>,
      %get3A_759 = vector.shape_cast %get3A_758 : vector<1x16xf32> to vector<16xf32>
      %sub3A_760 = arith.subf %get3A_759, %get3A_6 : vector<16xf32>
      %mul3A_761 = arith.mulf %sub3A_760, %sub3A_760 : vector<16xf32>
      %add3A_762 = arith.constant 8 : i32
      %add3A_763 = arith.addi %mul3A_59, %add3A_762 : i32
      %get3A_764 = arith.index_cast %add3A_763 : i32 to index
      %get3A_765 = arith.constant 16 : index
      %get3A_766 = tpu.vector_load %arg6[%get3A_764, %get3A_765] {strides = array<i32>} : memref<256x128xf32, #tpu.memory_space<vmem>>, vector<1x16xf32>,
      %get3A_767 = vector.shape_cast %get3A_766 : vector<1x16xf32> to vector<16xf32>
      %sub3A_768 = arith.subf %get3A_767, %get3A_9 : vector<16xf32>
      %mul3A_769 = arith.mulf %sub3A_768, %sub3A_768 : vector<16xf32>
      %add3A_770 = arith.addf %mul3A_761, %mul3A_769 : vector<16xf32>
      %add3A_771 = arith.constant 8 : i32
      %add3A_772 = arith.addi %mul3A_59, %add3A_771 : i32
      %get3A_773 = arith.index_cast %add3A_772 : i32 to index
      %get3A_774 = arith.constant 32 : index
      %get3A_775 = tpu.vector_load %arg6[%get3A_773, %get3A_774] {strides = array<i32>} : memref<256x128xf32, #tpu.memory_space<vmem>>, vector<1x16xf32>,
      %get3A_776 = vector.shape_cast %get3A_775 : vector<1x16xf32> to vector<16xf32>
      %sub3A_777 = arith.subf %get3A_776, %get3A_12 : vector<16xf32>
      %mul3A_778 = arith.mulf %sub3A_777, %sub3A_777 : vector<16xf32>
      %add3A_779 = arith.addf %add3A_770, %mul3A_778 : vector<16xf32>
      %add3A_780 = arith.constant 8 : i32
      %add3A_781 = arith.addi %mul3A_59, %add3A_780 : i32
      %get3A_782 = arith.index_cast %add3A_781 : i32 to index
      %get3A_783 = arith.constant 48 : index
      %get3A_784 = tpu.vector_load %arg6[%get3A_782, %get3A_783] {strides = array<i32>} : memref<256x128xf32, #tpu.memory_space<vmem>>, vector<1x16xf32>,
      %get3A_785 = vector.shape_cast %get3A_784 : vector<1x16xf32> to vector<16xf32>
      %sub3A_786 = arith.subf %get3A_785, %get3A_15 : vector<16xf32>
      %mul3A_787 = arith.mulf %sub3A_786, %sub3A_786 : vector<16xf32>
      %add3A_788 = arith.addf %add3A_779, %mul3A_787 : vector<16xf32>
      %add3A_789 = arith.constant 8 : i32
      %add3A_790 = arith.addi %mul3A_59, %add3A_789 : i32
      %get3A_791 = arith.index_cast %add3A_790 : i32 to index
      %get3A_792 = arith.constant 64 : index
      %get3A_793 = tpu.vector_load %arg6[%get3A_791, %get3A_792] {strides = array<i32>} : memref<256x128xf32, #tpu.memory_space<vmem>>, vector<1x16xf32>,
      %get3A_794 = vector.shape_cast %get3A_793 : vector<1x16xf32> to vector<16xf32>
      %sub3A_795 = arith.subf %get3A_794, %get3A_18 : vector<16xf32>
      %mul3A_796 = arith.mulf %sub3A_795, %sub3A_795 : vector<16xf32>
      %add3A_797 = arith.addf %add3A_788, %mul3A_796 : vector<16xf32>
      %add3A_798 = arith.constant 8 : i32
      %add3A_799 = arith.addi %mul3A_59, %add3A_798 : i32
      %get3A_800 = arith.index_cast %add3A_799 : i32 to index
      %get3A_801 = arith.constant 80 : index
      %get3A_802 = tpu.vector_load %arg6[%get3A_800, %get3A_801] {strides = array<i32>} : memref<256x128xf32, #tpu.memory_space<vmem>>, vector<1x16xf32>,
      %get3A_803 = vector.shape_cast %get3A_802 : vector<1x16xf32> to vector<16xf32>
      %sub3A_804 = arith.subf %get3A_803, %get3A_21 : vector<16xf32>
      %mul3A_805 = arith.mulf %sub3A_804, %sub3A_804 : vector<16xf32>
      %add3A_806 = arith.addf %add3A_797, %mul3A_805 : vector<16xf32>
      %add3A_807 = arith.constant 8 : i32
      %add3A_808 = arith.addi %mul3A_59, %add3A_807 : i32
      %get3A_809 = arith.index_cast %add3A_808 : i32 to index
      %get3A_810 = arith.constant 96 : index
      %get3A_811 = tpu.vector_load %arg6[%get3A_809, %get3A_810] {strides = array<i32>} : memref<256x128xf32, #tpu.memory_space<vmem>>, vector<1x16xf32>,
      %get3A_812 = vector.shape_cast %get3A_811 : vector<1x16xf32> to vector<16xf32>
      %sub3A_813 = arith.subf %get3A_812, %get3A_24 : vector<16xf32>
      %mul3A_814 = arith.mulf %sub3A_813, %sub3A_813 : vector<16xf32>
      %add3A_815 = arith.addf %add3A_806, %mul3A_814 : vector<16xf32>
      %add3A_816 = arith.constant 8 : i32
      %add3A_817 = arith.addi %mul3A_59, %add3A_816 : i32
      %get3A_818 = arith.index_cast %add3A_817 : i32 to index
      %get3A_819 = arith.constant 112 : index
      %get3A_820 = tpu.vector_load %arg6[%get3A_818, %get3A_819] {strides = array<i32>} : memref<256x128xf32, #tpu.memory_space<vmem>>, vector<1x16xf32>,
      %get3A_821 = vector.shape_cast %get3A_820 : vector<1x16xf32> to vector<16xf32>
      %sub3A_822 = arith.subf %get3A_821, %get3A_27 : vector<16xf32>
      %mul3A_823 = arith.mulf %sub3A_822, %sub3A_822 : vector<16xf32>
      %add3A_824 = arith.addf %add3A_815, %mul3A_823 : vector<16xf32>
      %eq3A_825 = arith.constant 8 : i32
      %eq3A_826 = vector.broadcast %eq3A_825 : i32 to vector<16xi32>
      %eq3A_827 = arith.cmpi eq, %iota3A, %eq3A_826 : vector<16xi32>
      %gather3A_828 = vector.shape_cast %broadcast_in_dim3A : vector<16x1xi32> to vector<16xi32>
      %gather3A_829 = tpu.dynamic_gather %add3A_824[%gather3A_828] in [0] : vector<16xf32>, vector<16xi32> -> vector<16xf32>
      %add3A_830 = arith.addf %add3A_824, %gather3A_829 : vector<16xf32>
      %gather3A_831 = vector.shape_cast %broadcast_in_dim3A_33 : vector<16x1xi32> to vector<16xi32>
      %gather3A_832 = tpu.dynamic_gather %add3A_830[%gather3A_831] in [0] : vector<16xf32>, vector<16xi32> -> vector<16xf32>
      %add3A_833 = arith.addf %add3A_830, %gather3A_832 : vector<16xf32>
      %gather3A_834 = vector.shape_cast %broadcast_in_dim3A_37 : vector<16x1xi32> to vector<16xi32>
      %gather3A_835 = tpu.dynamic_gather %add3A_833[%gather3A_834] in [0] : vector<16xf32>, vector<16xi32> -> vector<16xf32>
      %add3A_836 = arith.addf %add3A_833, %gather3A_835 : vector<16xf32>
      %gather3A_837 = vector.shape_cast %broadcast_in_dim3A_41 : vector<16x1xi32> to vector<16xi32>
      %gather3A_838 = tpu.dynamic_gather %add3A_836[%gather3A_837] in [0] : vector<16xf32>, vector<16xi32> -> vector<16xf32>
      %add3A_839 = arith.addf %add3A_836, %gather3A_838 : vector<16xf32>
      %select_n3A_840 = arith.select %eq3A_827, %add3A_839, %select_n3A_753 : vector<16xi1>, vector<16xf32>
      %add3A_841 = arith.constant 9 : i32
      %add3A_842 = arith.addi %mul3A_59, %add3A_841 : i32
      %get3A_843 = arith.index_cast %add3A_842 : i32 to index
      %get3A_844 = arith.constant 0 : index
      %get3A_845 = tpu.vector_load %arg6[%get3A_843, %get3A_844] {strides = array<i32>} : memref<256x128xf32, #tpu.memory_space<vmem>>, vector<1x16xf32>,
      %get3A_846 = vector.shape_cast %get3A_845 : vector<1x16xf32> to vector<16xf32>
      %sub3A_847 = arith.subf %get3A_846, %get3A_6 : vector<16xf32>
      %mul3A_848 = arith.mulf %sub3A_847, %sub3A_847 : vector<16xf32>
      %add3A_849 = arith.constant 9 : i32
      %add3A_850 = arith.addi %mul3A_59, %add3A_849 : i32
      %get3A_851 = arith.index_cast %add3A_850 : i32 to index
      %get3A_852 = arith.constant 16 : index
      %get3A_853 = tpu.vector_load %arg6[%get3A_851, %get3A_852] {strides = array<i32>} : memref<256x128xf32, #tpu.memory_space<vmem>>, vector<1x16xf32>,
      %get3A_854 = vector.shape_cast %get3A_853 : vector<1x16xf32> to vector<16xf32>
      %sub3A_855 = arith.subf %get3A_854, %get3A_9 : vector<16xf32>
      %mul3A_856 = arith.mulf %sub3A_855, %sub3A_855 : vector<16xf32>
      %add3A_857 = arith.addf %mul3A_848, %mul3A_856 : vector<16xf32>
      %add3A_858 = arith.constant 9 : i32
      %add3A_859 = arith.addi %mul3A_59, %add3A_858 : i32
      %get3A_860 = arith.index_cast %add3A_859 : i32 to index
      %get3A_861 = arith.constant 32 : index
      %get3A_862 = tpu.vector_load %arg6[%get3A_860, %get3A_861] {strides = array<i32>} : memref<256x128xf32, #tpu.memory_space<vmem>>, vector<1x16xf32>,
      %get3A_863 = vector.shape_cast %get3A_862 : vector<1x16xf32> to vector<16xf32>
      %sub3A_864 = arith.subf %get3A_863, %get3A_12 : vector<16xf32>
      %mul3A_865 = arith.mulf %sub3A_864, %sub3A_864 : vector<16xf32>
      %add3A_866 = arith.addf %add3A_857, %mul3A_865 : vector<16xf32>
      %add3A_867 = arith.constant 9 : i32
      %add3A_868 = arith.addi %mul3A_59, %add3A_867 : i32
      %get3A_869 = arith.index_cast %add3A_868 : i32 to index
      %get3A_870 = arith.constant 48 : index
      %get3A_871 = tpu.vector_load %arg6[%get3A_869, %get3A_870] {strides = array<i32>} : memref<256x128xf32, #tpu.memory_space<vmem>>, vector<1x16xf32>,
      %get3A_872 = vector.shape_cast %get3A_871 : vector<1x16xf32> to vector<16xf32>
      %sub3A_873 = arith.subf %get3A_872, %get3A_15 : vector<16xf32>
      %mul3A_874 = arith.mulf %sub3A_873, %sub3A_873 : vector<16xf32>
      %add3A_875 = arith.addf %add3A_866, %mul3A_874 : vector<16xf32>
      %add3A_876 = arith.constant 9 : i32
      %add3A_877 = arith.addi %mul3A_59, %add3A_876 : i32
      %get3A_878 = arith.index_cast %add3A_877 : i32 to index
      %get3A_879 = arith.constant 64 : index
      %get3A_880 = tpu.vector_load %arg6[%get3A_878, %get3A_879] {strides = array<i32>} : memref<256x128xf32, #tpu.memory_space<vmem>>, vector<1x16xf32>,
      %get3A_881 = vector.shape_cast %get3A_880 : vector<1x16xf32> to vector<16xf32>
      %sub3A_882 = arith.subf %get3A_881, %get3A_18 : vector<16xf32>
      %mul3A_883 = arith.mulf %sub3A_882, %sub3A_882 : vector<16xf32>
      %add3A_884 = arith.addf %add3A_875, %mul3A_883 : vector<16xf32>
      %add3A_885 = arith.constant 9 : i32
      %add3A_886 = arith.addi %mul3A_59, %add3A_885 : i32
      %get3A_887 = arith.index_cast %add3A_886 : i32 to index
      %get3A_888 = arith.constant 80 : index
      %get3A_889 = tpu.vector_load %arg6[%get3A_887, %get3A_888] {strides = array<i32>} : memref<256x128xf32, #tpu.memory_space<vmem>>, vector<1x16xf32>,
      %get3A_890 = vector.shape_cast %get3A_889 : vector<1x16xf32> to vector<16xf32>
      %sub3A_891 = arith.subf %get3A_890, %get3A_21 : vector<16xf32>
      %mul3A_892 = arith.mulf %sub3A_891, %sub3A_891 : vector<16xf32>
      %add3A_893 = arith.addf %add3A_884, %mul3A_892 : vector<16xf32>
      %add3A_894 = arith.constant 9 : i32
      %add3A_895 = arith.addi %mul3A_59, %add3A_894 : i32
      %get3A_896 = arith.index_cast %add3A_895 : i32 to index
      %get3A_897 = arith.constant 96 : index
      %get3A_898 = tpu.vector_load %arg6[%get3A_896, %get3A_897] {strides = array<i32>} : memref<256x128xf32, #tpu.memory_space<vmem>>, vector<1x16xf32>,
      %get3A_899 = vector.shape_cast %get3A_898 : vector<1x16xf32> to vector<16xf32>
      %sub3A_900 = arith.subf %get3A_899, %get3A_24 : vector<16xf32>
      %mul3A_901 = arith.mulf %sub3A_900, %sub3A_900 : vector<16xf32>
      %add3A_902 = arith.addf %add3A_893, %mul3A_901 : vector<16xf32>
      %add3A_903 = arith.constant 9 : i32
      %add3A_904 = arith.addi %mul3A_59, %add3A_903 : i32
      %get3A_905 = arith.index_cast %add3A_904 : i32 to index
      %get3A_906 = arith.constant 112 : index
      %get3A_907 = tpu.vector_load %arg6[%get3A_905, %get3A_906] {strides = array<i32>} : memref<256x128xf32, #tpu.memory_space<vmem>>, vector<1x16xf32>,
      %get3A_908 = vector.shape_cast %get3A_907 : vector<1x16xf32> to vector<16xf32>
      %sub3A_909 = arith.subf %get3A_908, %get3A_27 : vector<16xf32>
      %mul3A_910 = arith.mulf %sub3A_909, %sub3A_909 : vector<16xf32>
      %add3A_911 = arith.addf %add3A_902, %mul3A_910 : vector<16xf32>
      %eq3A_912 = arith.constant 9 : i32
      %eq3A_913 = vector.broadcast %eq3A_912 : i32 to vector<16xi32>
      %eq3A_914 = arith.cmpi eq, %iota3A, %eq3A_913 : vector<16xi32>
      %gather3A_915 = vector.shape_cast %broadcast_in_dim3A : vector<16x1xi32> to vector<16xi32>
      %gather3A_916 = tpu.dynamic_gather %add3A_911[%gather3A_915] in [0] : vector<16xf32>, vector<16xi32> -> vector<16xf32>
      %add3A_917 = arith.addf %add3A_911, %gather3A_916 : vector<16xf32>
      %gather3A_918 = vector.shape_cast %broadcast_in_dim3A_33 : vector<16x1xi32> to vector<16xi32>
      %gather3A_919 = tpu.dynamic_gather %add3A_917[%gather3A_918] in [0] : vector<16xf32>, vector<16xi32> -> vector<16xf32>
      %add3A_920 = arith.addf %add3A_917, %gather3A_919 : vector<16xf32>
      %gather3A_921 = vector.shape_cast %broadcast_in_dim3A_37 : vector<16x1xi32> to vector<16xi32>
      %gather3A_922 = tpu.dynamic_gather %add3A_920[%gather3A_921] in [0] : vector<16xf32>, vector<16xi32> -> vector<16xf32>
      %add3A_923 = arith.addf %add3A_920, %gather3A_922 : vector<16xf32>
      %gather3A_924 = vector.shape_cast %broadcast_in_dim3A_41 : vector<16x1xi32> to vector<16xi32>
      %gather3A_925 = tpu.dynamic_gather %add3A_923[%gather3A_924] in [0] : vector<16xf32>, vector<16xi32> -> vector<16xf32>
      %add3A_926 = arith.addf %add3A_923, %gather3A_925 : vector<16xf32>
      %select_n3A_927 = arith.select %eq3A_914, %add3A_926, %select_n3A_840 : vector<16xi1>, vector<16xf32>
      %add3A_928 = arith.constant 10 : i32
      %add3A_929 = arith.addi %mul3A_59, %add3A_928 : i32
      %get3A_930 = arith.index_cast %add3A_929 : i32 to index
      %get3A_931 = arith.constant 0 : index
      %get3A_932 = tpu.vector_load %arg6[%get3A_930, %get3A_931] {strides = array<i32>} : memref<256x128xf32, #tpu.memory_space<vmem>>, vector<1x16xf32>,
      %get3A_933 = vector.shape_cast %get3A_932 : vector<1x16xf32> to vector<16xf32>
      %sub3A_934 = arith.subf %get3A_933, %get3A_6 : vector<16xf32>
      %mul3A_935 = arith.mulf %sub3A_934, %sub3A_934 : vector<16xf32>
      %add3A_936 = arith.constant 10 : i32
      %add3A_937 = arith.addi %mul3A_59, %add3A_936 : i32
      %get3A_938 = arith.index_cast %add3A_937 : i32 to index
      %get3A_939 = arith.constant 16 : index
      %get3A_940 = tpu.vector_load %arg6[%get3A_938, %get3A_939] {strides = array<i32>} : memref<256x128xf32, #tpu.memory_space<vmem>>, vector<1x16xf32>,
      %get3A_941 = vector.shape_cast %get3A_940 : vector<1x16xf32> to vector<16xf32>
      %sub3A_942 = arith.subf %get3A_941, %get3A_9 : vector<16xf32>
      %mul3A_943 = arith.mulf %sub3A_942, %sub3A_942 : vector<16xf32>
      %add3A_944 = arith.addf %mul3A_935, %mul3A_943 : vector<16xf32>
      %add3A_945 = arith.constant 10 : i32
      %add3A_946 = arith.addi %mul3A_59, %add3A_945 : i32
      %get3A_947 = arith.index_cast %add3A_946 : i32 to index
      %get3A_948 = arith.constant 32 : index
      %get3A_949 = tpu.vector_load %arg6[%get3A_947, %get3A_948] {strides = array<i32>} : memref<256x128xf32, #tpu.memory_space<vmem>>, vector<1x16xf32>,
      %get3A_950 = vector.shape_cast %get3A_949 : vector<1x16xf32> to vector<16xf32>
      %sub3A_951 = arith.subf %get3A_950, %get3A_12 : vector<16xf32>
      %mul3A_952 = arith.mulf %sub3A_951, %sub3A_951 : vector<16xf32>
      %add3A_953 = arith.addf %add3A_944, %mul3A_952 : vector<16xf32>
      %add3A_954 = arith.constant 10 : i32
      %add3A_955 = arith.addi %mul3A_59, %add3A_954 : i32
      %get3A_956 = arith.index_cast %add3A_955 : i32 to index
      %get3A_957 = arith.constant 48 : index
      %get3A_958 = tpu.vector_load %arg6[%get3A_956, %get3A_957] {strides = array<i32>} : memref<256x128xf32, #tpu.memory_space<vmem>>, vector<1x16xf32>,
      %get3A_959 = vector.shape_cast %get3A_958 : vector<1x16xf32> to vector<16xf32>
      %sub3A_960 = arith.subf %get3A_959, %get3A_15 : vector<16xf32>
      %mul3A_961 = arith.mulf %sub3A_960, %sub3A_960 : vector<16xf32>
      %add3A_962 = arith.addf %add3A_953, %mul3A_961 : vector<16xf32>
      %add3A_963 = arith.constant 10 : i32
      %add3A_964 = arith.addi %mul3A_59, %add3A_963 : i32
      %get3A_965 = arith.index_cast %add3A_964 : i32 to index
      %get3A_966 = arith.constant 64 : index
      %get3A_967 = tpu.vector_load %arg6[%get3A_965, %get3A_966] {strides = array<i32>} : memref<256x128xf32, #tpu.memory_space<vmem>>, vector<1x16xf32>,
      %get3A_968 = vector.shape_cast %get3A_967 : vector<1x16xf32> to vector<16xf32>
      %sub3A_969 = arith.subf %get3A_968, %get3A_18 : vector<16xf32>
      %mul3A_970 = arith.mulf %sub3A_969, %sub3A_969 : vector<16xf32>
      %add3A_971 = arith.addf %add3A_962, %mul3A_970 : vector<16xf32>
      %add3A_972 = arith.constant 10 : i32
      %add3A_973 = arith.addi %mul3A_59, %add3A_972 : i32
      %get3A_974 = arith.index_cast %add3A_973 : i32 to index
      %get3A_975 = arith.constant 80 : index
      %get3A_976 = tpu.vector_load %arg6[%get3A_974, %get3A_975] {strides = array<i32>} : memref<256x128xf32, #tpu.memory_space<vmem>>, vector<1x16xf32>,
      %get3A_977 = vector.shape_cast %get3A_976 : vector<1x16xf32> to vector<16xf32>
      %sub3A_978 = arith.subf %get3A_977, %get3A_21 : vector<16xf32>
      %mul3A_979 = arith.mulf %sub3A_978, %sub3A_978 : vector<16xf32>
      %add3A_980 = arith.addf %add3A_971, %mul3A_979 : vector<16xf32>
      %add3A_981 = arith.constant 10 : i32
      %add3A_982 = arith.addi %mul3A_59, %add3A_981 : i32
      %get3A_983 = arith.index_cast %add3A_982 : i32 to index
      %get3A_984 = arith.constant 96 : index
      %get3A_985 = tpu.vector_load %arg6[%get3A_983, %get3A_984] {strides = array<i32>} : memref<256x128xf32, #tpu.memory_space<vmem>>, vector<1x16xf32>,
      %get3A_986 = vector.shape_cast %get3A_985 : vector<1x16xf32> to vector<16xf32>
      %sub3A_987 = arith.subf %get3A_986, %get3A_24 : vector<16xf32>
      %mul3A_988 = arith.mulf %sub3A_987, %sub3A_987 : vector<16xf32>
      %add3A_989 = arith.addf %add3A_980, %mul3A_988 : vector<16xf32>
      %add3A_990 = arith.constant 10 : i32
      %add3A_991 = arith.addi %mul3A_59, %add3A_990 : i32
      %get3A_992 = arith.index_cast %add3A_991 : i32 to index
      %get3A_993 = arith.constant 112 : index
      %get3A_994 = tpu.vector_load %arg6[%get3A_992, %get3A_993] {strides = array<i32>} : memref<256x128xf32, #tpu.memory_space<vmem>>, vector<1x16xf32>,
      %get3A_995 = vector.shape_cast %get3A_994 : vector<1x16xf32> to vector<16xf32>
      %sub3A_996 = arith.subf %get3A_995, %get3A_27 : vector<16xf32>
      %mul3A_997 = arith.mulf %sub3A_996, %sub3A_996 : vector<16xf32>
      %add3A_998 = arith.addf %add3A_989, %mul3A_997 : vector<16xf32>
      %eq3A_999 = arith.constant 10 : i32
      %eq3A_1000 = vector.broadcast %eq3A_999 : i32 to vector<16xi32>
      %eq3A_1001 = arith.cmpi eq, %iota3A, %eq3A_1000 : vector<16xi32>
      %gather3A_1002 = vector.shape_cast %broadcast_in_dim3A : vector<16x1xi32> to vector<16xi32>
      %gather3A_1003 = tpu.dynamic_gather %add3A_998[%gather3A_1002] in [0] : vector<16xf32>, vector<16xi32> -> vector<16xf32>
      %add3A_1004 = arith.addf %add3A_998, %gather3A_1003 : vector<16xf32>
      %gather3A_1005 = vector.shape_cast %broadcast_in_dim3A_33 : vector<16x1xi32> to vector<16xi32>
      %gather3A_1006 = tpu.dynamic_gather %add3A_1004[%gather3A_1005] in [0] : vector<16xf32>, vector<16xi32> -> vector<16xf32>
      %add3A_1007 = arith.addf %add3A_1004, %gather3A_1006 : vector<16xf32>
      %gather3A_1008 = vector.shape_cast %broadcast_in_dim3A_37 : vector<16x1xi32> to vector<16xi32>
      %gather3A_1009 = tpu.dynamic_gather %add3A_1007[%gather3A_1008] in [0] : vector<16xf32>, vector<16xi32> -> vector<16xf32>
      %add3A_1010 = arith.addf %add3A_1007, %gather3A_1009 : vector<16xf32>
      %gather3A_1011 = vector.shape_cast %broadcast_in_dim3A_41 : vector<16x1xi32> to vector<16xi32>
      %gather3A_1012 = tpu.dynamic_gather %add3A_1010[%gather3A_1011] in [0] : vector<16xf32>, vector<16xi32> -> vector<16xf32>
      %add3A_1013 = arith.addf %add3A_1010, %gather3A_1012 : vector<16xf32>
      %select_n3A_1014 = arith.select %eq3A_1001, %add3A_1013, %select_n3A_927 : vector<16xi1>, vector<16xf32>
      %add3A_1015 = arith.constant 11 : i32
      %add3A_1016 = arith.addi %mul3A_59, %add3A_1015 : i32
      %get3A_1017 = arith.index_cast %add3A_1016 : i32 to index
      %get3A_1018 = arith.constant 0 : index
      %get3A_1019 = tpu.vector_load %arg6[%get3A_1017, %get3A_1018] {strides = array<i32>} : memref<256x128xf32, #tpu.memory_space<vmem>>, vector<1x16xf32>,
      %get3A_1020 = vector.shape_cast %get3A_1019 : vector<1x16xf32> to vector<16xf32>
      %sub3A_1021 = arith.subf %get3A_1020, %get3A_6 : vector<16xf32>
      %mul3A_1022 = arith.mulf %sub3A_1021, %sub3A_1021 : vector<16xf32>
      %add3A_1023 = arith.constant 11 : i32
      %add3A_1024 = arith.addi %mul3A_59, %add3A_1023 : i32
      %get3A_1025 = arith.index_cast %add3A_1024 : i32 to index
      %get3A_1026 = arith.constant 16 : index
      %get3A_1027 = tpu.vector_load %arg6[%get3A_1025, %get3A_1026] {strides = array<i32>} : memref<256x128xf32, #tpu.memory_space<vmem>>, vector<1x16xf32>,
      %get3A_1028 = vector.shape_cast %get3A_1027 : vector<1x16xf32> to vector<16xf32>
      %sub3A_1029 = arith.subf %get3A_1028, %get3A_9 : vector<16xf32>
      %mul3A_1030 = arith.mulf %sub3A_1029, %sub3A_1029 : vector<16xf32>
      %add3A_1031 = arith.addf %mul3A_1022, %mul3A_1030 : vector<16xf32>
      %add3A_1032 = arith.constant 11 : i32
      %add3A_1033 = arith.addi %mul3A_59, %add3A_1032 : i32
      %get3A_1034 = arith.index_cast %add3A_1033 : i32 to index
      %get3A_1035 = arith.constant 32 : index
      %get3A_1036 = tpu.vector_load %arg6[%get3A_1034, %get3A_1035] {strides = array<i32>} : memref<256x128xf32, #tpu.memory_space<vmem>>, vector<1x16xf32>,
      %get3A_1037 = vector.shape_cast %get3A_1036 : vector<1x16xf32> to vector<16xf32>
      %sub3A_1038 = arith.subf %get3A_1037, %get3A_12 : vector<16xf32>
      %mul3A_1039 = arith.mulf %sub3A_1038, %sub3A_1038 : vector<16xf32>
      %add3A_1040 = arith.addf %add3A_1031, %mul3A_1039 : vector<16xf32>
      %add3A_1041 = arith.constant 11 : i32
      %add3A_1042 = arith.addi %mul3A_59, %add3A_1041 : i32
      %get3A_1043 = arith.index_cast %add3A_1042 : i32 to index
      %get3A_1044 = arith.constant 48 : index
      %get3A_1045 = tpu.vector_load %arg6[%get3A_1043, %get3A_1044] {strides = array<i32>} : memref<256x128xf32, #tpu.memory_space<vmem>>, vector<1x16xf32>,
      %get3A_1046 = vector.shape_cast %get3A_1045 : vector<1x16xf32> to vector<16xf32>
      %sub3A_1047 = arith.subf %get3A_1046, %get3A_15 : vector<16xf32>
      %mul3A_1048 = arith.mulf %sub3A_1047, %sub3A_1047 : vector<16xf32>
      %add3A_1049 = arith.addf %add3A_1040, %mul3A_1048 : vector<16xf32>
      %add3A_1050 = arith.constant 11 : i32
      %add3A_1051 = arith.addi %mul3A_59, %add3A_1050 : i32
      %get3A_1052 = arith.index_cast %add3A_1051 : i32 to index
      %get3A_1053 = arith.constant 64 : index
      %get3A_1054 = tpu.vector_load %arg6[%get3A_1052, %get3A_1053] {strides = array<i32>} : memref<256x128xf32, #tpu.memory_space<vmem>>, vector<1x16xf32>,
      %get3A_1055 = vector.shape_cast %get3A_1054 : vector<1x16xf32> to vector<16xf32>
      %sub3A_1056 = arith.subf %get3A_1055, %get3A_18 : vector<16xf32>
      %mul3A_1057 = arith.mulf %sub3A_1056, %sub3A_1056 : vector<16xf32>
      %add3A_1058 = arith.addf %add3A_1049, %mul3A_1057 : vector<16xf32>
      %add3A_1059 = arith.constant 11 : i32
      %add3A_1060 = arith.addi %mul3A_59, %add3A_1059 : i32
      %get3A_1061 = arith.index_cast %add3A_1060 : i32 to index
      %get3A_1062 = arith.constant 80 : index
      %get3A_1063 = tpu.vector_load %arg6[%get3A_1061, %get3A_1062] {strides = array<i32>} : memref<256x128xf32, #tpu.memory_space<vmem>>, vector<1x16xf32>,
      %get3A_1064 = vector.shape_cast %get3A_1063 : vector<1x16xf32> to vector<16xf32>
      %sub3A_1065 = arith.subf %get3A_1064, %get3A_21 : vector<16xf32>
      %mul3A_1066 = arith.mulf %sub3A_1065, %sub3A_1065 : vector<16xf32>
      %add3A_1067 = arith.addf %add3A_1058, %mul3A_1066 : vector<16xf32>
      %add3A_1068 = arith.constant 11 : i32
      %add3A_1069 = arith.addi %mul3A_59, %add3A_1068 : i32
      %get3A_1070 = arith.index_cast %add3A_1069 : i32 to index
      %get3A_1071 = arith.constant 96 : index
      %get3A_1072 = tpu.vector_load %arg6[%get3A_1070, %get3A_1071] {strides = array<i32>} : memref<256x128xf32, #tpu.memory_space<vmem>>, vector<1x16xf32>,
      %get3A_1073 = vector.shape_cast %get3A_1072 : vector<1x16xf32> to vector<16xf32>
      %sub3A_1074 = arith.subf %get3A_1073, %get3A_24 : vector<16xf32>
      %mul3A_1075 = arith.mulf %sub3A_1074, %sub3A_1074 : vector<16xf32>
      %add3A_1076 = arith.addf %add3A_1067, %mul3A_1075 : vector<16xf32>
      %add3A_1077 = arith.constant 11 : i32
      %add3A_1078 = arith.addi %mul3A_59, %add3A_1077 : i32
      %get3A_1079 = arith.index_cast %add3A_1078 : i32 to index
      %get3A_1080 = arith.constant 112 : index
      %get3A_1081 = tpu.vector_load %arg6[%get3A_1079, %get3A_1080] {strides = array<i32>} : memref<256x128xf32, #tpu.memory_space<vmem>>, vector<1x16xf32>,
      %get3A_1082 = vector.shape_cast %get3A_1081 : vector<1x16xf32> to vector<16xf32>
      %sub3A_1083 = arith.subf %get3A_1082, %get3A_27 : vector<16xf32>
      %mul3A_1084 = arith.mulf %sub3A_1083, %sub3A_1083 : vector<16xf32>
      %add3A_1085 = arith.addf %add3A_1076, %mul3A_1084 : vector<16xf32>
      %eq3A_1086 = arith.constant 11 : i32
      %eq3A_1087 = vector.broadcast %eq3A_1086 : i32 to vector<16xi32>
      %eq3A_1088 = arith.cmpi eq, %iota3A, %eq3A_1087 : vector<16xi32>
      %gather3A_1089 = vector.shape_cast %broadcast_in_dim3A : vector<16x1xi32> to vector<16xi32>
      %gather3A_1090 = tpu.dynamic_gather %add3A_1085[%gather3A_1089] in [0] : vector<16xf32>, vector<16xi32> -> vector<16xf32>
      %add3A_1091 = arith.addf %add3A_1085, %gather3A_1090 : vector<16xf32>
      %gather3A_1092 = vector.shape_cast %broadcast_in_dim3A_33 : vector<16x1xi32> to vector<16xi32>
      %gather3A_1093 = tpu.dynamic_gather %add3A_1091[%gather3A_1092] in [0] : vector<16xf32>, vector<16xi32> -> vector<16xf32>
      %add3A_1094 = arith.addf %add3A_1091, %gather3A_1093 : vector<16xf32>
      %gather3A_1095 = vector.shape_cast %broadcast_in_dim3A_37 : vector<16x1xi32> to vector<16xi32>
      %gather3A_1096 = tpu.dynamic_gather %add3A_1094[%gather3A_1095] in [0] : vector<16xf32>, vector<16xi32> -> vector<16xf32>
      %add3A_1097 = arith.addf %add3A_1094, %gather3A_1096 : vector<16xf32>
      %gather3A_1098 = vector.shape_cast %broadcast_in_dim3A_41 : vector<16x1xi32> to vector<16xi32>
      %gather3A_1099 = tpu.dynamic_gather %add3A_1097[%gather3A_1098] in [0] : vector<16xf32>, vector<16xi32> -> vector<16xf32>
      %add3A_1100 = arith.addf %add3A_1097, %gather3A_1099 : vector<16xf32>
      %select_n3A_1101 = arith.select %eq3A_1088, %add3A_1100, %select_n3A_1014 : vector<16xi1>, vector<16xf32>
      %add3A_1102 = arith.constant 12 : i32
      %add3A_1103 = arith.addi %mul3A_59, %add3A_1102 : i32
      %get3A_1104 = arith.index_cast %add3A_1103 : i32 to index
      %get3A_1105 = arith.constant 0 : index
      %get3A_1106 = tpu.vector_load %arg6[%get3A_1104, %get3A_1105] {strides = array<i32>} : memref<256x128xf32, #tpu.memory_space<vmem>>, vector<1x16xf32>,
      %get3A_1107 = vector.shape_cast %get3A_1106 : vector<1x16xf32> to vector<16xf32>
      %sub3A_1108 = arith.subf %get3A_1107, %get3A_6 : vector<16xf32>
      %mul3A_1109 = arith.mulf %sub3A_1108, %sub3A_1108 : vector<16xf32>
      %add3A_1110 = arith.constant 12 : i32
      %add3A_1111 = arith.addi %mul3A_59, %add3A_1110 : i32
      %get3A_1112 = arith.index_cast %add3A_1111 : i32 to index
      %get3A_1113 = arith.constant 16 : index
      %get3A_1114 = tpu.vector_load %arg6[%get3A_1112, %get3A_1113] {strides = array<i32>} : memref<256x128xf32, #tpu.memory_space<vmem>>, vector<1x16xf32>,
      %get3A_1115 = vector.shape_cast %get3A_1114 : vector<1x16xf32> to vector<16xf32>
      %sub3A_1116 = arith.subf %get3A_1115, %get3A_9 : vector<16xf32>
      %mul3A_1117 = arith.mulf %sub3A_1116, %sub3A_1116 : vector<16xf32>
      %add3A_1118 = arith.addf %mul3A_1109, %mul3A_1117 : vector<16xf32>
      %add3A_1119 = arith.constant 12 : i32
      %add3A_1120 = arith.addi %mul3A_59, %add3A_1119 : i32
      %get3A_1121 = arith.index_cast %add3A_1120 : i32 to index
      %get3A_1122 = arith.constant 32 : index
      %get3A_1123 = tpu.vector_load %arg6[%get3A_1121, %get3A_1122] {strides = array<i32>} : memref<256x128xf32, #tpu.memory_space<vmem>>, vector<1x16xf32>,
      %get3A_1124 = vector.shape_cast %get3A_1123 : vector<1x16xf32> to vector<16xf32>
      %sub3A_1125 = arith.subf %get3A_1124, %get3A_12 : vector<16xf32>
      %mul3A_1126 = arith.mulf %sub3A_1125, %sub3A_1125 : vector<16xf32>
      %add3A_1127 = arith.addf %add3A_1118, %mul3A_1126 : vector<16xf32>
      %add3A_1128 = arith.constant 12 : i32
      %add3A_1129 = arith.addi %mul3A_59, %add3A_1128 : i32
      %get3A_1130 = arith.index_cast %add3A_1129 : i32 to index
      %get3A_1131 = arith.constant 48 : index
      %get3A_1132 = tpu.vector_load %arg6[%get3A_1130, %get3A_1131] {strides = array<i32>} : memref<256x128xf32, #tpu.memory_space<vmem>>, vector<1x16xf32>,
      %get3A_1133 = vector.shape_cast %get3A_1132 : vector<1x16xf32> to vector<16xf32>
      %sub3A_1134 = arith.subf %get3A_1133, %get3A_15 : vector<16xf32>
      %mul3A_1135 = arith.mulf %sub3A_1134, %sub3A_1134 : vector<16xf32>
      %add3A_1136 = arith.addf %add3A_1127, %mul3A_1135 : vector<16xf32>
      %add3A_1137 = arith.constant 12 : i32
      %add3A_1138 = arith.addi %mul3A_59, %add3A_1137 : i32
      %get3A_1139 = arith.index_cast %add3A_1138 : i32 to index
      %get3A_1140 = arith.constant 64 : index
      %get3A_1141 = tpu.vector_load %arg6[%get3A_1139, %get3A_1140] {strides = array<i32>} : memref<256x128xf32, #tpu.memory_space<vmem>>, vector<1x16xf32>,
      %get3A_1142 = vector.shape_cast %get3A_1141 : vector<1x16xf32> to vector<16xf32>
      %sub3A_1143 = arith.subf %get3A_1142, %get3A_18 : vector<16xf32>
      %mul3A_1144 = arith.mulf %sub3A_1143, %sub3A_1143 : vector<16xf32>
      %add3A_1145 = arith.addf %add3A_1136, %mul3A_1144 : vector<16xf32>
      %add3A_1146 = arith.constant 12 : i32
      %add3A_1147 = arith.addi %mul3A_59, %add3A_1146 : i32
      %get3A_1148 = arith.index_cast %add3A_1147 : i32 to index
      %get3A_1149 = arith.constant 80 : index
      %get3A_1150 = tpu.vector_load %arg6[%get3A_1148, %get3A_1149] {strides = array<i32>} : memref<256x128xf32, #tpu.memory_space<vmem>>, vector<1x16xf32>,
      %get3A_1151 = vector.shape_cast %get3A_1150 : vector<1x16xf32> to vector<16xf32>
      %sub3A_1152 = arith.subf %get3A_1151, %get3A_21 : vector<16xf32>
      %mul3A_1153 = arith.mulf %sub3A_1152, %sub3A_1152 : vector<16xf32>
      %add3A_1154 = arith.addf %add3A_1145, %mul3A_1153 : vector<16xf32>
      %add3A_1155 = arith.constant 12 : i32
      %add3A_1156 = arith.addi %mul3A_59, %add3A_1155 : i32
      %get3A_1157 = arith.index_cast %add3A_1156 : i32 to index
      %get3A_1158 = arith.constant 96 : index
      %get3A_1159 = tpu.vector_load %arg6[%get3A_1157, %get3A_1158] {strides = array<i32>} : memref<256x128xf32, #tpu.memory_space<vmem>>, vector<1x16xf32>,
      %get3A_1160 = vector.shape_cast %get3A_1159 : vector<1x16xf32> to vector<16xf32>
      %sub3A_1161 = arith.subf %get3A_1160, %get3A_24 : vector<16xf32>
      %mul3A_1162 = arith.mulf %sub3A_1161, %sub3A_1161 : vector<16xf32>
      %add3A_1163 = arith.addf %add3A_1154, %mul3A_1162 : vector<16xf32>
      %add3A_1164 = arith.constant 12 : i32
      %add3A_1165 = arith.addi %mul3A_59, %add3A_1164 : i32
      %get3A_1166 = arith.index_cast %add3A_1165 : i32 to index
      %get3A_1167 = arith.constant 112 : index
      %get3A_1168 = tpu.vector_load %arg6[%get3A_1166, %get3A_1167] {strides = array<i32>} : memref<256x128xf32, #tpu.memory_space<vmem>>, vector<1x16xf32>,
      %get3A_1169 = vector.shape_cast %get3A_1168 : vector<1x16xf32> to vector<16xf32>
      %sub3A_1170 = arith.subf %get3A_1169, %get3A_27 : vector<16xf32>
      %mul3A_1171 = arith.mulf %sub3A_1170, %sub3A_1170 : vector<16xf32>
      %add3A_1172 = arith.addf %add3A_1163, %mul3A_1171 : vector<16xf32>
      %eq3A_1173 = arith.constant 12 : i32
      %eq3A_1174 = vector.broadcast %eq3A_1173 : i32 to vector<16xi32>
      %eq3A_1175 = arith.cmpi eq, %iota3A, %eq3A_1174 : vector<16xi32>
      %gather3A_1176 = vector.shape_cast %broadcast_in_dim3A : vector<16x1xi32> to vector<16xi32>
      %gather3A_1177 = tpu.dynamic_gather %add3A_1172[%gather3A_1176] in [0] : vector<16xf32>, vector<16xi32> -> vector<16xf32>
      %add3A_1178 = arith.addf %add3A_1172, %gather3A_1177 : vector<16xf32>
      %gather3A_1179 = vector.shape_cast %broadcast_in_dim3A_33 : vector<16x1xi32> to vector<16xi32>
      %gather3A_1180 = tpu.dynamic_gather %add3A_1178[%gather3A_1179] in [0] : vector<16xf32>, vector<16xi32> -> vector<16xf32>
      %add3A_1181 = arith.addf %add3A_1178, %gather3A_1180 : vector<16xf32>
      %gather3A_1182 = vector.shape_cast %broadcast_in_dim3A_37 : vector<16x1xi32> to vector<16xi32>
      %gather3A_1183 = tpu.dynamic_gather %add3A_1181[%gather3A_1182] in [0] : vector<16xf32>, vector<16xi32> -> vector<16xf32>
      %add3A_1184 = arith.addf %add3A_1181, %gather3A_1183 : vector<16xf32>
      %gather3A_1185 = vector.shape_cast %broadcast_in_dim3A_41 : vector<16x1xi32> to vector<16xi32>
      %gather3A_1186 = tpu.dynamic_gather %add3A_1184[%gather3A_1185] in [0] : vector<16xf32>, vector<16xi32> -> vector<16xf32>
      %add3A_1187 = arith.addf %add3A_1184, %gather3A_1186 : vector<16xf32>
      %select_n3A_1188 = arith.select %eq3A_1175, %add3A_1187, %select_n3A_1101 : vector<16xi1>, vector<16xf32>
      %add3A_1189 = arith.constant 13 : i32
      %add3A_1190 = arith.addi %mul3A_59, %add3A_1189 : i32
      %get3A_1191 = arith.index_cast %add3A_1190 : i32 to index
      %get3A_1192 = arith.constant 0 : index
      %get3A_1193 = tpu.vector_load %arg6[%get3A_1191, %get3A_1192] {strides = array<i32>} : memref<256x128xf32, #tpu.memory_space<vmem>>, vector<1x16xf32>,
      %get3A_1194 = vector.shape_cast %get3A_1193 : vector<1x16xf32> to vector<16xf32>
      %sub3A_1195 = arith.subf %get3A_1194, %get3A_6 : vector<16xf32>
      %mul3A_1196 = arith.mulf %sub3A_1195, %sub3A_1195 : vector<16xf32>
      %add3A_1197 = arith.constant 13 : i32
      %add3A_1198 = arith.addi %mul3A_59, %add3A_1197 : i32
      %get3A_1199 = arith.index_cast %add3A_1198 : i32 to index
      %get3A_1200 = arith.constant 16 : index
      %get3A_1201 = tpu.vector_load %arg6[%get3A_1199, %get3A_1200] {strides = array<i32>} : memref<256x128xf32, #tpu.memory_space<vmem>>, vector<1x16xf32>,
      %get3A_1202 = vector.shape_cast %get3A_1201 : vector<1x16xf32> to vector<16xf32>
      %sub3A_1203 = arith.subf %get3A_1202, %get3A_9 : vector<16xf32>
      %mul3A_1204 = arith.mulf %sub3A_1203, %sub3A_1203 : vector<16xf32>
      %add3A_1205 = arith.addf %mul3A_1196, %mul3A_1204 : vector<16xf32>
      %add3A_1206 = arith.constant 13 : i32
      %add3A_1207 = arith.addi %mul3A_59, %add3A_1206 : i32
      %get3A_1208 = arith.index_cast %add3A_1207 : i32 to index
      %get3A_1209 = arith.constant 32 : index
      %get3A_1210 = tpu.vector_load %arg6[%get3A_1208, %get3A_1209] {strides = array<i32>} : memref<256x128xf32, #tpu.memory_space<vmem>>, vector<1x16xf32>,
      %get3A_1211 = vector.shape_cast %get3A_1210 : vector<1x16xf32> to vector<16xf32>
      %sub3A_1212 = arith.subf %get3A_1211, %get3A_12 : vector<16xf32>
      %mul3A_1213 = arith.mulf %sub3A_1212, %sub3A_1212 : vector<16xf32>
      %add3A_1214 = arith.addf %add3A_1205, %mul3A_1213 : vector<16xf32>
      %add3A_1215 = arith.constant 13 : i32
      %add3A_1216 = arith.addi %mul3A_59, %add3A_1215 : i32
      %get3A_1217 = arith.index_cast %add3A_1216 : i32 to index
      %get3A_1218 = arith.constant 48 : index
      %get3A_1219 = tpu.vector_load %arg6[%get3A_1217, %get3A_1218] {strides = array<i32>} : memref<256x128xf32, #tpu.memory_space<vmem>>, vector<1x16xf32>,
      %get3A_1220 = vector.shape_cast %get3A_1219 : vector<1x16xf32> to vector<16xf32>
      %sub3A_1221 = arith.subf %get3A_1220, %get3A_15 : vector<16xf32>
      %mul3A_1222 = arith.mulf %sub3A_1221, %sub3A_1221 : vector<16xf32>
      %add3A_1223 = arith.addf %add3A_1214, %mul3A_1222 : vector<16xf32>
      %add3A_1224 = arith.constant 13 : i32
      %add3A_1225 = arith.addi %mul3A_59, %add3A_1224 : i32
      %get3A_1226 = arith.index_cast %add3A_1225 : i32 to index
      %get3A_1227 = arith.constant 64 : index
      %get3A_1228 = tpu.vector_load %arg6[%get3A_1226, %get3A_1227] {strides = array<i32>} : memref<256x128xf32, #tpu.memory_space<vmem>>, vector<1x16xf32>,
      %get3A_1229 = vector.shape_cast %get3A_1228 : vector<1x16xf32> to vector<16xf32>
      %sub3A_1230 = arith.subf %get3A_1229, %get3A_18 : vector<16xf32>
      %mul3A_1231 = arith.mulf %sub3A_1230, %sub3A_1230 : vector<16xf32>
      %add3A_1232 = arith.addf %add3A_1223, %mul3A_1231 : vector<16xf32>
      %add3A_1233 = arith.constant 13 : i32
      %add3A_1234 = arith.addi %mul3A_59, %add3A_1233 : i32
      %get3A_1235 = arith.index_cast %add3A_1234 : i32 to index
      %get3A_1236 = arith.constant 80 : index
      %get3A_1237 = tpu.vector_load %arg6[%get3A_1235, %get3A_1236] {strides = array<i32>} : memref<256x128xf32, #tpu.memory_space<vmem>>, vector<1x16xf32>,
      %get3A_1238 = vector.shape_cast %get3A_1237 : vector<1x16xf32> to vector<16xf32>
      %sub3A_1239 = arith.subf %get3A_1238, %get3A_21 : vector<16xf32>
      %mul3A_1240 = arith.mulf %sub3A_1239, %sub3A_1239 : vector<16xf32>
      %add3A_1241 = arith.addf %add3A_1232, %mul3A_1240 : vector<16xf32>
      %add3A_1242 = arith.constant 13 : i32
      %add3A_1243 = arith.addi %mul3A_59, %add3A_1242 : i32
      %get3A_1244 = arith.index_cast %add3A_1243 : i32 to index
      %get3A_1245 = arith.constant 96 : index
      %get3A_1246 = tpu.vector_load %arg6[%get3A_1244, %get3A_1245] {strides = array<i32>} : memref<256x128xf32, #tpu.memory_space<vmem>>, vector<1x16xf32>,
      %get3A_1247 = vector.shape_cast %get3A_1246 : vector<1x16xf32> to vector<16xf32>
      %sub3A_1248 = arith.subf %get3A_1247, %get3A_24 : vector<16xf32>
      %mul3A_1249 = arith.mulf %sub3A_1248, %sub3A_1248 : vector<16xf32>
      %add3A_1250 = arith.addf %add3A_1241, %mul3A_1249 : vector<16xf32>
      %add3A_1251 = arith.constant 13 : i32
      %add3A_1252 = arith.addi %mul3A_59, %add3A_1251 : i32
      %get3A_1253 = arith.index_cast %add3A_1252 : i32 to index
      %get3A_1254 = arith.constant 112 : index
      %get3A_1255 = tpu.vector_load %arg6[%get3A_1253, %get3A_1254] {strides = array<i32>} : memref<256x128xf32, #tpu.memory_space<vmem>>, vector<1x16xf32>,
      %get3A_1256 = vector.shape_cast %get3A_1255 : vector<1x16xf32> to vector<16xf32>
      %sub3A_1257 = arith.subf %get3A_1256, %get3A_27 : vector<16xf32>
      %mul3A_1258 = arith.mulf %sub3A_1257, %sub3A_1257 : vector<16xf32>
      %add3A_1259 = arith.addf %add3A_1250, %mul3A_1258 : vector<16xf32>
      %eq3A_1260 = arith.constant 13 : i32
      %eq3A_1261 = vector.broadcast %eq3A_1260 : i32 to vector<16xi32>
      %eq3A_1262 = arith.cmpi eq, %iota3A, %eq3A_1261 : vector<16xi32>
      %gather3A_1263 = vector.shape_cast %broadcast_in_dim3A : vector<16x1xi32> to vector<16xi32>
      %gather3A_1264 = tpu.dynamic_gather %add3A_1259[%gather3A_1263] in [0] : vector<16xf32>, vector<16xi32> -> vector<16xf32>
      %add3A_1265 = arith.addf %add3A_1259, %gather3A_1264 : vector<16xf32>
      %gather3A_1266 = vector.shape_cast %broadcast_in_dim3A_33 : vector<16x1xi32> to vector<16xi32>
      %gather3A_1267 = tpu.dynamic_gather %add3A_1265[%gather3A_1266] in [0] : vector<16xf32>, vector<16xi32> -> vector<16xf32>
      %add3A_1268 = arith.addf %add3A_1265, %gather3A_1267 : vector<16xf32>
      %gather3A_1269 = vector.shape_cast %broadcast_in_dim3A_37 : vector<16x1xi32> to vector<16xi32>
      %gather3A_1270 = tpu.dynamic_gather %add3A_1268[%gather3A_1269] in [0] : vector<16xf32>, vector<16xi32> -> vector<16xf32>
      %add3A_1271 = arith.addf %add3A_1268, %gather3A_1270 : vector<16xf32>
      %gather3A_1272 = vector.shape_cast %broadcast_in_dim3A_41 : vector<16x1xi32> to vector<16xi32>
      %gather3A_1273 = tpu.dynamic_gather %add3A_1271[%gather3A_1272] in [0] : vector<16xf32>, vector<16xi32> -> vector<16xf32>
      %add3A_1274 = arith.addf %add3A_1271, %gather3A_1273 : vector<16xf32>
      %select_n3A_1275 = arith.select %eq3A_1262, %add3A_1274, %select_n3A_1188 : vector<16xi1>, vector<16xf32>
      %add3A_1276 = arith.constant 14 : i32
      %add3A_1277 = arith.addi %mul3A_59, %add3A_1276 : i32
      %get3A_1278 = arith.index_cast %add3A_1277 : i32 to index
      %get3A_1279 = arith.constant 0 : index
      %get3A_1280 = tpu.vector_load %arg6[%get3A_1278, %get3A_1279] {strides = array<i32>} : memref<256x128xf32, #tpu.memory_space<vmem>>, vector<1x16xf32>,
      %get3A_1281 = vector.shape_cast %get3A_1280 : vector<1x16xf32> to vector<16xf32>
      %sub3A_1282 = arith.subf %get3A_1281, %get3A_6 : vector<16xf32>
      %mul3A_1283 = arith.mulf %sub3A_1282, %sub3A_1282 : vector<16xf32>
      %add3A_1284 = arith.constant 14 : i32
      %add3A_1285 = arith.addi %mul3A_59, %add3A_1284 : i32
      %get3A_1286 = arith.index_cast %add3A_1285 : i32 to index
      %get3A_1287 = arith.constant 16 : index
      %get3A_1288 = tpu.vector_load %arg6[%get3A_1286, %get3A_1287] {strides = array<i32>} : memref<256x128xf32, #tpu.memory_space<vmem>>, vector<1x16xf32>,
      %get3A_1289 = vector.shape_cast %get3A_1288 : vector<1x16xf32> to vector<16xf32>
      %sub3A_1290 = arith.subf %get3A_1289, %get3A_9 : vector<16xf32>
      %mul3A_1291 = arith.mulf %sub3A_1290, %sub3A_1290 : vector<16xf32>
      %add3A_1292 = arith.addf %mul3A_1283, %mul3A_1291 : vector<16xf32>
      %add3A_1293 = arith.constant 14 : i32
      %add3A_1294 = arith.addi %mul3A_59, %add3A_1293 : i32
      %get3A_1295 = arith.index_cast %add3A_1294 : i32 to index
      %get3A_1296 = arith.constant 32 : index
      %get3A_1297 = tpu.vector_load %arg6[%get3A_1295, %get3A_1296] {strides = array<i32>} : memref<256x128xf32, #tpu.memory_space<vmem>>, vector<1x16xf32>,
      %get3A_1298 = vector.shape_cast %get3A_1297 : vector<1x16xf32> to vector<16xf32>
      %sub3A_1299 = arith.subf %get3A_1298, %get3A_12 : vector<16xf32>
      %mul3A_1300 = arith.mulf %sub3A_1299, %sub3A_1299 : vector<16xf32>
      %add3A_1301 = arith.addf %add3A_1292, %mul3A_1300 : vector<16xf32>
      %add3A_1302 = arith.constant 14 : i32
      %add3A_1303 = arith.addi %mul3A_59, %add3A_1302 : i32
      %get3A_1304 = arith.index_cast %add3A_1303 : i32 to index
      %get3A_1305 = arith.constant 48 : index
      %get3A_1306 = tpu.vector_load %arg6[%get3A_1304, %get3A_1305] {strides = array<i32>} : memref<256x128xf32, #tpu.memory_space<vmem>>, vector<1x16xf32>,
      %get3A_1307 = vector.shape_cast %get3A_1306 : vector<1x16xf32> to vector<16xf32>
      %sub3A_1308 = arith.subf %get3A_1307, %get3A_15 : vector<16xf32>
      %mul3A_1309 = arith.mulf %sub3A_1308, %sub3A_1308 : vector<16xf32>
      %add3A_1310 = arith.addf %add3A_1301, %mul3A_1309 : vector<16xf32>
      %add3A_1311 = arith.constant 14 : i32
      %add3A_1312 = arith.addi %mul3A_59, %add3A_1311 : i32
      %get3A_1313 = arith.index_cast %add3A_1312 : i32 to index
      %get3A_1314 = arith.constant 64 : index
      %get3A_1315 = tpu.vector_load %arg6[%get3A_1313, %get3A_1314] {strides = array<i32>} : memref<256x128xf32, #tpu.memory_space<vmem>>, vector<1x16xf32>,
      %get3A_1316 = vector.shape_cast %get3A_1315 : vector<1x16xf32> to vector<16xf32>
      %sub3A_1317 = arith.subf %get3A_1316, %get3A_18 : vector<16xf32>
      %mul3A_1318 = arith.mulf %sub3A_1317, %sub3A_1317 : vector<16xf32>
      %add3A_1319 = arith.addf %add3A_1310, %mul3A_1318 : vector<16xf32>
      %add3A_1320 = arith.constant 14 : i32
      %add3A_1321 = arith.addi %mul3A_59, %add3A_1320 : i32
      %get3A_1322 = arith.index_cast %add3A_1321 : i32 to index
      %get3A_1323 = arith.constant 80 : index
      %get3A_1324 = tpu.vector_load %arg6[%get3A_1322, %get3A_1323] {strides = array<i32>} : memref<256x128xf32, #tpu.memory_space<vmem>>, vector<1x16xf32>,
      %get3A_1325 = vector.shape_cast %get3A_1324 : vector<1x16xf32> to vector<16xf32>
      %sub3A_1326 = arith.subf %get3A_1325, %get3A_21 : vector<16xf32>
      %mul3A_1327 = arith.mulf %sub3A_1326, %sub3A_1326 : vector<16xf32>
      %add3A_1328 = arith.addf %add3A_1319, %mul3A_1327 : vector<16xf32>
      %add3A_1329 = arith.constant 14 : i32
      %add3A_1330 = arith.addi %mul3A_59, %add3A_1329 : i32
      %get3A_1331 = arith.index_cast %add3A_1330 : i32 to index
      %get3A_1332 = arith.constant 96 : index
      %get3A_1333 = tpu.vector_load %arg6[%get3A_1331, %get3A_1332] {strides = array<i32>} : memref<256x128xf32, #tpu.memory_space<vmem>>, vector<1x16xf32>,
      %get3A_1334 = vector.shape_cast %get3A_1333 : vector<1x16xf32> to vector<16xf32>
      %sub3A_1335 = arith.subf %get3A_1334, %get3A_24 : vector<16xf32>
      %mul3A_1336 = arith.mulf %sub3A_1335, %sub3A_1335 : vector<16xf32>
      %add3A_1337 = arith.addf %add3A_1328, %mul3A_1336 : vector<16xf32>
      %add3A_1338 = arith.constant 14 : i32
      %add3A_1339 = arith.addi %mul3A_59, %add3A_1338 : i32
      %get3A_1340 = arith.index_cast %add3A_1339 : i32 to index
      %get3A_1341 = arith.constant 112 : index
      %get3A_1342 = tpu.vector_load %arg6[%get3A_1340, %get3A_1341] {strides = array<i32>} : memref<256x128xf32, #tpu.memory_space<vmem>>, vector<1x16xf32>,
      %get3A_1343 = vector.shape_cast %get3A_1342 : vector<1x16xf32> to vector<16xf32>
      %sub3A_1344 = arith.subf %get3A_1343, %get3A_27 : vector<16xf32>
      %mul3A_1345 = arith.mulf %sub3A_1344, %sub3A_1344 : vector<16xf32>
      %add3A_1346 = arith.addf %add3A_1337, %mul3A_1345 : vector<16xf32>
      %eq3A_1347 = arith.constant 14 : i32
      %eq3A_1348 = vector.broadcast %eq3A_1347 : i32 to vector<16xi32>
      %eq3A_1349 = arith.cmpi eq, %iota3A, %eq3A_1348 : vector<16xi32>
      %gather3A_1350 = vector.shape_cast %broadcast_in_dim3A : vector<16x1xi32> to vector<16xi32>
      %gather3A_1351 = tpu.dynamic_gather %add3A_1346[%gather3A_1350] in [0] : vector<16xf32>, vector<16xi32> -> vector<16xf32>
      %add3A_1352 = arith.addf %add3A_1346, %gather3A_1351 : vector<16xf32>
      %gather3A_1353 = vector.shape_cast %broadcast_in_dim3A_33 : vector<16x1xi32> to vector<16xi32>
      %gather3A_1354 = tpu.dynamic_gather %add3A_1352[%gather3A_1353] in [0] : vector<16xf32>, vector<16xi32> -> vector<16xf32>
      %add3A_1355 = arith.addf %add3A_1352, %gather3A_1354 : vector<16xf32>
      %gather3A_1356 = vector.shape_cast %broadcast_in_dim3A_37 : vector<16x1xi32> to vector<16xi32>
      %gather3A_1357 = tpu.dynamic_gather %add3A_1355[%gather3A_1356] in [0] : vector<16xf32>, vector<16xi32> -> vector<16xf32>
      %add3A_1358 = arith.addf %add3A_1355, %gather3A_1357 : vector<16xf32>
      %gather3A_1359 = vector.shape_cast %broadcast_in_dim3A_41 : vector<16x1xi32> to vector<16xi32>
      %gather3A_1360 = tpu.dynamic_gather %add3A_1358[%gather3A_1359] in [0] : vector<16xf32>, vector<16xi32> -> vector<16xf32>
      %add3A_1361 = arith.addf %add3A_1358, %gather3A_1360 : vector<16xf32>
      %select_n3A_1362 = arith.select %eq3A_1349, %add3A_1361, %select_n3A_1275 : vector<16xi1>, vector<16xf32>
      %add3A_1363 = arith.constant 15 : i32
      %add3A_1364 = arith.addi %mul3A_59, %add3A_1363 : i32
      %get3A_1365 = arith.index_cast %add3A_1364 : i32 to index
      %get3A_1366 = arith.constant 0 : index
      %get3A_1367 = tpu.vector_load %arg6[%get3A_1365, %get3A_1366] {strides = array<i32>} : memref<256x128xf32, #tpu.memory_space<vmem>>, vector<1x16xf32>,
      %get3A_1368 = vector.shape_cast %get3A_1367 : vector<1x16xf32> to vector<16xf32>
      %sub3A_1369 = arith.subf %get3A_1368, %get3A_6 : vector<16xf32>
      %mul3A_1370 = arith.mulf %sub3A_1369, %sub3A_1369 : vector<16xf32>
      %add3A_1371 = arith.constant 15 : i32
      %add3A_1372 = arith.addi %mul3A_59, %add3A_1371 : i32
      %get3A_1373 = arith.index_cast %add3A_1372 : i32 to index
      %get3A_1374 = arith.constant 16 : index
      %get3A_1375 = tpu.vector_load %arg6[%get3A_1373, %get3A_1374] {strides = array<i32>} : memref<256x128xf32, #tpu.memory_space<vmem>>, vector<1x16xf32>,
      %get3A_1376 = vector.shape_cast %get3A_1375 : vector<1x16xf32> to vector<16xf32>
      %sub3A_1377 = arith.subf %get3A_1376, %get3A_9 : vector<16xf32>
      %mul3A_1378 = arith.mulf %sub3A_1377, %sub3A_1377 : vector<16xf32>
      %add3A_1379 = arith.addf %mul3A_1370, %mul3A_1378 : vector<16xf32>
      %add3A_1380 = arith.constant 15 : i32
      %add3A_1381 = arith.addi %mul3A_59, %add3A_1380 : i32
      %get3A_1382 = arith.index_cast %add3A_1381 : i32 to index
      %get3A_1383 = arith.constant 32 : index
      %get3A_1384 = tpu.vector_load %arg6[%get3A_1382, %get3A_1383] {strides = array<i32>} : memref<256x128xf32, #tpu.memory_space<vmem>>, vector<1x16xf32>,
      %get3A_1385 = vector.shape_cast %get3A_1384 : vector<1x16xf32> to vector<16xf32>
      %sub3A_1386 = arith.subf %get3A_1385, %get3A_12 : vector<16xf32>
      %mul3A_1387 = arith.mulf %sub3A_1386, %sub3A_1386 : vector<16xf32>
      %add3A_1388 = arith.addf %add3A_1379, %mul3A_1387 : vector<16xf32>
      %add3A_1389 = arith.constant 15 : i32
      %add3A_1390 = arith.addi %mul3A_59, %add3A_1389 : i32
      %get3A_1391 = arith.index_cast %add3A_1390 : i32 to index
      %get3A_1392 = arith.constant 48 : index
      %get3A_1393 = tpu.vector_load %arg6[%get3A_1391, %get3A_1392] {strides = array<i32>} : memref<256x128xf32, #tpu.memory_space<vmem>>, vector<1x16xf32>,
      %get3A_1394 = vector.shape_cast %get3A_1393 : vector<1x16xf32> to vector<16xf32>
      %sub3A_1395 = arith.subf %get3A_1394, %get3A_15 : vector<16xf32>
      %mul3A_1396 = arith.mulf %sub3A_1395, %sub3A_1395 : vector<16xf32>
      %add3A_1397 = arith.addf %add3A_1388, %mul3A_1396 : vector<16xf32>
      %add3A_1398 = arith.constant 15 : i32
      %add3A_1399 = arith.addi %mul3A_59, %add3A_1398 : i32
      %get3A_1400 = arith.index_cast %add3A_1399 : i32 to index
      %get3A_1401 = arith.constant 64 : index
      %get3A_1402 = tpu.vector_load %arg6[%get3A_1400, %get3A_1401] {strides = array<i32>} : memref<256x128xf32, #tpu.memory_space<vmem>>, vector<1x16xf32>,
      %get3A_1403 = vector.shape_cast %get3A_1402 : vector<1x16xf32> to vector<16xf32>
      %sub3A_1404 = arith.subf %get3A_1403, %get3A_18 : vector<16xf32>
      %mul3A_1405 = arith.mulf %sub3A_1404, %sub3A_1404 : vector<16xf32>
      %add3A_1406 = arith.addf %add3A_1397, %mul3A_1405 : vector<16xf32>
      %add3A_1407 = arith.constant 15 : i32
      %add3A_1408 = arith.addi %mul3A_59, %add3A_1407 : i32
      %get3A_1409 = arith.index_cast %add3A_1408 : i32 to index
      %get3A_1410 = arith.constant 80 : index
      %get3A_1411 = tpu.vector_load %arg6[%get3A_1409, %get3A_1410] {strides = array<i32>} : memref<256x128xf32, #tpu.memory_space<vmem>>, vector<1x16xf32>,
      %get3A_1412 = vector.shape_cast %get3A_1411 : vector<1x16xf32> to vector<16xf32>
      %sub3A_1413 = arith.subf %get3A_1412, %get3A_21 : vector<16xf32>
      %mul3A_1414 = arith.mulf %sub3A_1413, %sub3A_1413 : vector<16xf32>
      %add3A_1415 = arith.addf %add3A_1406, %mul3A_1414 : vector<16xf32>
      %add3A_1416 = arith.constant 15 : i32
      %add3A_1417 = arith.addi %mul3A_59, %add3A_1416 : i32
      %get3A_1418 = arith.index_cast %add3A_1417 : i32 to index
      %get3A_1419 = arith.constant 96 : index
      %get3A_1420 = tpu.vector_load %arg6[%get3A_1418, %get3A_1419] {strides = array<i32>} : memref<256x128xf32, #tpu.memory_space<vmem>>, vector<1x16xf32>,
      %get3A_1421 = vector.shape_cast %get3A_1420 : vector<1x16xf32> to vector<16xf32>
      %sub3A_1422 = arith.subf %get3A_1421, %get3A_24 : vector<16xf32>
      %mul3A_1423 = arith.mulf %sub3A_1422, %sub3A_1422 : vector<16xf32>
      %add3A_1424 = arith.addf %add3A_1415, %mul3A_1423 : vector<16xf32>
      %add3A_1425 = arith.constant 15 : i32
      %add3A_1426 = arith.addi %mul3A_59, %add3A_1425 : i32
      %get3A_1427 = arith.index_cast %add3A_1426 : i32 to index
      %get3A_1428 = arith.constant 112 : index
      %get3A_1429 = tpu.vector_load %arg6[%get3A_1427, %get3A_1428] {strides = array<i32>} : memref<256x128xf32, #tpu.memory_space<vmem>>, vector<1x16xf32>,
      %get3A_1430 = vector.shape_cast %get3A_1429 : vector<1x16xf32> to vector<16xf32>
      %sub3A_1431 = arith.subf %get3A_1430, %get3A_27 : vector<16xf32>
      %mul3A_1432 = arith.mulf %sub3A_1431, %sub3A_1431 : vector<16xf32>
      %add3A_1433 = arith.addf %add3A_1424, %mul3A_1432 : vector<16xf32>
      %eq3A_1434 = arith.constant 15 : i32
      %eq3A_1435 = vector.broadcast %eq3A_1434 : i32 to vector<16xi32>
      %eq3A_1436 = arith.cmpi eq, %iota3A, %eq3A_1435 : vector<16xi32>
      %gather3A_1437 = vector.shape_cast %broadcast_in_dim3A : vector<16x1xi32> to vector<16xi32>
      %gather3A_1438 = tpu.dynamic_gather %add3A_1433[%gather3A_1437] in [0] : vector<16xf32>, vector<16xi32> -> vector<16xf32>
      %add3A_1439 = arith.addf %add3A_1433, %gather3A_1438 : vector<16xf32>
      %gather3A_1440 = vector.shape_cast %broadcast_in_dim3A_33 : vector<16x1xi32> to vector<16xi32>
      %gather3A_1441 = tpu.dynamic_gather %add3A_1439[%gather3A_1440] in [0] : vector<16xf32>, vector<16xi32> -> vector<16xf32>
      %add3A_1442 = arith.addf %add3A_1439, %gather3A_1441 : vector<16xf32>
      %gather3A_1443 = vector.shape_cast %broadcast_in_dim3A_37 : vector<16x1xi32> to vector<16xi32>
      %gather3A_1444 = tpu.dynamic_gather %add3A_1442[%gather3A_1443] in [0] : vector<16xf32>, vector<16xi32> -> vector<16xf32>
      %add3A_1445 = arith.addf %add3A_1442, %gather3A_1444 : vector<16xf32>
      %gather3A_1446 = vector.shape_cast %broadcast_in_dim3A_41 : vector<16x1xi32> to vector<16xi32>
      %gather3A_1447 = tpu.dynamic_gather %add3A_1445[%gather3A_1446] in [0] : vector<16xf32>, vector<16xi32> -> vector<16xf32>
      %add3A_1448 = arith.addf %add3A_1445, %gather3A_1447 : vector<16xf32>
      %select_n3A_1449 = arith.select %eq3A_1436, %add3A_1448, %select_n3A_1362 : vector<16xi1>, vector<16xf32>
      %add3A_1450 = arith.constant 0 : i32
      %add3A_1451 = arith.addi %add3A_1450, %mul3A_59 : i32
      %swap3A = arith.index_cast %add3A_1451 : i32 to index
      %swap3A_1452 = tpu.vector_load %arg8[%swap3A] {strides = array<i32>} : memref<256xf32, #tpu.memory_space<vmem>>, vector<16xf32>,
      %swap3A_1453 = vector.shape_cast %swap3A_1452 : vector<16xf32> to vector<16xf32>
      %swap3A_1454 = vector.shape_cast %select_n3A_1449 : vector<16xf32> to vector<16xf32>
      tpu.vector_store %arg8[%swap3A], %swap3A_1454 {strides = array<i32>} : memref<256xf32, #tpu.memory_space<vmem>>, vector<16xf32>,
      %scan3A_1455 = arith.constant 0 : i32
      scf.yield %scan3A_1455 : i32
    }
    %scan3A_53 = arith.constant 16 : i32
    %mul3A_54 = arith.constant 256 : i32
    %mul3A_55 = arith.muli %add3A, %mul3A_54 : i32
    "tpu.region"() ({
      %run_scoped3A = tpu.sem_alloc : memref<!tpu.dma_semaphore, #tpu.memory_space<semaphore_mem>>
      %dma_start3A_56 = tpu.memref_slice %arg4[%mul3A_55] : memref<8192xf32, #tpu.memory_space<hbm>> -> memref<256xf32, #tpu.memory_space<hbm>>
      %dma_start3A_57 = tpu.memref_slice %arg4[%mul3A_55] : memref<8192xf32, #tpu.memory_space<hbm>> -> memref<256xf32, #tpu.memory_space<hbm>>
      tpu.enqueue_dma source(%arg8 : memref<256xf32, #tpu.memory_space<vmem>>) target(%dma_start3A_57 : memref<256xf32, #tpu.memory_space<hbm>>) target_semaphore(%run_scoped3A : memref<!tpu.dma_semaphore, #tpu.memory_space<semaphore_mem>>)
      %dma_wait3A_58 = tpu.memref_slice %arg4[%mul3A_55] : memref<8192xf32, #tpu.memory_space<hbm>> -> memref<256xf32, #tpu.memory_space<hbm>>
      %dma_wait3A_59 = tpu.memref_slice %arg4[%mul3A_55] : memref<8192xf32, #tpu.memory_space<hbm>> -> memref<256xf32, #tpu.memory_space<hbm>>
      tpu.wait_dma2 semaphore(%run_scoped3A : memref<!tpu.dma_semaphore, #tpu.memory_space<semaphore_mem>>) src(%arg8 : memref<256xf32, #tpu.memory_space<vmem>>) dst(%dma_wait3A_59 : memref<256xf32, #tpu.memory_space<hbm>>)
      tpu.yield
    }) : () -> ()
    return
  }
}

module attributes {stable_mosaic.version = 14 : i64} {
  func.func @_merge_kernel(%arg0: memref<1x128xf32, #tpu.memory_space<vmem>>, %arg1: memref<1x128xf32, #tpu.memory_space<vmem>>, %arg2: memref<8x128xf32, #tpu.memory_space<vmem>>, %arg3: memref<64x128xf32, #tpu.memory_space<vmem>>, %arg4: memref<1x1xf32, #tpu.memory_space<vmem>>) attributes {dimension_semantics = [], scalar_prefetch = 0 : i64, scratch_operands = 0 : i64, tpu.core_type = #tpu.core_type<tc>} {
    %get3A = arith.constant 0 : index
    %get3A_0 = arith.constant 0 : index
    %get3A_1 = vector.load %arg2[%get3A, %get3A_0] : memref<8x128xf32, #tpu.memory_space<vmem>>, vector<8x128xf32>
    %get3A_2 = arith.constant 0 : index
    %get3A_3 = arith.constant 0 : index
    %get3A_4 = vector.load %arg3[%get3A_2, %get3A_3] : memref<64x128xf32, #tpu.memory_space<vmem>>, vector<64x128xf32>
    %concatenate3A = tpu.concatenate %get3A_1, %get3A_4 in 0 : vector<8x128xf32>, vector<64x128xf32> -> vector<72x128xf32>
    %iota3A = tpu.iota {dimensions = array<i32: 0>} : vector<72x128xi32>
    %mul3A = arith.constant 128 : i32
    %mul3A_5 = vector.broadcast %mul3A : i32 to vector<72x128xi32>
    %mul3A_6 = arith.muli %iota3A, %mul3A_5 : vector<72x128xi32>
    %iota3A_7 = tpu.iota {dimensions = array<i32: 1>} : vector<72x128xi32>
    %add3A = arith.addi %mul3A_6, %iota3A_7 : vector<72x128xi32>
    %reduce_min3A = vector.shape_cast %concatenate3A : vector<72x128xf32> to vector<1x72x128xf32>
    %reduce_min3A_8 = arith.constant dense<0x7F800000> : vector<1xf32>
    %reduce_min3A_9 = vector.multi_reduction <minimumf>, %reduce_min3A, %reduce_min3A_8 [1, 2] : vector<1x72x128xf32> to vector<1xf32>
    %reduce_min3A_10 = vector.shape_cast %reduce_min3A_9 : vector<1xf32> to vector<1x1x1xf32>
    %reduce_min3A_11 = vector.extract %reduce_min3A_10[0, 0, 0] : f32 from vector<1x1x1xf32>
    %sqrt3A = math.sqrt %reduce_min3A_11 : f32
    %add3A_12 = arith.constant 0.000000e+00 : f32
    %add3A_13 = arith.addf %add3A_12, %sqrt3A : f32
    %eq3A = vector.broadcast %reduce_min3A_11 : f32 to vector<72x128xf32>
    %eq3A_14 = arith.cmpf oeq, %concatenate3A, %eq3A : vector<72x128xf32>
    %jit3A = arith.constant 2147483647 : i32
    %broadcast_in_dim3A = vector.broadcast %jit3A : i32 to vector<72x128xi32>
    %select_n3A = arith.select %eq3A_14, %add3A, %broadcast_in_dim3A : vector<72x128xi1>, vector<72x128xi32>
    %reduce_min3A_15 = vector.shape_cast %select_n3A : vector<72x128xi32> to vector<1x72x128xi32>
    %reduce_min3A_16 = arith.constant dense<2147483647> : vector<1xi32>
    %reduce_min3A_17 = vector.multi_reduction <minsi>, %reduce_min3A_15, %reduce_min3A_16 [1, 2] : vector<1x72x128xi32> to vector<1xi32>
    %reduce_min3A_18 = vector.shape_cast %reduce_min3A_17 : vector<1xi32> to vector<1x1x1xi32>
    %reduce_min3A_19 = vector.extract %reduce_min3A_18[0, 0, 0] : i32 from vector<1x1x1xi32>
    %eq3A_20 = vector.broadcast %reduce_min3A_19 : i32 to vector<72x128xi32>
    %eq3A_21 = arith.cmpi eq, %add3A, %eq3A_20 : vector<72x128xi32>
    %jit3A_22 = arith.constant 0x7F800000 : f32
    %broadcast_in_dim3A_23 = vector.broadcast %jit3A_22 : f32 to vector<72x128xf32>
    %select_n3A_24 = arith.select %eq3A_21, %broadcast_in_dim3A_23, %concatenate3A : vector<72x128xi1>, vector<72x128xf32>
    %reduce_min3A_25 = vector.shape_cast %select_n3A_24 : vector<72x128xf32> to vector<1x72x128xf32>
    %reduce_min3A_26 = arith.constant dense<0x7F800000> : vector<1xf32>
    %reduce_min3A_27 = vector.multi_reduction <minimumf>, %reduce_min3A_25, %reduce_min3A_26 [1, 2] : vector<1x72x128xf32> to vector<1xf32>
    %reduce_min3A_28 = vector.shape_cast %reduce_min3A_27 : vector<1xf32> to vector<1x1x1xf32>
    %reduce_min3A_29 = vector.extract %reduce_min3A_28[0, 0, 0] : f32 from vector<1x1x1xf32>
    %sqrt3A_30 = math.sqrt %reduce_min3A_29 : f32
    %add3A_31 = arith.addf %add3A_13, %sqrt3A_30 : f32
    %eq3A_32 = vector.broadcast %reduce_min3A_29 : f32 to vector<72x128xf32>
    %eq3A_33 = arith.cmpf oeq, %select_n3A_24, %eq3A_32 : vector<72x128xf32>
    %jit3A_34 = arith.constant 2147483647 : i32
    %broadcast_in_dim3A_35 = vector.broadcast %jit3A_34 : i32 to vector<72x128xi32>
    %select_n3A_36 = arith.select %eq3A_33, %add3A, %broadcast_in_dim3A_35 : vector<72x128xi1>, vector<72x128xi32>
    %reduce_min3A_37 = vector.shape_cast %select_n3A_36 : vector<72x128xi32> to vector<1x72x128xi32>
    %reduce_min3A_38 = arith.constant dense<2147483647> : vector<1xi32>
    %reduce_min3A_39 = vector.multi_reduction <minsi>, %reduce_min3A_37, %reduce_min3A_38 [1, 2] : vector<1x72x128xi32> to vector<1xi32>
    %reduce_min3A_40 = vector.shape_cast %reduce_min3A_39 : vector<1xi32> to vector<1x1x1xi32>
    %reduce_min3A_41 = vector.extract %reduce_min3A_40[0, 0, 0] : i32 from vector<1x1x1xi32>
    %eq3A_42 = vector.broadcast %reduce_min3A_41 : i32 to vector<72x128xi32>
    %eq3A_43 = arith.cmpi eq, %add3A, %eq3A_42 : vector<72x128xi32>
    %jit3A_44 = arith.constant 0x7F800000 : f32
    %broadcast_in_dim3A_45 = vector.broadcast %jit3A_44 : f32 to vector<72x128xf32>
    %select_n3A_46 = arith.select %eq3A_43, %broadcast_in_dim3A_45, %select_n3A_24 : vector<72x128xi1>, vector<72x128xf32>
    %reduce_min3A_47 = vector.shape_cast %select_n3A_46 : vector<72x128xf32> to vector<1x72x128xf32>
    %reduce_min3A_48 = arith.constant dense<0x7F800000> : vector<1xf32>
    %reduce_min3A_49 = vector.multi_reduction <minimumf>, %reduce_min3A_47, %reduce_min3A_48 [1, 2] : vector<1x72x128xf32> to vector<1xf32>
    %reduce_min3A_50 = vector.shape_cast %reduce_min3A_49 : vector<1xf32> to vector<1x1x1xf32>
    %reduce_min3A_51 = vector.extract %reduce_min3A_50[0, 0, 0] : f32 from vector<1x1x1xf32>
    %sqrt3A_52 = math.sqrt %reduce_min3A_51 : f32
    %add3A_53 = arith.addf %add3A_31, %sqrt3A_52 : f32
    %eq3A_54 = vector.broadcast %reduce_min3A_51 : f32 to vector<72x128xf32>
    %eq3A_55 = arith.cmpf oeq, %select_n3A_46, %eq3A_54 : vector<72x128xf32>
    %jit3A_56 = arith.constant 2147483647 : i32
    %broadcast_in_dim3A_57 = vector.broadcast %jit3A_56 : i32 to vector<72x128xi32>
    %select_n3A_58 = arith.select %eq3A_55, %add3A, %broadcast_in_dim3A_57 : vector<72x128xi1>, vector<72x128xi32>
    %reduce_min3A_59 = vector.shape_cast %select_n3A_58 : vector<72x128xi32> to vector<1x72x128xi32>
    %reduce_min3A_60 = arith.constant dense<2147483647> : vector<1xi32>
    %reduce_min3A_61 = vector.multi_reduction <minsi>, %reduce_min3A_59, %reduce_min3A_60 [1, 2] : vector<1x72x128xi32> to vector<1xi32>
    %reduce_min3A_62 = vector.shape_cast %reduce_min3A_61 : vector<1xi32> to vector<1x1x1xi32>
    %reduce_min3A_63 = vector.extract %reduce_min3A_62[0, 0, 0] : i32 from vector<1x1x1xi32>
    %eq3A_64 = vector.broadcast %reduce_min3A_63 : i32 to vector<72x128xi32>
    %eq3A_65 = arith.cmpi eq, %add3A, %eq3A_64 : vector<72x128xi32>
    %jit3A_66 = arith.constant 0x7F800000 : f32
    %broadcast_in_dim3A_67 = vector.broadcast %jit3A_66 : f32 to vector<72x128xf32>
    %select_n3A_68 = arith.select %eq3A_65, %broadcast_in_dim3A_67, %select_n3A_46 : vector<72x128xi1>, vector<72x128xf32>
    %reduce_min3A_69 = vector.shape_cast %select_n3A_68 : vector<72x128xf32> to vector<1x72x128xf32>
    %reduce_min3A_70 = arith.constant dense<0x7F800000> : vector<1xf32>
    %reduce_min3A_71 = vector.multi_reduction <minimumf>, %reduce_min3A_69, %reduce_min3A_70 [1, 2] : vector<1x72x128xf32> to vector<1xf32>
    %reduce_min3A_72 = vector.shape_cast %reduce_min3A_71 : vector<1xf32> to vector<1x1x1xf32>
    %reduce_min3A_73 = vector.extract %reduce_min3A_72[0, 0, 0] : f32 from vector<1x1x1xf32>
    %sqrt3A_74 = math.sqrt %reduce_min3A_73 : f32
    %add3A_75 = arith.addf %add3A_53, %sqrt3A_74 : f32
    %eq3A_76 = vector.broadcast %reduce_min3A_73 : f32 to vector<72x128xf32>
    %eq3A_77 = arith.cmpf oeq, %select_n3A_68, %eq3A_76 : vector<72x128xf32>
    %jit3A_78 = arith.constant 2147483647 : i32
    %broadcast_in_dim3A_79 = vector.broadcast %jit3A_78 : i32 to vector<72x128xi32>
    %select_n3A_80 = arith.select %eq3A_77, %add3A, %broadcast_in_dim3A_79 : vector<72x128xi1>, vector<72x128xi32>
    %reduce_min3A_81 = vector.shape_cast %select_n3A_80 : vector<72x128xi32> to vector<1x72x128xi32>
    %reduce_min3A_82 = arith.constant dense<2147483647> : vector<1xi32>
    %reduce_min3A_83 = vector.multi_reduction <minsi>, %reduce_min3A_81, %reduce_min3A_82 [1, 2] : vector<1x72x128xi32> to vector<1xi32>
    %reduce_min3A_84 = vector.shape_cast %reduce_min3A_83 : vector<1xi32> to vector<1x1x1xi32>
    %reduce_min3A_85 = vector.extract %reduce_min3A_84[0, 0, 0] : i32 from vector<1x1x1xi32>
    %eq3A_86 = vector.broadcast %reduce_min3A_85 : i32 to vector<72x128xi32>
    %eq3A_87 = arith.cmpi eq, %add3A, %eq3A_86 : vector<72x128xi32>
    %jit3A_88 = arith.constant 0x7F800000 : f32
    %broadcast_in_dim3A_89 = vector.broadcast %jit3A_88 : f32 to vector<72x128xf32>
    %select_n3A_90 = arith.select %eq3A_87, %broadcast_in_dim3A_89, %select_n3A_68 : vector<72x128xi1>, vector<72x128xf32>
    %reduce_min3A_91 = vector.shape_cast %select_n3A_90 : vector<72x128xf32> to vector<1x72x128xf32>
    %reduce_min3A_92 = arith.constant dense<0x7F800000> : vector<1xf32>
    %reduce_min3A_93 = vector.multi_reduction <minimumf>, %reduce_min3A_91, %reduce_min3A_92 [1, 2] : vector<1x72x128xf32> to vector<1xf32>
    %reduce_min3A_94 = vector.shape_cast %reduce_min3A_93 : vector<1xf32> to vector<1x1x1xf32>
    %reduce_min3A_95 = vector.extract %reduce_min3A_94[0, 0, 0] : f32 from vector<1x1x1xf32>
    %sqrt3A_96 = math.sqrt %reduce_min3A_95 : f32
    %add3A_97 = arith.addf %add3A_75, %sqrt3A_96 : f32
    %eq3A_98 = vector.broadcast %reduce_min3A_95 : f32 to vector<72x128xf32>
    %eq3A_99 = arith.cmpf oeq, %select_n3A_90, %eq3A_98 : vector<72x128xf32>
    %jit3A_100 = arith.constant 2147483647 : i32
    %broadcast_in_dim3A_101 = vector.broadcast %jit3A_100 : i32 to vector<72x128xi32>
    %select_n3A_102 = arith.select %eq3A_99, %add3A, %broadcast_in_dim3A_101 : vector<72x128xi1>, vector<72x128xi32>
    %reduce_min3A_103 = vector.shape_cast %select_n3A_102 : vector<72x128xi32> to vector<1x72x128xi32>
    %reduce_min3A_104 = arith.constant dense<2147483647> : vector<1xi32>
    %reduce_min3A_105 = vector.multi_reduction <minsi>, %reduce_min3A_103, %reduce_min3A_104 [1, 2] : vector<1x72x128xi32> to vector<1xi32>
    %reduce_min3A_106 = vector.shape_cast %reduce_min3A_105 : vector<1xi32> to vector<1x1x1xi32>
    %reduce_min3A_107 = vector.extract %reduce_min3A_106[0, 0, 0] : i32 from vector<1x1x1xi32>
    %eq3A_108 = vector.broadcast %reduce_min3A_107 : i32 to vector<72x128xi32>
    %eq3A_109 = arith.cmpi eq, %add3A, %eq3A_108 : vector<72x128xi32>
    %jit3A_110 = arith.constant 0x7F800000 : f32
    %broadcast_in_dim3A_111 = vector.broadcast %jit3A_110 : f32 to vector<72x128xf32>
    %select_n3A_112 = arith.select %eq3A_109, %broadcast_in_dim3A_111, %select_n3A_90 : vector<72x128xi1>, vector<72x128xf32>
    %reduce_min3A_113 = vector.shape_cast %select_n3A_112 : vector<72x128xf32> to vector<1x72x128xf32>
    %reduce_min3A_114 = arith.constant dense<0x7F800000> : vector<1xf32>
    %reduce_min3A_115 = vector.multi_reduction <minimumf>, %reduce_min3A_113, %reduce_min3A_114 [1, 2] : vector<1x72x128xf32> to vector<1xf32>
    %reduce_min3A_116 = vector.shape_cast %reduce_min3A_115 : vector<1xf32> to vector<1x1x1xf32>
    %reduce_min3A_117 = vector.extract %reduce_min3A_116[0, 0, 0] : f32 from vector<1x1x1xf32>
    %sqrt3A_118 = math.sqrt %reduce_min3A_117 : f32
    %add3A_119 = arith.addf %add3A_97, %sqrt3A_118 : f32
    %eq3A_120 = vector.broadcast %reduce_min3A_117 : f32 to vector<72x128xf32>
    %eq3A_121 = arith.cmpf oeq, %select_n3A_112, %eq3A_120 : vector<72x128xf32>
    %jit3A_122 = arith.constant 2147483647 : i32
    %broadcast_in_dim3A_123 = vector.broadcast %jit3A_122 : i32 to vector<72x128xi32>
    %select_n3A_124 = arith.select %eq3A_121, %add3A, %broadcast_in_dim3A_123 : vector<72x128xi1>, vector<72x128xi32>
    %reduce_min3A_125 = vector.shape_cast %select_n3A_124 : vector<72x128xi32> to vector<1x72x128xi32>
    %reduce_min3A_126 = arith.constant dense<2147483647> : vector<1xi32>
    %reduce_min3A_127 = vector.multi_reduction <minsi>, %reduce_min3A_125, %reduce_min3A_126 [1, 2] : vector<1x72x128xi32> to vector<1xi32>
    %reduce_min3A_128 = vector.shape_cast %reduce_min3A_127 : vector<1xi32> to vector<1x1x1xi32>
    %reduce_min3A_129 = vector.extract %reduce_min3A_128[0, 0, 0] : i32 from vector<1x1x1xi32>
    %eq3A_130 = vector.broadcast %reduce_min3A_129 : i32 to vector<72x128xi32>
    %eq3A_131 = arith.cmpi eq, %add3A, %eq3A_130 : vector<72x128xi32>
    %jit3A_132 = arith.constant 0x7F800000 : f32
    %broadcast_in_dim3A_133 = vector.broadcast %jit3A_132 : f32 to vector<72x128xf32>
    %select_n3A_134 = arith.select %eq3A_131, %broadcast_in_dim3A_133, %select_n3A_112 : vector<72x128xi1>, vector<72x128xf32>
    %reduce_min3A_135 = vector.shape_cast %select_n3A_134 : vector<72x128xf32> to vector<1x72x128xf32>
    %reduce_min3A_136 = arith.constant dense<0x7F800000> : vector<1xf32>
    %reduce_min3A_137 = vector.multi_reduction <minimumf>, %reduce_min3A_135, %reduce_min3A_136 [1, 2] : vector<1x72x128xf32> to vector<1xf32>
    %reduce_min3A_138 = vector.shape_cast %reduce_min3A_137 : vector<1xf32> to vector<1x1x1xf32>
    %reduce_min3A_139 = vector.extract %reduce_min3A_138[0, 0, 0] : f32 from vector<1x1x1xf32>
    %sqrt3A_140 = math.sqrt %reduce_min3A_139 : f32
    %add3A_141 = arith.addf %add3A_119, %sqrt3A_140 : f32
    %eq3A_142 = vector.broadcast %reduce_min3A_139 : f32 to vector<72x128xf32>
    %eq3A_143 = arith.cmpf oeq, %select_n3A_134, %eq3A_142 : vector<72x128xf32>
    %jit3A_144 = arith.constant 2147483647 : i32
    %broadcast_in_dim3A_145 = vector.broadcast %jit3A_144 : i32 to vector<72x128xi32>
    %select_n3A_146 = arith.select %eq3A_143, %add3A, %broadcast_in_dim3A_145 : vector<72x128xi1>, vector<72x128xi32>
    %reduce_min3A_147 = vector.shape_cast %select_n3A_146 : vector<72x128xi32> to vector<1x72x128xi32>
    %reduce_min3A_148 = arith.constant dense<2147483647> : vector<1xi32>
    %reduce_min3A_149 = vector.multi_reduction <minsi>, %reduce_min3A_147, %reduce_min3A_148 [1, 2] : vector<1x72x128xi32> to vector<1xi32>
    %reduce_min3A_150 = vector.shape_cast %reduce_min3A_149 : vector<1xi32> to vector<1x1x1xi32>
    %reduce_min3A_151 = vector.extract %reduce_min3A_150[0, 0, 0] : i32 from vector<1x1x1xi32>
    %eq3A_152 = vector.broadcast %reduce_min3A_151 : i32 to vector<72x128xi32>
    %eq3A_153 = arith.cmpi eq, %add3A, %eq3A_152 : vector<72x128xi32>
    %jit3A_154 = arith.constant 0x7F800000 : f32
    %broadcast_in_dim3A_155 = vector.broadcast %jit3A_154 : f32 to vector<72x128xf32>
    %select_n3A_156 = arith.select %eq3A_153, %broadcast_in_dim3A_155, %select_n3A_134 : vector<72x128xi1>, vector<72x128xf32>
    %reduce_min3A_157 = vector.shape_cast %select_n3A_156 : vector<72x128xf32> to vector<1x72x128xf32>
    %reduce_min3A_158 = arith.constant dense<0x7F800000> : vector<1xf32>
    %reduce_min3A_159 = vector.multi_reduction <minimumf>, %reduce_min3A_157, %reduce_min3A_158 [1, 2] : vector<1x72x128xf32> to vector<1xf32>
    %reduce_min3A_160 = vector.shape_cast %reduce_min3A_159 : vector<1xf32> to vector<1x1x1xf32>
    %reduce_min3A_161 = vector.extract %reduce_min3A_160[0, 0, 0] : f32 from vector<1x1x1xf32>
    %sqrt3A_162 = math.sqrt %reduce_min3A_161 : f32
    %add3A_163 = arith.addf %add3A_141, %sqrt3A_162 : f32
    %eq3A_164 = vector.broadcast %reduce_min3A_161 : f32 to vector<72x128xf32>
    %eq3A_165 = arith.cmpf oeq, %select_n3A_156, %eq3A_164 : vector<72x128xf32>
    %jit3A_166 = arith.constant 2147483647 : i32
    %broadcast_in_dim3A_167 = vector.broadcast %jit3A_166 : i32 to vector<72x128xi32>
    %select_n3A_168 = arith.select %eq3A_165, %add3A, %broadcast_in_dim3A_167 : vector<72x128xi1>, vector<72x128xi32>
    %reduce_min3A_169 = vector.shape_cast %select_n3A_168 : vector<72x128xi32> to vector<1x72x128xi32>
    %reduce_min3A_170 = arith.constant dense<2147483647> : vector<1xi32>
    %reduce_min3A_171 = vector.multi_reduction <minsi>, %reduce_min3A_169, %reduce_min3A_170 [1, 2] : vector<1x72x128xi32> to vector<1xi32>
    %reduce_min3A_172 = vector.shape_cast %reduce_min3A_171 : vector<1xi32> to vector<1x1x1xi32>
    %reduce_min3A_173 = vector.extract %reduce_min3A_172[0, 0, 0] : i32 from vector<1x1x1xi32>
    %eq3A_174 = vector.broadcast %reduce_min3A_173 : i32 to vector<72x128xi32>
    %eq3A_175 = arith.cmpi eq, %add3A, %eq3A_174 : vector<72x128xi32>
    %jit3A_176 = arith.constant 0x7F800000 : f32
    %broadcast_in_dim3A_177 = vector.broadcast %jit3A_176 : f32 to vector<72x128xf32>
    %select_n3A_178 = arith.select %eq3A_175, %broadcast_in_dim3A_177, %select_n3A_156 : vector<72x128xi1>, vector<72x128xf32>
    %reduce_min3A_179 = vector.shape_cast %select_n3A_178 : vector<72x128xf32> to vector<1x72x128xf32>
    %reduce_min3A_180 = arith.constant dense<0x7F800000> : vector<1xf32>
    %reduce_min3A_181 = vector.multi_reduction <minimumf>, %reduce_min3A_179, %reduce_min3A_180 [1, 2] : vector<1x72x128xf32> to vector<1xf32>
    %reduce_min3A_182 = vector.shape_cast %reduce_min3A_181 : vector<1xf32> to vector<1x1x1xf32>
    %reduce_min3A_183 = vector.extract %reduce_min3A_182[0, 0, 0] : f32 from vector<1x1x1xf32>
    %sqrt3A_184 = math.sqrt %reduce_min3A_183 : f32
    %add3A_185 = arith.addf %add3A_163, %sqrt3A_184 : f32
    %eq3A_186 = vector.broadcast %reduce_min3A_183 : f32 to vector<72x128xf32>
    %eq3A_187 = arith.cmpf oeq, %select_n3A_178, %eq3A_186 : vector<72x128xf32>
    %jit3A_188 = arith.constant 2147483647 : i32
    %broadcast_in_dim3A_189 = vector.broadcast %jit3A_188 : i32 to vector<72x128xi32>
    %select_n3A_190 = arith.select %eq3A_187, %add3A, %broadcast_in_dim3A_189 : vector<72x128xi1>, vector<72x128xi32>
    %reduce_min3A_191 = vector.shape_cast %select_n3A_190 : vector<72x128xi32> to vector<1x72x128xi32>
    %reduce_min3A_192 = arith.constant dense<2147483647> : vector<1xi32>
    %reduce_min3A_193 = vector.multi_reduction <minsi>, %reduce_min3A_191, %reduce_min3A_192 [1, 2] : vector<1x72x128xi32> to vector<1xi32>
    %reduce_min3A_194 = vector.shape_cast %reduce_min3A_193 : vector<1xi32> to vector<1x1x1xi32>
    %reduce_min3A_195 = vector.extract %reduce_min3A_194[0, 0, 0] : i32 from vector<1x1x1xi32>
    %eq3A_196 = vector.broadcast %reduce_min3A_195 : i32 to vector<72x128xi32>
    %eq3A_197 = arith.cmpi eq, %add3A, %eq3A_196 : vector<72x128xi32>
    %jit3A_198 = arith.constant 0x7F800000 : f32
    %broadcast_in_dim3A_199 = vector.broadcast %jit3A_198 : f32 to vector<72x128xf32>
    %select_n3A_200 = arith.select %eq3A_197, %broadcast_in_dim3A_199, %select_n3A_178 : vector<72x128xi1>, vector<72x128xf32>
    %reduce_min3A_201 = vector.shape_cast %select_n3A_200 : vector<72x128xf32> to vector<1x72x128xf32>
    %reduce_min3A_202 = arith.constant dense<0x7F800000> : vector<1xf32>
    %reduce_min3A_203 = vector.multi_reduction <minimumf>, %reduce_min3A_201, %reduce_min3A_202 [1, 2] : vector<1x72x128xf32> to vector<1xf32>
    %reduce_min3A_204 = vector.shape_cast %reduce_min3A_203 : vector<1xf32> to vector<1x1x1xf32>
    %reduce_min3A_205 = vector.extract %reduce_min3A_204[0, 0, 0] : f32 from vector<1x1x1xf32>
    %sqrt3A_206 = math.sqrt %reduce_min3A_205 : f32
    %add3A_207 = arith.addf %add3A_185, %sqrt3A_206 : f32
    %get3A_208 = arith.constant 0 : index
    %get3A_209 = arith.constant 0 : index
    %get3A_210 = vector.load %arg0[%get3A_208, %get3A_209] : memref<1x128xf32, #tpu.memory_space<vmem>>, vector<1x128xf32>
    %get3A_211 = arith.constant 0 : index
    %get3A_212 = arith.constant 0 : index
    %get3A_213 = vector.load %arg1[%get3A_211, %get3A_212] : memref<1x128xf32, #tpu.memory_space<vmem>>, vector<1x128xf32>
    %sub3A = arith.subf %get3A_210, %get3A_213 : vector<1x128xf32>
    %mul3A_214 = arith.mulf %sub3A, %sub3A : vector<1x128xf32>
    %reduce_sum3A = vector.shape_cast %mul3A_214 : vector<1x128xf32> to vector<1x1x128xf32>
    %reduce_sum3A_215 = arith.constant dense<0.000000e+00> : vector<1xf32>
    %reduce_sum3A_216 = vector.multi_reduction <add>, %reduce_sum3A, %reduce_sum3A_215 [1, 2] : vector<1x1x128xf32> to vector<1xf32>
    %reduce_sum3A_217 = vector.shape_cast %reduce_sum3A_216 : vector<1xf32> to vector<1x1x1xf32>
    %reduce_sum3A_218 = vector.extract %reduce_sum3A_217[0, 0, 0] : f32 from vector<1x1x1xf32>
    %sqrt3A_219 = math.sqrt %reduce_sum3A_218 : f32
    %div3A = arith.constant 2.000000e+00 : f32
    %div3A_220 = arith.divf %sqrt3A_219, %div3A : f32
    %div3A_221 = arith.constant 1.000000e+01 : f32
    %div3A_222 = arith.divf %add3A_207, %div3A_221 : f32
    %add3A_223 = arith.addf %div3A_220, %div3A_222 : f32
    %reshape3A = vector.broadcast %add3A_223 : f32 to vector<1x1xf32>
    %swap3A = arith.constant 0 : index
    %swap3A_224 = arith.constant 0 : index
    %swap3A_225 = vector.load %arg4[%swap3A, %swap3A_224] : memref<1x1xf32, #tpu.memory_space<vmem>>, vector<1x1xf32>
    tpu.vector_store %arg4[%swap3A, %swap3A_224], %reshape3A {strides = array<i32>} : memref<1x1xf32, #tpu.memory_space<vmem>>, vector<1x1xf32>,
    return
  }
}

module attributes {stable_mosaic.version = 14 : i64} {
  func.func @_tc_main_kernel(%arg0: i32, %arg1: memref<1x128xf32, #tpu.memory_space<vmem>>, %arg2: memref<23040x128xf32, #tpu.memory_space<vmem>>, %arg3: memref<8x128xf32, #tpu.memory_space<vmem>>, %arg4: memref<720x128xf32, #tpu.memory_space<vmem>>) attributes {dimension_semantics = [#tpu.dimension_semantics<arbitrary>], iteration_bounds = array<i64: 4>, scalar_prefetch = 0 : i64, scratch_operands = 1 : i64, tpu.core_type = #tpu.core_type<tc>, window_params = [{pipeline_mode = #tpu.pipeline_mode<synchronous>, transform_indices = @transform_0, window_bounds = array<i64: 1, 128>}, {transform_indices = @transform_1, window_bounds = array<i64: 23040, 128>}, {pipeline_mode = #tpu.pipeline_mode<synchronous>, transform_indices = @transform_2, window_bounds = array<i64: 8, 128>}]} {
    %get3A = arith.constant 0 : index
    %get3A_0 = arith.constant 0 : index
    %get3A_1 = vector.load %arg1[%get3A, %get3A_0] : memref<1x128xf32, #tpu.memory_space<vmem>>, vector<1x128xf32>
    %get3A_2 = arith.constant 0 : index
    %get3A_3 = arith.constant 0 : index
    %get3A_4 = vector.load %arg2[%get3A_2, %get3A_3] : memref<23040x128xf32, #tpu.memory_space<vmem>>, vector<23040x128xf32>
    %reshape3A = vector.shape_cast %get3A_4 : vector<23040x128xf32> to vector<180x128x128xf32>
    %transpose3A = tpu.transpose %reshape3A, [0, 2, 1] : vector<180x128x128xf32> -> vector<180x128x128xf32>
    %reshape3A_5 = vector.shape_cast %get3A_1 : vector<1x128xf32> to vector<1x128x1xf32>
    %mul3A = arith.constant 2.000000e+00 : f32
    %mul3A_6 = vector.broadcast %mul3A : f32 to vector<1x128x1xf32>
    %mul3A_7 = arith.mulf %mul3A_6, %reshape3A_5 : vector<1x128x1xf32>
    %sub3A = vector.broadcast %mul3A_7 : vector<1x128x1xf32> to vector<180x128x128xf32>
    %sub3A_8 = arith.subf %transpose3A, %sub3A : vector<180x128x128xf32>
    %mul3A_9 = arith.mulf %transpose3A, %sub3A_8 : vector<180x128x128xf32>
    %reduce_sum3A = arith.constant dense<0.000000e+00> : vector<180x128xf32>
    %reduce_sum3A_10 = vector.multi_reduction <add>, %mul3A_9, %reduce_sum3A [1] : vector<180x128x128xf32> to vector<180x128xf32>
    %mul3A_11 = arith.mulf %get3A_1, %get3A_1 : vector<1x128xf32>
    %reduce_sum3A_12 = vector.shape_cast %mul3A_11 : vector<1x128xf32> to vector<1x1x128xf32>
    %reduce_sum3A_13 = arith.constant dense<0.000000e+00> : vector<1xf32>
    %reduce_sum3A_14 = vector.multi_reduction <add>, %reduce_sum3A_12, %reduce_sum3A_13 [1, 2] : vector<1x1x128xf32> to vector<1xf32>
    %reduce_sum3A_15 = vector.shape_cast %reduce_sum3A_14 : vector<1xf32> to vector<1x1x1xf32>
    %reduce_sum3A_16 = vector.extract %reduce_sum3A_15[0, 0, 0] : f32 from vector<1x1x1xf32>
    %add3A = vector.broadcast %reduce_sum3A_16 : f32 to vector<180x128xf32>
    %add3A_17 = arith.addf %reduce_sum3A_10, %add3A : vector<180x128xf32>
    %iota3A = tpu.iota {dimensions = array<i32: 0>} : vector<180x128xi32>
    %iota3A_18 = tpu.iota {dimensions = array<i32: 1>} : vector<180x128xi32>
    %mul3A_19 = arith.constant 23040 : i32
    %mul3A_20 = arith.muli %arg0, %mul3A_19 : i32
    %mul3A_21 = arith.constant 128 : i32
    %mul3A_22 = vector.broadcast %mul3A_21 : i32 to vector<180x128xi32>
    %mul3A_23 = arith.muli %iota3A, %mul3A_22 : vector<180x128xi32>
    %add3A_24 = vector.broadcast %mul3A_20 : i32 to vector<180x128xi32>
    %add3A_25 = arith.addi %add3A_24, %mul3A_23 : vector<180x128xi32>
    %add3A_26 = arith.addi %add3A_25, %iota3A_18 : vector<180x128xi32>
    %lt3A = arith.constant 91808 : i32
    %lt3A_27 = vector.broadcast %lt3A : i32 to vector<180x128xi32>
    %lt3A_28 = arith.cmpi slt, %add3A_26, %lt3A_27 : vector<180x128xi32>
    %jit3A = arith.constant 0x7F800000 : f32
    %broadcast_in_dim3A = vector.broadcast %jit3A : f32 to vector<180x128xf32>
    %select_n3A = arith.select %lt3A_28, %add3A_17, %broadcast_in_dim3A : vector<180x128xi1>, vector<180x128xf32>
    %mul3A_29 = arith.constant 180 : i32
    %mul3A_30 = arith.muli %arg0, %mul3A_29 : i32
    %swap3A = arith.index_cast %mul3A_30 : i32 to index
    %swap3A_31 = arith.constant 0 : index
    %swap3A_32 = vector.load %arg4[%swap3A, %swap3A_31] : memref<720x128xf32, #tpu.memory_space<vmem>>, vector<180x128xf32>
    tpu.vector_store %arg4[%swap3A, %swap3A_31], %select_n3A {strides = array<i32>} : memref<720x128xf32, #tpu.memory_space<vmem>>, vector<180x128xf32>,
    %eq3A = arith.constant 3 : i32
    %eq3A_33 = arith.cmpi eq, %arg0, %eq3A : i32
    %convert_element_type3A = arith.extui %eq3A_33 : i1 to i32
    %cond3A = arith.constant 0 : i32
    %cond3A_34 = arith.cmpi ne, %convert_element_type3A, %cond3A : i32
    scf.if %cond3A_34 {
      %get3A_35 = arith.constant 0 : index
      %get3A_36 = arith.constant 0 : index
      %get3A_37 = vector.load %arg4[%get3A_35, %get3A_36] : memref<720x128xf32, #tpu.memory_space<vmem>>, vector<720x128xf32>
      %iota3A_38 = tpu.iota {dimensions = array<i32: 0>} : vector<720x128xi32>
      %mul3A_39 = arith.constant 128 : i32
      %mul3A_40 = vector.broadcast %mul3A_39 : i32 to vector<720x128xi32>
      %mul3A_41 = arith.muli %iota3A_38, %mul3A_40 : vector<720x128xi32>
      %iota3A_42 = tpu.iota {dimensions = array<i32: 1>} : vector<720x128xi32>
      %add3A_43 = arith.addi %mul3A_41, %iota3A_42 : vector<720x128xi32>
      %iota3A_44 = tpu.iota {dimensions = array<i32: 0>} : vector<8x128xi32>
      %iota3A_45 = tpu.iota {dimensions = array<i32: 1>} : vector<8x128xi32>
      %broadcast_in_dim3A_46 = arith.constant 0x7F800000 : f32
      %broadcast_in_dim3A_47 = vector.broadcast %broadcast_in_dim3A_46 : f32 to vector<8x128xf32>
      %reduce_min3A = vector.shape_cast %get3A_37 : vector<720x128xf32> to vector<1x720x128xf32>
      %reduce_min3A_48 = arith.constant dense<0x7F800000> : vector<1xf32>
      %reduce_min3A_49 = vector.multi_reduction <minimumf>, %reduce_min3A, %reduce_min3A_48 [1, 2] : vector<1x720x128xf32> to vector<1xf32>
      %reduce_min3A_50 = vector.shape_cast %reduce_min3A_49 : vector<1xf32> to vector<1x1x1xf32>
      %reduce_min3A_51 = vector.extract %reduce_min3A_50[0, 0, 0] : f32 from vector<1x1x1xf32>
      %eq3A_52 = arith.constant 0 : i32
      %eq3A_53 = vector.broadcast %eq3A_52 : i32 to vector<8x128xi32>
      %eq3A_54 = arith.cmpi eq, %iota3A_44, %eq3A_53 : vector<8x128xi32>
      %eq3A_55 = arith.constant 0 : i32
      %eq3A_56 = vector.broadcast %eq3A_55 : i32 to vector<8x128xi32>
      %eq3A_57 = arith.cmpi eq, %iota3A_45, %eq3A_56 : vector<8x128xi32>
      %and3A = arith.andi %eq3A_54, %eq3A_57 : vector<8x128xi1>
      %broadcast_in_dim3A_58 = vector.broadcast %reduce_min3A_51 : f32 to vector<8x128xf32>
      %select_n3A_59 = arith.select %and3A, %broadcast_in_dim3A_58, %broadcast_in_dim3A_47 : vector<8x128xi1>, vector<8x128xf32>
      %eq3A_60 = vector.broadcast %reduce_min3A_51 : f32 to vector<720x128xf32>
      %eq3A_61 = arith.cmpf oeq, %get3A_37, %eq3A_60 : vector<720x128xf32>
      %jit3A_62 = arith.constant 2147483647 : i32
      %broadcast_in_dim3A_63 = vector.broadcast %jit3A_62 : i32 to vector<720x128xi32>
      %select_n3A_64 = arith.select %eq3A_61, %add3A_43, %broadcast_in_dim3A_63 : vector<720x128xi1>, vector<720x128xi32>
      %reduce_min3A_65 = vector.shape_cast %select_n3A_64 : vector<720x128xi32> to vector<1x720x128xi32>
      %reduce_min3A_66 = arith.constant dense<2147483647> : vector<1xi32>
      %reduce_min3A_67 = vector.multi_reduction <minsi>, %reduce_min3A_65, %reduce_min3A_66 [1, 2] : vector<1x720x128xi32> to vector<1xi32>
      %reduce_min3A_68 = vector.shape_cast %reduce_min3A_67 : vector<1xi32> to vector<1x1x1xi32>
      %reduce_min3A_69 = vector.extract %reduce_min3A_68[0, 0, 0] : i32 from vector<1x1x1xi32>
      %eq3A_70 = vector.broadcast %reduce_min3A_69 : i32 to vector<720x128xi32>
      %eq3A_71 = arith.cmpi eq, %add3A_43, %eq3A_70 : vector<720x128xi32>
      %jit3A_72 = arith.constant 0x7F800000 : f32
      %broadcast_in_dim3A_73 = vector.broadcast %jit3A_72 : f32 to vector<720x128xf32>
      %select_n3A_74 = arith.select %eq3A_71, %broadcast_in_dim3A_73, %get3A_37 : vector<720x128xi1>, vector<720x128xf32>
      %reduce_min3A_75 = vector.shape_cast %select_n3A_74 : vector<720x128xf32> to vector<1x720x128xf32>
      %reduce_min3A_76 = arith.constant dense<0x7F800000> : vector<1xf32>
      %reduce_min3A_77 = vector.multi_reduction <minimumf>, %reduce_min3A_75, %reduce_min3A_76 [1, 2] : vector<1x720x128xf32> to vector<1xf32>
      %reduce_min3A_78 = vector.shape_cast %reduce_min3A_77 : vector<1xf32> to vector<1x1x1xf32>
      %reduce_min3A_79 = vector.extract %reduce_min3A_78[0, 0, 0] : f32 from vector<1x1x1xf32>
      %eq3A_80 = arith.constant 0 : i32
      %eq3A_81 = vector.broadcast %eq3A_80 : i32 to vector<8x128xi32>
      %eq3A_82 = arith.cmpi eq, %iota3A_44, %eq3A_81 : vector<8x128xi32>
      %eq3A_83 = arith.constant 1 : i32
      %eq3A_84 = vector.broadcast %eq3A_83 : i32 to vector<8x128xi32>
      %eq3A_85 = arith.cmpi eq, %iota3A_45, %eq3A_84 : vector<8x128xi32>
      %and3A_86 = arith.andi %eq3A_82, %eq3A_85 : vector<8x128xi1>
      %broadcast_in_dim3A_87 = vector.broadcast %reduce_min3A_79 : f32 to vector<8x128xf32>
      %select_n3A_88 = arith.select %and3A_86, %broadcast_in_dim3A_87, %select_n3A_59 : vector<8x128xi1>, vector<8x128xf32>
      %eq3A_89 = vector.broadcast %reduce_min3A_79 : f32 to vector<720x128xf32>
      %eq3A_90 = arith.cmpf oeq, %select_n3A_74, %eq3A_89 : vector<720x128xf32>
      %jit3A_91 = arith.constant 2147483647 : i32
      %broadcast_in_dim3A_92 = vector.broadcast %jit3A_91 : i32 to vector<720x128xi32>
      %select_n3A_93 = arith.select %eq3A_90, %add3A_43, %broadcast_in_dim3A_92 : vector<720x128xi1>, vector<720x128xi32>
      %reduce_min3A_94 = vector.shape_cast %select_n3A_93 : vector<720x128xi32> to vector<1x720x128xi32>
      %reduce_min3A_95 = arith.constant dense<2147483647> : vector<1xi32>
      %reduce_min3A_96 = vector.multi_reduction <minsi>, %reduce_min3A_94, %reduce_min3A_95 [1, 2] : vector<1x720x128xi32> to vector<1xi32>
      %reduce_min3A_97 = vector.shape_cast %reduce_min3A_96 : vector<1xi32> to vector<1x1x1xi32>
      %reduce_min3A_98 = vector.extract %reduce_min3A_97[0, 0, 0] : i32 from vector<1x1x1xi32>
      %eq3A_99 = vector.broadcast %reduce_min3A_98 : i32 to vector<720x128xi32>
      %eq3A_100 = arith.cmpi eq, %add3A_43, %eq3A_99 : vector<720x128xi32>
      %jit3A_101 = arith.constant 0x7F800000 : f32
      %broadcast_in_dim3A_102 = vector.broadcast %jit3A_101 : f32 to vector<720x128xf32>
      %select_n3A_103 = arith.select %eq3A_100, %broadcast_in_dim3A_102, %select_n3A_74 : vector<720x128xi1>, vector<720x128xf32>
      %reduce_min3A_104 = vector.shape_cast %select_n3A_103 : vector<720x128xf32> to vector<1x720x128xf32>
      %reduce_min3A_105 = arith.constant dense<0x7F800000> : vector<1xf32>
      %reduce_min3A_106 = vector.multi_reduction <minimumf>, %reduce_min3A_104, %reduce_min3A_105 [1, 2] : vector<1x720x128xf32> to vector<1xf32>
      %reduce_min3A_107 = vector.shape_cast %reduce_min3A_106 : vector<1xf32> to vector<1x1x1xf32>
      %reduce_min3A_108 = vector.extract %reduce_min3A_107[0, 0, 0] : f32 from vector<1x1x1xf32>
      %eq3A_109 = arith.constant 0 : i32
      %eq3A_110 = vector.broadcast %eq3A_109 : i32 to vector<8x128xi32>
      %eq3A_111 = arith.cmpi eq, %iota3A_44, %eq3A_110 : vector<8x128xi32>
      %eq3A_112 = arith.constant 2 : i32
      %eq3A_113 = vector.broadcast %eq3A_112 : i32 to vector<8x128xi32>
      %eq3A_114 = arith.cmpi eq, %iota3A_45, %eq3A_113 : vector<8x128xi32>
      %and3A_115 = arith.andi %eq3A_111, %eq3A_114 : vector<8x128xi1>
      %broadcast_in_dim3A_116 = vector.broadcast %reduce_min3A_108 : f32 to vector<8x128xf32>
      %select_n3A_117 = arith.select %and3A_115, %broadcast_in_dim3A_116, %select_n3A_88 : vector<8x128xi1>, vector<8x128xf32>
      %eq3A_118 = vector.broadcast %reduce_min3A_108 : f32 to vector<720x128xf32>
      %eq3A_119 = arith.cmpf oeq, %select_n3A_103, %eq3A_118 : vector<720x128xf32>
      %jit3A_120 = arith.constant 2147483647 : i32
      %broadcast_in_dim3A_121 = vector.broadcast %jit3A_120 : i32 to vector<720x128xi32>
      %select_n3A_122 = arith.select %eq3A_119, %add3A_43, %broadcast_in_dim3A_121 : vector<720x128xi1>, vector<720x128xi32>
      %reduce_min3A_123 = vector.shape_cast %select_n3A_122 : vector<720x128xi32> to vector<1x720x128xi32>
      %reduce_min3A_124 = arith.constant dense<2147483647> : vector<1xi32>
      %reduce_min3A_125 = vector.multi_reduction <minsi>, %reduce_min3A_123, %reduce_min3A_124 [1, 2] : vector<1x720x128xi32> to vector<1xi32>
      %reduce_min3A_126 = vector.shape_cast %reduce_min3A_125 : vector<1xi32> to vector<1x1x1xi32>
      %reduce_min3A_127 = vector.extract %reduce_min3A_126[0, 0, 0] : i32 from vector<1x1x1xi32>
      %eq3A_128 = vector.broadcast %reduce_min3A_127 : i32 to vector<720x128xi32>
      %eq3A_129 = arith.cmpi eq, %add3A_43, %eq3A_128 : vector<720x128xi32>
      %jit3A_130 = arith.constant 0x7F800000 : f32
      %broadcast_in_dim3A_131 = vector.broadcast %jit3A_130 : f32 to vector<720x128xf32>
      %select_n3A_132 = arith.select %eq3A_129, %broadcast_in_dim3A_131, %select_n3A_103 : vector<720x128xi1>, vector<720x128xf32>
      %reduce_min3A_133 = vector.shape_cast %select_n3A_132 : vector<720x128xf32> to vector<1x720x128xf32>
      %reduce_min3A_134 = arith.constant dense<0x7F800000> : vector<1xf32>
      %reduce_min3A_135 = vector.multi_reduction <minimumf>, %reduce_min3A_133, %reduce_min3A_134 [1, 2] : vector<1x720x128xf32> to vector<1xf32>
      %reduce_min3A_136 = vector.shape_cast %reduce_min3A_135 : vector<1xf32> to vector<1x1x1xf32>
      %reduce_min3A_137 = vector.extract %reduce_min3A_136[0, 0, 0] : f32 from vector<1x1x1xf32>
      %eq3A_138 = arith.constant 0 : i32
      %eq3A_139 = vector.broadcast %eq3A_138 : i32 to vector<8x128xi32>
      %eq3A_140 = arith.cmpi eq, %iota3A_44, %eq3A_139 : vector<8x128xi32>
      %eq3A_141 = arith.constant 3 : i32
      %eq3A_142 = vector.broadcast %eq3A_141 : i32 to vector<8x128xi32>
      %eq3A_143 = arith.cmpi eq, %iota3A_45, %eq3A_142 : vector<8x128xi32>
      %and3A_144 = arith.andi %eq3A_140, %eq3A_143 : vector<8x128xi1>
      %broadcast_in_dim3A_145 = vector.broadcast %reduce_min3A_137 : f32 to vector<8x128xf32>
      %select_n3A_146 = arith.select %and3A_144, %broadcast_in_dim3A_145, %select_n3A_117 : vector<8x128xi1>, vector<8x128xf32>
      %eq3A_147 = vector.broadcast %reduce_min3A_137 : f32 to vector<720x128xf32>
      %eq3A_148 = arith.cmpf oeq, %select_n3A_132, %eq3A_147 : vector<720x128xf32>
      %jit3A_149 = arith.constant 2147483647 : i32
      %broadcast_in_dim3A_150 = vector.broadcast %jit3A_149 : i32 to vector<720x128xi32>
      %select_n3A_151 = arith.select %eq3A_148, %add3A_43, %broadcast_in_dim3A_150 : vector<720x128xi1>, vector<720x128xi32>
      %reduce_min3A_152 = vector.shape_cast %select_n3A_151 : vector<720x128xi32> to vector<1x720x128xi32>
      %reduce_min3A_153 = arith.constant dense<2147483647> : vector<1xi32>
      %reduce_min3A_154 = vector.multi_reduction <minsi>, %reduce_min3A_152, %reduce_min3A_153 [1, 2] : vector<1x720x128xi32> to vector<1xi32>
      %reduce_min3A_155 = vector.shape_cast %reduce_min3A_154 : vector<1xi32> to vector<1x1x1xi32>
      %reduce_min3A_156 = vector.extract %reduce_min3A_155[0, 0, 0] : i32 from vector<1x1x1xi32>
      %eq3A_157 = vector.broadcast %reduce_min3A_156 : i32 to vector<720x128xi32>
      %eq3A_158 = arith.cmpi eq, %add3A_43, %eq3A_157 : vector<720x128xi32>
      %jit3A_159 = arith.constant 0x7F800000 : f32
      %broadcast_in_dim3A_160 = vector.broadcast %jit3A_159 : f32 to vector<720x128xf32>
      %select_n3A_161 = arith.select %eq3A_158, %broadcast_in_dim3A_160, %select_n3A_132 : vector<720x128xi1>, vector<720x128xf32>
      %reduce_min3A_162 = vector.shape_cast %select_n3A_161 : vector<720x128xf32> to vector<1x720x128xf32>
      %reduce_min3A_163 = arith.constant dense<0x7F800000> : vector<1xf32>
      %reduce_min3A_164 = vector.multi_reduction <minimumf>, %reduce_min3A_162, %reduce_min3A_163 [1, 2] : vector<1x720x128xf32> to vector<1xf32>
      %reduce_min3A_165 = vector.shape_cast %reduce_min3A_164 : vector<1xf32> to vector<1x1x1xf32>
      %reduce_min3A_166 = vector.extract %reduce_min3A_165[0, 0, 0] : f32 from vector<1x1x1xf32>
      %eq3A_167 = arith.constant 0 : i32
      %eq3A_168 = vector.broadcast %eq3A_167 : i32 to vector<8x128xi32>
      %eq3A_169 = arith.cmpi eq, %iota3A_44, %eq3A_168 : vector<8x128xi32>
      %eq3A_170 = arith.constant 4 : i32
      %eq3A_171 = vector.broadcast %eq3A_170 : i32 to vector<8x128xi32>
      %eq3A_172 = arith.cmpi eq, %iota3A_45, %eq3A_171 : vector<8x128xi32>
      %and3A_173 = arith.andi %eq3A_169, %eq3A_172 : vector<8x128xi1>
      %broadcast_in_dim3A_174 = vector.broadcast %reduce_min3A_166 : f32 to vector<8x128xf32>
      %select_n3A_175 = arith.select %and3A_173, %broadcast_in_dim3A_174, %select_n3A_146 : vector<8x128xi1>, vector<8x128xf32>
      %eq3A_176 = vector.broadcast %reduce_min3A_166 : f32 to vector<720x128xf32>
      %eq3A_177 = arith.cmpf oeq, %select_n3A_161, %eq3A_176 : vector<720x128xf32>
      %jit3A_178 = arith.constant 2147483647 : i32
      %broadcast_in_dim3A_179 = vector.broadcast %jit3A_178 : i32 to vector<720x128xi32>
      %select_n3A_180 = arith.select %eq3A_177, %add3A_43, %broadcast_in_dim3A_179 : vector<720x128xi1>, vector<720x128xi32>
      %reduce_min3A_181 = vector.shape_cast %select_n3A_180 : vector<720x128xi32> to vector<1x720x128xi32>
      %reduce_min3A_182 = arith.constant dense<2147483647> : vector<1xi32>
      %reduce_min3A_183 = vector.multi_reduction <minsi>, %reduce_min3A_181, %reduce_min3A_182 [1, 2] : vector<1x720x128xi32> to vector<1xi32>
      %reduce_min3A_184 = vector.shape_cast %reduce_min3A_183 : vector<1xi32> to vector<1x1x1xi32>
      %reduce_min3A_185 = vector.extract %reduce_min3A_184[0, 0, 0] : i32 from vector<1x1x1xi32>
      %eq3A_186 = vector.broadcast %reduce_min3A_185 : i32 to vector<720x128xi32>
      %eq3A_187 = arith.cmpi eq, %add3A_43, %eq3A_186 : vector<720x128xi32>
      %jit3A_188 = arith.constant 0x7F800000 : f32
      %broadcast_in_dim3A_189 = vector.broadcast %jit3A_188 : f32 to vector<720x128xf32>
      %select_n3A_190 = arith.select %eq3A_187, %broadcast_in_dim3A_189, %select_n3A_161 : vector<720x128xi1>, vector<720x128xf32>
      %reduce_min3A_191 = vector.shape_cast %select_n3A_190 : vector<720x128xf32> to vector<1x720x128xf32>
      %reduce_min3A_192 = arith.constant dense<0x7F800000> : vector<1xf32>
      %reduce_min3A_193 = vector.multi_reduction <minimumf>, %reduce_min3A_191, %reduce_min3A_192 [1, 2] : vector<1x720x128xf32> to vector<1xf32>
      %reduce_min3A_194 = vector.shape_cast %reduce_min3A_193 : vector<1xf32> to vector<1x1x1xf32>
      %reduce_min3A_195 = vector.extract %reduce_min3A_194[0, 0, 0] : f32 from vector<1x1x1xf32>
      %eq3A_196 = arith.constant 0 : i32
      %eq3A_197 = vector.broadcast %eq3A_196 : i32 to vector<8x128xi32>
      %eq3A_198 = arith.cmpi eq, %iota3A_44, %eq3A_197 : vector<8x128xi32>
      %eq3A_199 = arith.constant 5 : i32
      %eq3A_200 = vector.broadcast %eq3A_199 : i32 to vector<8x128xi32>
      %eq3A_201 = arith.cmpi eq, %iota3A_45, %eq3A_200 : vector<8x128xi32>
      %and3A_202 = arith.andi %eq3A_198, %eq3A_201 : vector<8x128xi1>
      %broadcast_in_dim3A_203 = vector.broadcast %reduce_min3A_195 : f32 to vector<8x128xf32>
      %select_n3A_204 = arith.select %and3A_202, %broadcast_in_dim3A_203, %select_n3A_175 : vector<8x128xi1>, vector<8x128xf32>
      %eq3A_205 = vector.broadcast %reduce_min3A_195 : f32 to vector<720x128xf32>
      %eq3A_206 = arith.cmpf oeq, %select_n3A_190, %eq3A_205 : vector<720x128xf32>
      %jit3A_207 = arith.constant 2147483647 : i32
      %broadcast_in_dim3A_208 = vector.broadcast %jit3A_207 : i32 to vector<720x128xi32>
      %select_n3A_209 = arith.select %eq3A_206, %add3A_43, %broadcast_in_dim3A_208 : vector<720x128xi1>, vector<720x128xi32>
      %reduce_min3A_210 = vector.shape_cast %select_n3A_209 : vector<720x128xi32> to vector<1x720x128xi32>
      %reduce_min3A_211 = arith.constant dense<2147483647> : vector<1xi32>
      %reduce_min3A_212 = vector.multi_reduction <minsi>, %reduce_min3A_210, %reduce_min3A_211 [1, 2] : vector<1x720x128xi32> to vector<1xi32>
      %reduce_min3A_213 = vector.shape_cast %reduce_min3A_212 : vector<1xi32> to vector<1x1x1xi32>
      %reduce_min3A_214 = vector.extract %reduce_min3A_213[0, 0, 0] : i32 from vector<1x1x1xi32>
      %eq3A_215 = vector.broadcast %reduce_min3A_214 : i32 to vector<720x128xi32>
      %eq3A_216 = arith.cmpi eq, %add3A_43, %eq3A_215 : vector<720x128xi32>
      %jit3A_217 = arith.constant 0x7F800000 : f32
      %broadcast_in_dim3A_218 = vector.broadcast %jit3A_217 : f32 to vector<720x128xf32>
      %select_n3A_219 = arith.select %eq3A_216, %broadcast_in_dim3A_218, %select_n3A_190 : vector<720x128xi1>, vector<720x128xf32>
      %reduce_min3A_220 = vector.shape_cast %select_n3A_219 : vector<720x128xf32> to vector<1x720x128xf32>
      %reduce_min3A_221 = arith.constant dense<0x7F800000> : vector<1xf32>
      %reduce_min3A_222 = vector.multi_reduction <minimumf>, %reduce_min3A_220, %reduce_min3A_221 [1, 2] : vector<1x720x128xf32> to vector<1xf32>
      %reduce_min3A_223 = vector.shape_cast %reduce_min3A_222 : vector<1xf32> to vector<1x1x1xf32>
      %reduce_min3A_224 = vector.extract %reduce_min3A_223[0, 0, 0] : f32 from vector<1x1x1xf32>
      %eq3A_225 = arith.constant 0 : i32
      %eq3A_226 = vector.broadcast %eq3A_225 : i32 to vector<8x128xi32>
      %eq3A_227 = arith.cmpi eq, %iota3A_44, %eq3A_226 : vector<8x128xi32>
      %eq3A_228 = arith.constant 6 : i32
      %eq3A_229 = vector.broadcast %eq3A_228 : i32 to vector<8x128xi32>
      %eq3A_230 = arith.cmpi eq, %iota3A_45, %eq3A_229 : vector<8x128xi32>
      %and3A_231 = arith.andi %eq3A_227, %eq3A_230 : vector<8x128xi1>
      %broadcast_in_dim3A_232 = vector.broadcast %reduce_min3A_224 : f32 to vector<8x128xf32>
      %select_n3A_233 = arith.select %and3A_231, %broadcast_in_dim3A_232, %select_n3A_204 : vector<8x128xi1>, vector<8x128xf32>
      %eq3A_234 = vector.broadcast %reduce_min3A_224 : f32 to vector<720x128xf32>
      %eq3A_235 = arith.cmpf oeq, %select_n3A_219, %eq3A_234 : vector<720x128xf32>
      %jit3A_236 = arith.constant 2147483647 : i32
      %broadcast_in_dim3A_237 = vector.broadcast %jit3A_236 : i32 to vector<720x128xi32>
      %select_n3A_238 = arith.select %eq3A_235, %add3A_43, %broadcast_in_dim3A_237 : vector<720x128xi1>, vector<720x128xi32>
      %reduce_min3A_239 = vector.shape_cast %select_n3A_238 : vector<720x128xi32> to vector<1x720x128xi32>
      %reduce_min3A_240 = arith.constant dense<2147483647> : vector<1xi32>
      %reduce_min3A_241 = vector.multi_reduction <minsi>, %reduce_min3A_239, %reduce_min3A_240 [1, 2] : vector<1x720x128xi32> to vector<1xi32>
      %reduce_min3A_242 = vector.shape_cast %reduce_min3A_241 : vector<1xi32> to vector<1x1x1xi32>
      %reduce_min3A_243 = vector.extract %reduce_min3A_242[0, 0, 0] : i32 from vector<1x1x1xi32>
      %eq3A_244 = vector.broadcast %reduce_min3A_243 : i32 to vector<720x128xi32>
      %eq3A_245 = arith.cmpi eq, %add3A_43, %eq3A_244 : vector<720x128xi32>
      %jit3A_246 = arith.constant 0x7F800000 : f32
      %broadcast_in_dim3A_247 = vector.broadcast %jit3A_246 : f32 to vector<720x128xf32>
      %select_n3A_248 = arith.select %eq3A_245, %broadcast_in_dim3A_247, %select_n3A_219 : vector<720x128xi1>, vector<720x128xf32>
      %reduce_min3A_249 = vector.shape_cast %select_n3A_248 : vector<720x128xf32> to vector<1x720x128xf32>
      %reduce_min3A_250 = arith.constant dense<0x7F800000> : vector<1xf32>
      %reduce_min3A_251 = vector.multi_reduction <minimumf>, %reduce_min3A_249, %reduce_min3A_250 [1, 2] : vector<1x720x128xf32> to vector<1xf32>
      %reduce_min3A_252 = vector.shape_cast %reduce_min3A_251 : vector<1xf32> to vector<1x1x1xf32>
      %reduce_min3A_253 = vector.extract %reduce_min3A_252[0, 0, 0] : f32 from vector<1x1x1xf32>
      %eq3A_254 = arith.constant 0 : i32
      %eq3A_255 = vector.broadcast %eq3A_254 : i32 to vector<8x128xi32>
      %eq3A_256 = arith.cmpi eq, %iota3A_44, %eq3A_255 : vector<8x128xi32>
      %eq3A_257 = arith.constant 7 : i32
      %eq3A_258 = vector.broadcast %eq3A_257 : i32 to vector<8x128xi32>
      %eq3A_259 = arith.cmpi eq, %iota3A_45, %eq3A_258 : vector<8x128xi32>
      %and3A_260 = arith.andi %eq3A_256, %eq3A_259 : vector<8x128xi1>
      %broadcast_in_dim3A_261 = vector.broadcast %reduce_min3A_253 : f32 to vector<8x128xf32>
      %select_n3A_262 = arith.select %and3A_260, %broadcast_in_dim3A_261, %select_n3A_233 : vector<8x128xi1>, vector<8x128xf32>
      %eq3A_263 = vector.broadcast %reduce_min3A_253 : f32 to vector<720x128xf32>
      %eq3A_264 = arith.cmpf oeq, %select_n3A_248, %eq3A_263 : vector<720x128xf32>
      %jit3A_265 = arith.constant 2147483647 : i32
      %broadcast_in_dim3A_266 = vector.broadcast %jit3A_265 : i32 to vector<720x128xi32>
      %select_n3A_267 = arith.select %eq3A_264, %add3A_43, %broadcast_in_dim3A_266 : vector<720x128xi1>, vector<720x128xi32>
      %reduce_min3A_268 = vector.shape_cast %select_n3A_267 : vector<720x128xi32> to vector<1x720x128xi32>
      %reduce_min3A_269 = arith.constant dense<2147483647> : vector<1xi32>
      %reduce_min3A_270 = vector.multi_reduction <minsi>, %reduce_min3A_268, %reduce_min3A_269 [1, 2] : vector<1x720x128xi32> to vector<1xi32>
      %reduce_min3A_271 = vector.shape_cast %reduce_min3A_270 : vector<1xi32> to vector<1x1x1xi32>
      %reduce_min3A_272 = vector.extract %reduce_min3A_271[0, 0, 0] : i32 from vector<1x1x1xi32>
      %eq3A_273 = vector.broadcast %reduce_min3A_272 : i32 to vector<720x128xi32>
      %eq3A_274 = arith.cmpi eq, %add3A_43, %eq3A_273 : vector<720x128xi32>
      %jit3A_275 = arith.constant 0x7F800000 : f32
      %broadcast_in_dim3A_276 = vector.broadcast %jit3A_275 : f32 to vector<720x128xf32>
      %select_n3A_277 = arith.select %eq3A_274, %broadcast_in_dim3A_276, %select_n3A_248 : vector<720x128xi1>, vector<720x128xf32>
      %reduce_min3A_278 = vector.shape_cast %select_n3A_277 : vector<720x128xf32> to vector<1x720x128xf32>
      %reduce_min3A_279 = arith.constant dense<0x7F800000> : vector<1xf32>
      %reduce_min3A_280 = vector.multi_reduction <minimumf>, %reduce_min3A_278, %reduce_min3A_279 [1, 2] : vector<1x720x128xf32> to vector<1xf32>
      %reduce_min3A_281 = vector.shape_cast %reduce_min3A_280 : vector<1xf32> to vector<1x1x1xf32>
      %reduce_min3A_282 = vector.extract %reduce_min3A_281[0, 0, 0] : f32 from vector<1x1x1xf32>
      %eq3A_283 = arith.constant 0 : i32
      %eq3A_284 = vector.broadcast %eq3A_283 : i32 to vector<8x128xi32>
      %eq3A_285 = arith.cmpi eq, %iota3A_44, %eq3A_284 : vector<8x128xi32>
      %eq3A_286 = arith.constant 8 : i32
      %eq3A_287 = vector.broadcast %eq3A_286 : i32 to vector<8x128xi32>
      %eq3A_288 = arith.cmpi eq, %iota3A_45, %eq3A_287 : vector<8x128xi32>
      %and3A_289 = arith.andi %eq3A_285, %eq3A_288 : vector<8x128xi1>
      %broadcast_in_dim3A_290 = vector.broadcast %reduce_min3A_282 : f32 to vector<8x128xf32>
      %select_n3A_291 = arith.select %and3A_289, %broadcast_in_dim3A_290, %select_n3A_262 : vector<8x128xi1>, vector<8x128xf32>
      %eq3A_292 = vector.broadcast %reduce_min3A_282 : f32 to vector<720x128xf32>
      %eq3A_293 = arith.cmpf oeq, %select_n3A_277, %eq3A_292 : vector<720x128xf32>
      %jit3A_294 = arith.constant 2147483647 : i32
      %broadcast_in_dim3A_295 = vector.broadcast %jit3A_294 : i32 to vector<720x128xi32>
      %select_n3A_296 = arith.select %eq3A_293, %add3A_43, %broadcast_in_dim3A_295 : vector<720x128xi1>, vector<720x128xi32>
      %reduce_min3A_297 = vector.shape_cast %select_n3A_296 : vector<720x128xi32> to vector<1x720x128xi32>
      %reduce_min3A_298 = arith.constant dense<2147483647> : vector<1xi32>
      %reduce_min3A_299 = vector.multi_reduction <minsi>, %reduce_min3A_297, %reduce_min3A_298 [1, 2] : vector<1x720x128xi32> to vector<1xi32>
      %reduce_min3A_300 = vector.shape_cast %reduce_min3A_299 : vector<1xi32> to vector<1x1x1xi32>
      %reduce_min3A_301 = vector.extract %reduce_min3A_300[0, 0, 0] : i32 from vector<1x1x1xi32>
      %eq3A_302 = vector.broadcast %reduce_min3A_301 : i32 to vector<720x128xi32>
      %eq3A_303 = arith.cmpi eq, %add3A_43, %eq3A_302 : vector<720x128xi32>
      %jit3A_304 = arith.constant 0x7F800000 : f32
      %broadcast_in_dim3A_305 = vector.broadcast %jit3A_304 : f32 to vector<720x128xf32>
      %select_n3A_306 = arith.select %eq3A_303, %broadcast_in_dim3A_305, %select_n3A_277 : vector<720x128xi1>, vector<720x128xf32>
      %reduce_min3A_307 = vector.shape_cast %select_n3A_306 : vector<720x128xf32> to vector<1x720x128xf32>
      %reduce_min3A_308 = arith.constant dense<0x7F800000> : vector<1xf32>
      %reduce_min3A_309 = vector.multi_reduction <minimumf>, %reduce_min3A_307, %reduce_min3A_308 [1, 2] : vector<1x720x128xf32> to vector<1xf32>
      %reduce_min3A_310 = vector.shape_cast %reduce_min3A_309 : vector<1xf32> to vector<1x1x1xf32>
      %reduce_min3A_311 = vector.extract %reduce_min3A_310[0, 0, 0] : f32 from vector<1x1x1xf32>
      %eq3A_312 = arith.constant 0 : i32
      %eq3A_313 = vector.broadcast %eq3A_312 : i32 to vector<8x128xi32>
      %eq3A_314 = arith.cmpi eq, %iota3A_44, %eq3A_313 : vector<8x128xi32>
      %eq3A_315 = arith.constant 9 : i32
      %eq3A_316 = vector.broadcast %eq3A_315 : i32 to vector<8x128xi32>
      %eq3A_317 = arith.cmpi eq, %iota3A_45, %eq3A_316 : vector<8x128xi32>
      %and3A_318 = arith.andi %eq3A_314, %eq3A_317 : vector<8x128xi1>
      %broadcast_in_dim3A_319 = vector.broadcast %reduce_min3A_311 : f32 to vector<8x128xf32>
      %select_n3A_320 = arith.select %and3A_318, %broadcast_in_dim3A_319, %select_n3A_291 : vector<8x128xi1>, vector<8x128xf32>
      %swap3A_321 = arith.constant 0 : index
      %swap3A_322 = arith.constant 0 : index
      %swap3A_323 = vector.load %arg3[%swap3A_321, %swap3A_322] : memref<8x128xf32, #tpu.memory_space<vmem>>, vector<8x128xf32>
      tpu.vector_store %arg3[%swap3A_321, %swap3A_322], %select_n3A_320 {strides = array<i32>} : memref<8x128xf32, #tpu.memory_space<vmem>>, vector<8x128xf32>,
    } else {
    }
    return
  }
  func.func @transform_0(%arg0: i32) -> (i32, i32) {
    %c0_i32 = arith.constant 0 : i32
    %c0_i32_0 = arith.constant 0 : i32
    %c0_i32_1 = arith.constant 0 : i32
    return %c0_i32, %c0_i32_0 : i32, i32
  }
  func.func @transform_1(%arg0: i32) -> (i32, i32) {
    %c0_i32 = arith.constant 0 : i32
    %c0_i32_0 = arith.constant 0 : i32
    return %arg0, %c0_i32 : i32, i32
  }
  func.func @transform_2(%arg0: i32) -> (i32, i32) {
    %c0_i32 = arith.constant 0 : i32
    %c0_i32_0 = arith.constant 0 : i32
    %c0_i32_1 = arith.constant 0 : i32
    return %c0_i32, %c0_i32_0 : i32, i32
  }
}

</mosaic_0001>

<sc_bundles>
// kernel: kernel.5.cloned.1.call-start
scs
__scs_entry_jumppad:
0x0: {  	(pc) =	sbr.rel $0x88, $3  }
0x1: {  	(tag) =	ssettag $0x0;
	lr =	simm.s32 $0x1  }
0x2: {  	[smem:$0x3F9E] =	sst lr;
	_ =	strace $0xD0000000  }
0x3: {  	_ = 	snop  }
0x4: {  	_ = 	snop  }
0x5: {  	_ = 	snop  }
0x6: {  	_ = 	snop  }
0x7: {  	_ = 	snop  }
__scs_overlays_trampoline_lowered:
0x8: {  	[smem:$0x3FAD] =	sst s0  }
0x9: {  	[smem:$0x3FAE] =	sst s1  }
0xa: {  	[smem:$0x3FAF] =	sst s2  }
0xb: {  	[smem:$0x3FB0] =	sst s3  }
0xc: {  	[smem:$0x3FB1] =	sst s4  }
0xd: {  	[smem:$0x3FB2] =	sst s5  }
0xe: {  	[smem:$0x3FB3] =	sst s6  }
0xf: {  	[smem:$0x3FB4] =	sst s7  }
0x10: {  	[smem:$0x3FB5] =	sst s8  }
0x11: {  	[smem:$0x3FB6] =	sst s9;
	s0 =	simm.s32 @!p0 $0x0  }
0x12: {  	s1 =	sld [smem:$0x3F9C];
	s0 =	simm.s32 @p0 $0x1  }
0x13: {  	[smem:$0x3FB7] =	sst s0;
	s0 =	simm.s32 @!p1 $0x0  }
0x14: {  	s2 =	sld [smem:$0x3F9B];
	s0 =	simm.s32 @p1 $0x1  }
0x15: {  	[smem:$0x3FB8] =	sst s0;
	s0 =	simm.s32 @!p2 $0x0  }
0x16: {  	s3 =	sld [smem:$0x3FDB];
	s0 =	simm.s32 @p2 $0x1  }
0x17: {  	s4 =	simm.s32 $0x1BF5;
	[smem:$0x3FBA] =	sst s0  }
0x18: {  	s0 =	sld [smem:$0x3F9D];
	_ =	swait.ge [sflag:s4], $0x0  }
0x19: {  	s7 =	sld [smem:$0x3F9E]  }
0x1a: {  	s8 =	sadd.s32 $0xFFFFE003, lr  }
0x1b: {  	s9 =	sadd.s32 $0xFFFFFEF7, lr;
	s5 =	simm.s32 $0xFFFFFFFF;
	p2 =	slt.u32 s8, $0xFFFFF086  }
0x1c: {  	p1 =	slt.u32 s9, $0xF7A;
	s5 =	simm.s32 @!p2 $0x0  }
0x1d: {  	s5 =	simm.s32 @p1 $0x1;
	p0 =	seq.s32 s7, s2  }
0x1e: {  	s7 =	smul.u32 @!p0 $0xF7A, s2;
	p2 =	seq.s32 @!p0 s5, $0x0  }
0x1f: {  	s9 =	smul.u32 $0xF7A, s1;
	s8 =	simm.s32 @!p0 $0x1BF5;
	p2 =	por !p2, p0  }
0x20: {  	[sflag:s8] =	ssyncset.s32 @!p0 $0xFFFFF086;
	s6 =	sadd.s32 @!p0 s3, s7;
	s7 =	simm.s32 @!p0 $0x108  }
0x21: {  	s3 =	sadd.s32 s3, s9;
	s6 =	sadd.s32 @!p0 $0x88, s6;
	s7 =	simm.s32 @p2 $0x1082  }
0x22: {  	[simem:s7], [sflag:s8] =	dma.local @!p0 [hbm:s6], $0xF7A  }
0x23: {  	s9 =	sor.u32 $0xD0000000, s2;
	s6 =	simm.s32 $0x108;
	_ =	swait.ge @!p0 [sflag:s8], $0x0  }
0x24: {  	s3 =	sadd.s32 $0x88, s3;
	s6 =	simm.s32 @!p1 $0x1082;
	[sflag:s4] =	ssyncset.s32 $0xFFFFF086  }
0x25: {  	[simem:s6], [sflag:s4] =	dma.local [hbm:s3], $0xF7A  }
0x26: {  	[smem:$0x3F9E] =	sst s1;
	(tag) =	ssettag s2;
	_ =	strace s9  }
0x27: {  	s1 =	sld [smem:$0x3FAE]  }
0x28: {  	s2 =	sld [smem:$0x3FAF]  }
0x29: {  	s4 =	sld [smem:$0x3FB1]  }
0x2a: {  	p0 =	seq.s32 s5, $0x0;
	s5 =	sld [smem:$0x3FB2]  }
0x2b: {  	s6 =	sld [smem:$0x3FB3]  }
0x2c: {  	s7 =	sld [smem:$0x3FB4]  }
0x2d: {  	s3 =	simm.s32 $0x108;
	s8 =	sld [smem:$0x3FB5]  }
0x2e: {  	s3 =	simm.s32 @!p0 $0x1082;
	s9 =	sld [smem:$0x3FB6]  }
0x2f: {  	lr =	sadd.s32 s0, s3;
	s0 =	sld [smem:$0x3FAD]  }
0x30: {  	s3 =	sld [smem:$0x3FB0]  }
0x31: {  	[smem:$0x3FB9] =	sst s10  }
0x32: {  	s10 =	sld [smem:$0x3FB7];
	_ =	sdelay $0x3  }
0x33: {  	p0 =	seq.s32 s10, $0x1;
	s10 =	sld [smem:$0x3FB9];
	_ =	sdelay $0x3  }
0x34: {  	[smem:$0x3FB9] =	sst s10  }
0x35: {  	s10 =	sld [smem:$0x3FB8];
	_ =	sdelay $0x3  }
0x36: {  	p1 =	seq.s32 s10, $0x1;
	s10 =	sld [smem:$0x3FB9];
	_ =	sdelay $0x3  }
0x37: {  	[smem:$0x3FB9] =	sst s10  }
0x38: {  	s10 =	sld [smem:$0x3FBA]  }
0x39: {  	_ = 	snop;
	(pc) =	sbr.ind lr, $3  }
0x3a: {  	_ = 	snop  }
0x3b: {  	_ = 	snop  }
0x3c: {  	p2 =	seq.s32 s10, $0x1;
	s10 =	sld [smem:$0x3FB9]  }
0x3d: {  	_ =	shalt  }
0x3e: {  	_ =	shalt  }
0x3f: {  	_ =	shalt  }
0x40: {  	_ =	shalt  }
0x41: {  	_ =	shalt  }
0x42: {  	_ =	shalt  }
0x43: {  	_ =	shalt  }
0x44: {  	_ =	shalt  }
0x45: {  	_ =	shalt  }
0x46: {  	_ =	shalt  }
0x47: {  	_ =	shalt  }
0x48: {  	_ =	shalt  }
0x49: {  	_ =	shalt  }
0x4a: {  	_ =	shalt  }
0x4b: {  	_ =	shalt  }
0x4c: {  	_ =	shalt  }
0x4d: {  	_ =	shalt  }
0x4e: {  	_ =	shalt  }
0x4f: {  	_ =	shalt  }
0x50: {  	_ =	shalt  }
0x51: {  	_ =	shalt  }
0x52: {  	_ =	shalt  }
0x53: {  	_ =	shalt  }
0x54: {  	_ =	shalt  }
0x55: {  	_ =	shalt  }
0x56: {  	_ =	shalt  }
0x57: {  	_ =	shalt  }
0x58: {  	_ =	shalt  }
0x59: {  	_ =	shalt  }
0x5a: {  	_ =	shalt  }
0x5b: {  	_ =	shalt  }
0x5c: {  	_ =	shalt  }
0x5d: {  	_ =	shalt  }
0x5e: {  	_ =	shalt  }
0x5f: {  	_ =	shalt  }
0x60: {  	_ =	shalt  }
0x61: {  	_ =	shalt  }
0x62: {  	_ =	shalt  }
0x63: {  	_ =	shalt  }
0x64: {  	_ =	shalt  }
0x65: {  	_ =	shalt  }
0x66: {  	_ =	shalt  }
0x67: {  	_ =	shalt  }
0x68: {  	_ =	shalt  }
0x69: {  	_ =	shalt  }
0x6a: {  	_ =	shalt  }
0x6b: {  	_ =	shalt  }
0x6c: {  	_ =	shalt  }
0x6d: {  	_ =	shalt  }
0x6e: {  	_ =	shalt  }
0x6f: {  	_ =	shalt  }
0x70: {  	_ =	shalt  }
0x71: {  	_ =	shalt  }
0x72: {  	_ =	shalt  }
0x73: {  	_ =	shalt  }
0x74: {  	_ =	shalt  }
0x75: {  	_ =	shalt  }
0x76: {  	_ =	shalt  }
0x77: {  	_ =	shalt  }
0x78: {  	_ =	shalt  }
0x79: {  	_ =	shalt  }
0x7a: {  	_ =	shalt  }
0x7b: {  	_ =	shalt  }
0x7c: {  	_ =	shalt  }
0x7d: {  	_ =	shalt  }
0x7e: {  	_ =	shalt  }
0x7f: {  	_ =	shalt  }
0x80: {  	_ =	shalt  }
0x81: {  	_ =	shalt  }
0x82: {  	_ =	shalt  }
0x83: {  	_ =	shalt  }
0x84: {  	_ =	shalt  }
0x85: {  	_ =	shalt  }
0x86: {  	_ =	shalt  }
0x87: {  	_ =	shalt  }
.Lfunc_end0:
.L_simem_size_0:
called_computation_lowered:
.L_overlay_start_0:
0x88: {  	s2 =	sld [smem:$0x3FD9]  }
0x89: {  	s3 =	sld [smem:$0x3FFE];
	_ =	sdelay $0x1  }
0x8a: {  	s1 =	srdreg.scid  }
0x8b: {  	s0 =	sand.u32 $0x1, s1  }
0x8c: {  	s17 =	sshll.u32 s0, $0xA;
	s2 =	sadd.s32 s3, s2  }
0x8d: {  	s2 =	sadd.s32 s2, s17  }
0x8e: {  	[smem:$0x3FC5] =	sst s2  }
0x8f: {  	_ = 	snop  }
0x90: {  	s2 =	sld [smem:$0x3FC9]  }
0x91: {  	s18 =	sld [smem:$0x3FC7];
	(tm) =	ssettm $0x1  }
0x92: {  	s4 =	sld [smem:$0x3FFB];
	_ =	sdelay $0x3  }
0x93: {  	_ =	strace s4  }
0x94: {  	s4 =	sld [smem:$0x3FFC];
	_ =	sdelay $0x3  }
0x95: {  	_ =	strace s4  }
0x96: {  	s4 =	sld [smem:$0x3FFD];
	_ =	sdelay $0x3  }
0x97: {  	_ =	strace s4  }
0x98: {  	_ =	strace $0x8FFFFFFF  }
0x99: {  	s19 =	sld [smem:$0x3FDB];
	_ =	sdelay $0x1  }
0x9a: {  	s5 =	simm.s32 $_scs_section_size  }
0x9b: {  	s6 =	simm.s32 $_size__tile_overlayer_lowered;
	s7 =	simm.s32 $_tile_overlayer_lowered  }
0x9c: {  	s22 =	simm.s32 $0x1BFF;
	s21 =	sshll.u32 s7, $0x1;
	s4 =	sadd.s32 s5, s19  }
0x9d: {  	s8 =	simm.s32 $0x0;
	s20 =	sshll.u32 s6, $0x1;
	s6 =	sadd.s32 s21, s4  }
0x9e: {  	[timem:s8], [sflag:s22] =	dma.local [hbm:s6], s20  }
0x9f: {  	_ =	swait.ge [sflag:s22], s20  }
0xa0: {  	s5 =	ssub.s32 $0x0, s20;
	[sflag:s22] =	ssyncset.done $0x0  }
0xa1: {  	[sflag:s22] =	ssyncadd.s32 s5;
	_ =	sdelay $0x1  }
0xa2: {  	s23 =	simm.s32 $0x1B8B  }
0xa3: {  	_ =	swait.ge [sflag:s23], $0x1  }
0xa4: {  	[sflag:s23] =	ssyncset.done $0x0  }
0xa5: {  	s25 =	simm.s32 $0x1B8E;
	s24 =	sld [smem:$0x3FFE];
	[sflag:s23] =	ssyncadd.s32 $0xFFFFFFFF  }
0xa6: {  	s26 =	simm.s32 $execute0_lowered;
	[smem:$0x3FD2] =	sst s25  }
0xa7: {  	s6 =	sshll.u32 s26, $0x1;
	_ =	strace $0x80000046;
	[dreg:$0x1] =	wrdreg $0xFFFFFFFF  }
0xa8: {  	s28 =	simm.s32 $_size_execute0_lowered;
	s4 =	sadd.s32 s4, s6;
	[dreg:$0x0] =	wrdreg $0x0  }
0xa9: {  	s6 =	sshll.u32 s28, $0x1;
	[dreg:$0x2] =	wrdreg s4  }
0xaa: {  	[dreg:$0x3] =	wrdreg s6  }
0xab: {  	[dreg:$0x4] =	wrdreg $0xC0  }
0xac: {  	_ =	task [dreg:s8], $0x5FFFF  }
0xad: {  	[dreg:$0x1] =	wrdreg $0xFFFFFFFF  }
0xae: {  	[dreg:$0x0] =	wrdreg $0x60  }
0xaf: {  	[dreg:$0x2] =	wrdreg s2  }
0xb0: {  	[dreg:$0x3] =	wrdreg s18  }
0xb1: {  	[dreg:$0x4] =	wrdreg s24  }
0xb2: {  	[dreg:$0x5] =	wrdreg $0x9  }
0xb3: {  	_ =	task.clear_ibuf [dreg:s8], $0x6FFFF;
	_ =	strace $0x90000046  }
0xb4: {  	s29 =	simm.s32 $0x9;
	_ =	strace $0x80000048  }
0xb5: {  	_ =	swait.ge [sflag:s29], $0x1  }
0xb6: {  	[sflag:s29] =	ssyncadd.s32 $0xFFFFFFFF  }
0xb7: {  	_ =	strace $0x90000048  }
0xb8: {  	_ =	sfence  }
0xb9: {  	s30 =	sld [smem:$0x0];
	_ =	sdelay $0x2  }
0xba: {  	s31 =	sshll.u32 s1, $0xD;
	s1 =	sshrl.u32 s1, $0x2  }
0xbb: {  	s3 =	sand.u32 $0x4000, s31;
	s1 =	sadd.s32 s1, s30  }
0xbc: {  	s0 =	sor.u32 s3, s0;
	s1 =	sshll.u32 s1, $0x11  }
0xbd: {  	s0 =	sor.u32 s1, s0  }
0xbe: {  	s0 =	sadd.s32 $0x8F2B, s0  }
0xbf: {  	[sflag:s0] =	ssyncadd.remote.s32 $0x1  }
0xc0: {  	_ =	sfence.sel $0xFFFF  }
0xc1: {  	[dreg:$0x0] =	wrdreg $0xFFFFFFFF;
	(pc) =	sbr.abs _section_cstart, $3  }
0xc2: {  	[dreg:$0x1] =	wrdreg $0xFFFFFFFF  }
0xc3: {  	_ =	task.clear_ibuf [dreg:s8], $0x2FFFF;
	_ =	strace $0x9FFFFFFF  }
0xc4: {  	(tm) =	ssettm $0x7FFFFFFF  }
0xc5: {  	_ =	shalt  }
tec
execute0_lowered:
.L_overlay_start_1:
0x0: {  	(tag) =	ssettag $0x1  }
0x1: {  	v0 =	vimm.s32 $0xEFCDAB89;
	v1 =	vimm.s32 $0x67452301  }
0x2: {  	v2 =	vimm.s32 $0xDCFE98BA;
	v3 =	vimm.s32 $0x54761032;
	v4 =	vimm.s32 $0xBA98FEDC  }
0x3: {  	v5 =	vimm.s32 $0x32107654;
	v6 =	vimm.s32 $0xFEDCBA98;
	v7 =	vimm.s32 $0x76543210  }
0x4: {  	vm0 =	vmmov $0x1;
	vm1 =	vmmov $0x3;
	vm2 =	vmmov $0x7  }
0x5: {  	s0 =	rddreg [dreg:$0x0];
	vm3 =	vmmov $0xf;
	vm4 =	vmmov $0x1f;
	vm5 =	vmmov $0x3f  }
0x6: {  	s4 =	rddreg [dreg:$0x1];
	vm6 =	vmmov $0x7f;
	vm7 =	vmmov $0xff;
	vm8 =	vmmov $0x1ff  }
0x7: {  	s5 =	rddreg [dreg:$0x2];
	vm9 =	vmmov $0x3ff;
	vm10 =	vmmov $0x7ff;
	vm11 =	vmmov $0xfff  }
0x8: {  	s1 =	rddreg [dreg:$0x3];
	vm12 =	vmmov $0x1fff;
	v0 =	vunpack.c.l.s4.s8 v0;
	v1 =	vunpack.c.l.s4.s8 v1  }
0x9: {  	s6 =	srdreg.scid;
	s3 =	simm.s32 $0x0;
	s2 =	stileid.u32;
	v2 =	vunpack.c.l.s4.s8 v2;
	v3 =	vunpack.c.l.s4.s8 v3;
	v4 =	vunpack.c.l.s4.s8 v4  }
0xa: {  	s9 =	simm.s32 $0x1;
	s10 =	simm.s32 $0x8080;
	v5 =	vunpack.c.l.s4.s8 v5;
	v6 =	vunpack.c.l.s4.s8 v6;
	v7 =	vunpack.c.l.s4.s8 v7;
	s6 =	sand.u32 $0x1, s6  }
0xb: {  	s11 =	simm.s32 $0x0;
	s7 =	sshll.u32 s2, $0x9;
	s8 =	sshll.u32 s6, $0x8;
	v0 =	vunpack.c.0.s8.s32 v0;
	v1 =	vunpack.c.0.s8.s32 v1;
	v2 =	vunpack.c.0.s8.s32 v2  }
0xc: {  	[smem:$0x7FF] =	sst s3;
	s6 =	ssub.s32 $0x2, s6;
	v3 =	vunpack.c.0.s8.s32 v3;
	v4 =	vunpack.c.0.s8.s32 v4;
	v5 =	vunpack.c.0.s8.s32 v5;
	s7 =	sor.u32 s8, s7  }
0xd: {  	vm13 =	vmmov $0x3fff;
	_ =	strace $0x80000047;
	s31 =	sshrl.u32 s6, $0x1;
	s8 =	sshrl.u32 s7, $0x3;
	v0 =	vcombine.low v1, v0;
	v1 =	vunpack.c.0.s8.s32 v6  }
0xe: {  	s7 =	sshll.u32 s7, $0x4;
	s6 =	ssub.s32 s6, s31;
	v2 =	vcombine.low v3, v2;
	v3 =	vcombine.low v5, v4;
	v4 =	vunpack.c.0.s8.s32 v7;
	s5 =	sadd.s32 s8, s5  }
0xf: {  	vm14 =	vmmov $0x7fff;
	s4 =	sadd.s32 s7, s4;
	s6 =	smax.u32 s6, $0x1;
	s7 =	simm.s32 $0x2;
	v0 =	vand.u32 $0xF, v0;
	v5 =	vand.u32 $0xF, v1  }
0x10: {  	s8 =	simm.s32 $0x80;
	s4 =	sadd.s32 $0x166A00, s4;
	s5 =	sadd.s32 $0xA00, s5;
	v1 =	vand.u32 $0xF, v2;
	v2 =	vand.u32 $0xF, v3;
	v3 =	vcombine.low v5, v4  }
.LBB2_1:
0x11: {  	[tilespmem:s3], [sflag:$0x2] =	stream.linear.gather [hbm4b:s0+s3], $0x80, $0x38;
	[tilespmem:$0x8180] =	vst v63  }
0x12: {  	_ =	swait.ge [sflag:s7], $0x80  }
0x13: {  	[sflag:s7] =	ssyncset.done $0x0  }
0x14: {  	[sflag:s7] =	ssyncadd.s32 $0xFFFFFF80  }
0x15: {  	v6 =	vld [tilespmem:$0x0]  }
0x16: {  	v5 =	vld [tilespmem:$0x10]  }
0x17: {  	v4 =	vld [tilespmem:$0x20]  }
0x18: {  	v7 =	vld [tilespmem:$0x30]  }
0x19: {  	v8 =	vld [tilespmem:$0x40]  }
0x1a: {  	v9 =	vld [tilespmem:$0x50]  }
0x1b: {  	v10 =	vld [tilespmem:$0x60]  }
0x1c: {  	v11 =	vld [tilespmem:$0x70];
	[tilespmem:s8], [sflag:$0x1] =	stream.linear.gather [hbm4b:s4+s3], $0x8000, $0x38  }
0x1d: {  	_ =	swait.ge [sflag:s9], $0x8000  }
0x1e: {  	[sflag:s9] =	ssyncset.done $0x0  }
0x1f: {  	s12 =	simm.s32 $0x480;
	[sflag:s9] =	ssyncadd.s32 $0xFFFF8000  }
0x20: {  	v12 =	vld [tilespmem:s12+$0x3F0]  }
0x21: {  	v13 =	vld [tilespmem:s12+$0x370]  }
0x22: {  	v14 =	vld [tilespmem:s12+$0x3E0]  }
0x23: {  	v15 =	vld [tilespmem:s12+$0x2F0]  }
0x24: {  	v16 =	vld [tilespmem:s12+$0x360]  }
0x25: {  	v17 =	vld [tilespmem:s12+$0x380]  }
0x26: {  	v18 =	vld [tilespmem:s12+$0x390]  }
0x27: {  	v19 =	vld [tilespmem:s12+$0x3D0]  }
0x28: {  	v20 =	vld [tilespmem:s12+$0x3A0]  }
0x29: {  	v22 =	vld [tilespmem:s12+$0x3B0]  }
0x2a: {  	v23 =	vld [tilespmem:s12+$0x2E0]  }
0x2b: {  	v24 =	vld [tilespmem:s12+$0x3C0]  }
0x2c: {  	v25 =	vld [tilespmem:s12+$0x350]  }
0x2d: {  	v27 =	vld [tilespmem:s12+$0x260];
	v17 =	vsub.f32 v17, v6;
	v18 =	vsub.f32 v18, v5  }
0x2e: {  	v29 =	vld [tilespmem:s12+$0x340];
	v20 =	vsub.f32 v20, v4;
	v28 =	vsub.f32 v13, v11  }
0x2f: {  	v32 =	vld [tilespmem:s12+$0x280];
	v12 =	vsub.f32 v12, v11;
	v15 =	vsub.f32 v15, v11  }
0x30: {  	v33 =	vld [tilespmem:s12+$0x290];
	v14 =	vsub.f32 v14, v10;
	v16 =	vsub.f32 v16, v10  }
0x31: {  	v34 =	vld [tilespmem:s12+$0x2C0];
	v23 =	vsub.f32 v23, v10;
	v17 =	vmul.f32 v17, v17;
	v18 =	vmul.f32 v18, v18  }
0x32: {  	v37 =	vld [tilespmem:s12+$0x70];
	v25 =	vsub.f32 v25, v9;
	v27 =	vsub.f32 v27, v10  }
0x33: {  	v58 =	vld [tilespmem:s12+$0x190];
	v17 =	vadd.f32 v18, v17;
	v18 =	vmul.f32 v20, v20;
	v20 =	vsub.f32 v22, v7  }
0x34: {  	v21 =	vld [tilespmem:s12+$0x270];
	v29 =	vsub.f32 v29, v8;
	v32 =	vsub.f32 v32, v6  }
0x35: {  	v42 =	vld [tilespmem:s12+$0x140];
	v13 =	vadd.f32 v18, v17;
	v17 =	vmul.f32 v20, v20;
	v18 =	vsub.f32 v24, v8  }
0x36: {  	v33 =	vsub.f32 v33, v5;
	v34 =	vsub.f32 v34, v8;
	v20 =	vld [tilespmem:s12+$0x300]  }
0x37: {  	v24 =	vld [tilespmem:s12+$0x310];
	v13 =	vadd.f32 v17, v13;
	v17 =	vmul.f32 v18, v18;
	v18 =	vsub.f32 v19, v9  }
0x38: {  	v49 =	vld [tilespmem:s12+$0xA0];
	v55 =	vsub.f32 v37, v11;
	v60 =	vsub.f32 v58, v5  }
0x39: {  	v19 =	vsub.f32 v21, v11;
	v21 =	vld [tilespmem:s12+$0x320];
	v17 =	vadd.f32 v17, v13;
	v18 =	vmul.f32 v18, v18  }
0x3a: {  	v30 =	vld [tilespmem:s12+$0x170];
	v45 =	vsub.f32 v42, v8;
	v12 =	vmul.f32 v12, v12;
	v14 =	vmul.f32 v14, v14  }
0x3b: {  	v26 =	vld [tilespmem:s12+$0x1F0];
	v28 =	vmul.f32 v28, v28;
	v15 =	vmul.f32 v15, v15;
	v17 =	vadd.f32 v18, v17  }
0x3c: {  	v25 =	vmul.f32 v25, v25;
	v18 =	vsub.f32 v20, v6;
	v20 =	vsub.f32 v24, v5;
	v24 =	vld [tilespmem:s12+$0x330]  }
0x3d: {  	v31 =	vld [tilespmem:s12+$0x1E0];
	v37 =	vsub.f32 v49, v4;
	v29 =	vmul.f32 v29, v29;
	v32 =	vmul.f32 v32, v32  }
0x3e: {  	v22 =	vld [tilespmem:s12+$0x2D0];
	v21 =	vsub.f32 v21, v4;
	v18 =	vmul.f32 v18, v18;
	v20 =	vmul.f32 v20, v20  }
0x3f: {  	v33 =	vmul.f32 v33, v33;
	v17 =	vadd.f32 v14, v17;
	v14 =	vsub.f32 v30, v11;
	v30 =	vld [tilespmem:s12+$0x2A0]  }
0x40: {  	v35 =	vld [tilespmem:s12+$0x160];
	v16 =	vmul.f32 v16, v16;
	v13 =	vsub.f32 v26, v11;
	v18 =	vadd.f32 v20, v18  }
0x41: {  	v26 =	vld [tilespmem:s12+$0x250];
	v20 =	vmul.f32 v21, v21;
	v12 =	vadd.f32 v12, v17;
	v24 =	vsub.f32 v24, v7  }
0x42: {  	v23 =	vmul.f32 v23, v23;
	v32 =	vadd.f32 v33, v32;
	v17 =	vsub.f32 v31, v10;
	v21 =	vld [tilespmem:s12+$0x2B0]  }
0x43: {  	v31 =	vld [tilespmem:s12+$0xF0];
	v18 =	vadd.f32 v20, v18;
	v20 =	vperm.xlane v12, v0;
	v24 =	vmul.f32 v24, v24  }
0x44: {  	v52 =	vld [tilespmem:s12+$0x220];
	v27 =	vmul.f32 v27, v27;
	v22 =	vsub.f32 v22, v9;
	v30 =	vsub.f32 v30, v4  }
0x45: {  	v44 =	vld [tilespmem:s12+$0xFFFFFF70];
	v33 =	vmul.f32 v55, v55;
	v12 =	vadd.f32 v12, v20;
	v18 =	vadd.f32 v24, v18  }
0x46: {  	v19 =	vmul.f32 v19, v19;
	v26 =	vsub.f32 v26, v9;
	v20 =	vld [tilespmem:s12+$0x1D0];
	v30 =	vmul.f32 v30, v30  }
0x47: {  	v38 =	vld [tilespmem:s12+$0xFFFFFF60];
	v21 =	vsub.f32 v21, v7;
	v36 =	vperm.xlane v12, v1;
	v18 =	vadd.f32 v29, v18  }
0x48: {  	v50 =	vld [tilespmem:s12+$0xB0];
	v22 =	vmul.f32 v22, v22;
	v29 =	vsub.f32 v31, v11;
	v30 =	vadd.f32 v30, v32  }
0x49: {  	v24 =	vld [tilespmem:s12+$0x240];
	v21 =	vmul.f32 v21, v21;
	v32 =	vsub.f32 v52, v4;
	v12 =	vadd.f32 v12, v36  }
0x4a: {  	v51 =	vld [tilespmem:s12+$0x210];
	v43 =	vmul.f32 v13, v13;
	v18 =	vadd.f32 v25, v18;
	v25 =	vsub.f32 v35, v10  }
0x4b: {  	v46 =	vmul.f32 v14, v14;
	v31 =	vld [tilespmem:s12+$0x200];
	v20 =	vsub.f32 v20, v9;
	v21 =	vadd.f32 v21, v30  }
0x4c: {  	v30 =	vmul.f32 v34, v34;
	v34 =	vsub.f32 v44, v11;
	v35 =	vsub.f32 v38, v10  }
0x4d: {  	v26 =	vmul.f32 v26, v26;
	v38 =	vsub.f32 v50, v7;
	v16 =	vadd.f32 v16, v18  }
0x4e: {  	v54 =	vld [tilespmem:s12+$0x150];
	v17 =	vmul.f32 v17, v17;
	v24 =	vsub.f32 v24, v8;
	v21 =	vadd.f32 v30, v21  }
0x4f: {  	v53 =	vperm.xlane v12, v2;
	v18 =	vld [tilespmem:s12+$0xE0];
	v30 =	vsub.f32 v51, v5;
	v16 =	vadd.f32 v28, v16  }
0x50: {  	v29 =	vmul.f32 v29, v29;
	v28 =	vsub.f32 v31, v6;
	v31 =	vld [tilespmem:s12+$0x230];
	v21 =	vadd.f32 v22, v21  }
0x51: {  	v56 =	vld [tilespmem:s12+$0x180];
	v12 =	vadd.f32 v12, v53;
	v24 =	vmul.f32 v24, v24;
	v57 =	vperm.xlane v16, v0  }
0x52: {  	v30 =	vmul.f32 v30, v30;
	v22 =	vld [tilespmem:s12+$0x1A0];
	v28 =	vmul.f32 v28, v28;
	v21 =	vadd.f32 v23, v21  }
0x53: {  	v53 =	vmul.f32 v37, v37;
	v23 =	vsub.f32 v54, v9;
	v16 =	vadd.f32 v16, v57  }
0x54: {  	v59 =	vld [tilespmem:s12+$0x1B0];
	v28 =	vadd.f32 v30, v28;
	v30 =	vmul.f32 v32, v32;
	v15 =	vadd.f32 v15, v21  }
0x55: {  	v54 =	vld [tilespmem:s12+$0x30];
	v18 =	vsub.f32 v18, v10;
	v31 =	vsub.f32 v31, v7;
	v21 =	vperm.xlane v16, v1  }
0x56: {  	v61 =	vld [tilespmem:s12+$0x1C0];
	v28 =	vadd.f32 v30, v28;
	v30 =	vsub.f32 v56, v6;
	v62 =	vperm.xlane v15, v0  }
0x57: {  	v22 =	vsub.f32 v22, v4;
	v31 =	vmul.f32 v31, v31;
	v16 =	vadd.f32 v16, v21  }
0x58: {  	v21 =	vmul.f32 v30, v30;
	v30 =	vmul.f32 v60, v60;
	v15 =	vadd.f32 v15, v62  }
0x59: {  	v48 =	vld [tilespmem:s12+$0x80];
	v32 =	vsub.f32 v59, v7;
	v22 =	vmul.f32 v22, v22;
	v28 =	vadd.f32 v31, v28  }
0x5a: {  	v37 =	vsub.f32 v54, v7;
	v60 =	vld [tilespmem:s12+$0xFFFFFF90];
	v21 =	vadd.f32 v30, v21;
	v40 =	vperm.xlane v15, v1  }
0x5b: {  	v31 =	vld [tilespmem:s12+$0xFFFFFFF0];
	v30 =	vsub.f32 v61, v8;
	v41 =	vperm.xlane v16, v2;
	v24 =	vadd.f32 v24, v28  }
0x5c: {  	v28 =	vld [tilespmem:s12+$0xD0];
	v21 =	vadd.f32 v22, v21;
	v22 =	vmul.f32 v32, v32;
	v15 =	vadd.f32 v15, v40  }
0x5d: {  	v20 =	vmul.f32 v20, v20;
	v13 =	vadd.f32 v16, v41;
	v16 =	vld [tilespmem:s12+$0x110];
	v24 =	vadd.f32 v26, v24  }
0x5e: {  	v32 =	vsub.f32 v48, v6;
	v26 =	vld [tilespmem:s12+$0x100];
	v21 =	vadd.f32 v22, v21;
	v22 =	vmul.f32 v30, v30  }
0x5f: {  	v63 =	vld [tilespmem:s12+$0x60];
	v25 =	vmul.f32 v25, v25;
	v48 =	vsub.f32 v60, v5;
	v24 =	vadd.f32 v27, v24  }
0x60: {  	v38 =	vmul.f32 v38, v38;
	v27 =	vsub.f32 v31, v11;
	v31 =	vld [tilespmem:s12+$0x120];
	v21 =	vadd.f32 v22, v21  }
0x61: {  	v22 =	vperm.xlane v15, v2;
	v19 =	vadd.f32 v19, v24;
	v24 =	vsub.f32 v28, v9;
	v28 =	vld [tilespmem:s12+$0x130]  }
0x62: {  	v58 =	vld [tilespmem:s12+$0xFFFFFFC0];
	v34 =	vmul.f32 v34, v34;
	v16 =	vsub.f32 v16, v5;
	v20 =	vadd.f32 v20, v21  }
0x63: {  	v35 =	vmul.f32 v35, v35;
	v41 =	vld [tilespmem:s12+$0x0];
	v14 =	vadd.f32 v15, v22;
	v22 =	vsub.f32 v26, v6  }
0x64: {  	v49 =	vld [tilespmem:s12+$0xFFFFFF40];
	v30 =	vsub.f32 v63, v10;
	v21 =	vperm.xlane v19, v0;
	v16 =	vmul.f32 v16, v16  }
0x65: {  	v15 =	vld [tilespmem:s12+$0xFFFFFFE0];
	v31 =	vsub.f32 v31, v4;
	v22 =	vmul.f32 v22, v22;
	v17 =	vadd.f32 v17, v20  }
0x66: {  	v23 =	vmul.f32 v23, v23;
	v59 =	vld [tilespmem:s12+$0xFFFFFF80];
	v19 =	vadd.f32 v19, v21;
	v28 =	vsub.f32 v28, v7  }
0x67: {  	v26 =	vld [tilespmem:s12+$0x50];
	v16 =	vadd.f32 v16, v22;
	v22 =	vmul.f32 v31, v31;
	v17 =	vadd.f32 v43, v17  }
0x68: {  	v63 =	vsub.f32 v58, v8;
	v56 =	vsub.f32 v41, v6;
	v20 =	vld [tilespmem:s12+$0xFFFFFEF0];
	v47 =	vperm.xlane v19, v1  }
0x69: {  	v21 =	vld [tilespmem:s12+$0xC0];
	v16 =	vadd.f32 v22, v16;
	v22 =	vmul.f32 v28, v28;
	v28 =	vperm.xlane v17, v0  }
0x6a: {  	v18 =	vmul.f32 v18, v18;
	v31 =	vsub.f32 v15, v10;
	v15 =	vadd.f32 v19, v47;
	v19 =	vld [tilespmem:s12+$0x90]  }
0x6b: {  	v16 =	vadd.f32 v22, v16;
	v22 =	vmul.f32 v45, v45;
	v17 =	vadd.f32 v17, v28  }
0x6c: {  	v51 =	vld [tilespmem:s12+$0xFFFFFE70];
	v62 =	vmul.f32 v37, v37;
	v41 =	vsub.f32 v49, v8;
	v26 =	vsub.f32 v26, v9  }
0x6d: {  	v40 =	vld [tilespmem:s12+$0xFFFFFFD0];
	v20 =	vsub.f32 v20, v11;
	v16 =	vadd.f32 v22, v16;
	v22 =	vperm.xlane v17, v1  }
0x6e: {  	v47 =	vsub.f32 v59, v6;
	v21 =	vsub.f32 v21, v8;
	v39 =	vperm.xlane v15, v2  }
0x6f: {  	v32 =	vmul.f32 v32, v32;
	v19 =	vsub.f32 v19, v5;
	v17 =	vadd.f32 v17, v22;
	v22 =	vld [tilespmem:s12+$0x10]  }
0x70: {  	v52 =	vld [tilespmem:s12+$0x20];
	v30 =	vmul.f32 v30, v30;
	v15 =	vadd.f32 v15, v39;
	v16 =	vadd.f32 v23, v16  }
0x71: {  	v28 =	vld [tilespmem:s12+$0x40];
	v39 =	vsub.f32 v51, v11;
	v19 =	vmul.f32 v19, v19;
	v42 =	vperm.xlane v17, v2  }
0x72: {  	v37 =	vmul.f32 v63, v63;
	v45 =	vld [tilespmem:s12+$0xFFFFFE50];
	v23 =	vsub.f32 v40, v9;
	v25 =	vadd.f32 v25, v16  }
0x73: {  	v36 =	vmul.f32 v56, v56;
	v19 =	vadd.f32 v19, v32;
	v16 =	vadd.f32 v17, v42  }
0x74: {  	v24 =	vmul.f32 v24, v24;
	v17 =	vld [tilespmem:s12+$0xFFFFFEE0];
	v25 =	vadd.f32 v46, v25;
	v22 =	vsub.f32 v22, v5  }
0x75: {  	v55 =	vld [tilespmem:s12+$0xFFFFFF50];
	v21 =	vmul.f32 v21, v21;
	v40 =	vsub.f32 v52, v4;
	v19 =	vadd.f32 v53, v19  }
0x76: {  	v28 =	vsub.f32 v28, v8;
	v57 =	vperm.xlane v25, v0;
	v22 =	vmul.f32 v22, v22  }
0x77: {  	v43 =	vld [tilespmem:s12+$0xFFFFFDF0];
	v45 =	vsub.f32 v45, v9;
	v61 =	vmul.f32 v40, v40;
	v19 =	vadd.f32 v38, v19  }
0x78: {  	v52 =	vld [tilespmem:s12+$0xFFFFFF10];
	v25 =	vadd.f32 v25, v57;
	v38 =	vmul.f32 v48, v48;
	v22 =	vadd.f32 v22, v36  }
0x79: {  	v40 =	vsub.f32 v17, v10;
	v17 =	vld [tilespmem:s12+$0xFFFFFFA0];
	v36 =	vmul.f32 v47, v47;
	v19 =	vadd.f32 v21, v19  }
0x7a: {  	v32 =	vsub.f32 v55, v9;
	v46 =	vld [tilespmem:s12+$0xFFFFFE40];
	v21 =	vperm.xlane v25, v1;
	v22 =	vadd.f32 v61, v22  }
0x7b: {  	v28 =	vmul.f32 v28, v28;
	v55 =	vld [tilespmem:s12+$0xFFFFFC70];
	v36 =	vadd.f32 v38, v36;
	v19 =	vadd.f32 v24, v19  }
0x7c: {  	v38 =	vmul.f32 v45, v45;
	v45 =	vld [tilespmem:s12+$0xFFFFFDB0];
	v21 =	vadd.f32 v25, v21;
	v22 =	vadd.f32 v62, v22  }
0x7d: {  	v26 =	vmul.f32 v26, v26;
	v42 =	vsub.f32 v52, v5;
	v24 =	vld [tilespmem:s12+$0xFFFFFFB0];
	v18 =	vadd.f32 v18, v19  }
0x7e: {  	v25 =	vld [tilespmem:s12+$0xFFFFFE60];
	v17 =	vsub.f32 v17, v4;
	v44 =	vperm.xlane v21, v2;
	v22 =	vadd.f32 v28, v22  }
0x7f: {  	v63 =	vld [tilespmem:s12+$0xFFFFFEA0];
	v27 =	vmul.f32 v27, v27;
	v52 =	vsub.f32 v46, v8;
	v18 =	vadd.f32 v29, v18  }
0x80: {  	v53 =	vld [tilespmem:s12+$0xFFFFFEC0];
	v51 =	vmul.f32 v17, v17;
	v17 =	vadd.f32 v21, v44;
	v22 =	vadd.f32 v26, v22  }
0x81: {  	v41 =	vmul.f32 v41, v41;
	v19 =	vld [tilespmem:s12+$0xFFFFFED0];
	v21 =	vsub.f32 v43, v11;
	v43 =	vsub.f32 v55, v11  }
0x82: {  	v31 =	vmul.f32 v31, v31;
	v24 =	vsub.f32 v24, v7;
	v26 =	vld [tilespmem:s12+$0xFFFFFF00];
	v22 =	vadd.f32 v30, v22  }
0x83: {  	v45 =	vsub.f32 v45, v7;
	v25 =	vsub.f32 v25, v10;
	v50 =	vperm.xlane v18, v0  }
0x84: {  	v36 =	vadd.f32 v51, v36;
	v24 =	vmul.f32 v24, v24;
	v30 =	vld [tilespmem:s12+$0xFFFFFF20];
	v22 =	vadd.f32 v33, v22  }
0x85: {  	v59 =	vld [tilespmem:s12+$0xFFFFFDD0];
	v20 =	vmul.f32 v20, v20;
	v18 =	vadd.f32 v18, v50;
	v50 =	vsub.f32 v53, v8  }
0x86: {  	v24 =	vadd.f32 v24, v36;
	v36 =	vsub.f32 v19, v9;
	v19 =	vld [tilespmem:s12+$0xFFFFFF30];
	v56 =	vperm.xlane v22, v0  }
0x87: {  	v60 =	vld [tilespmem:s12+$0xFFFFFE80];
	v23 =	vmul.f32 v23, v23;
	v33 =	vsub.f32 v63, v4;
	v26 =	vsub.f32 v26, v6  }
0x88: {  	v42 =	vmul.f32 v42, v42;
	v28 =	vld [tilespmem:s12+$0xFFFFFDE0];
	v24 =	vadd.f32 v37, v24;
	v22 =	vadd.f32 v22, v56  }
0x89: {  	v29 =	vld [tilespmem:s12+$0xFFFFFD70];
	v54 =	vperm.xlane v18, v1;
	v30 =	vsub.f32 v30, v4;
	v26 =	vmul.f32 v26, v26  }
0x8a: {  	v58 =	vld [tilespmem:s12+$0xFFFFFD60];
	v37 =	vsub.f32 v59, v9;
	v23 =	vadd.f32 v23, v24;
	v24 =	vperm.xlane v22, v1  }
0x8b: {  	v57 =	vld [tilespmem:s12+$0xFFFFFCF0];
	v19 =	vsub.f32 v19, v7;
	v26 =	vadd.f32 v42, v26;
	v30 =	vmul.f32 v30, v30  }
0x8c: {  	v32 =	vmul.f32 v32, v32;
	v48 =	vld [tilespmem:s12+$0xFFFFFEB0];
	v18 =	vadd.f32 v18, v54;
	v22 =	vadd.f32 v22, v24  }
0x8d: {  	v46 =	vld [tilespmem:s12+$0xFFFFFD80];
	v23 =	vadd.f32 v31, v23;
	v26 =	vadd.f32 v30, v26;
	v19 =	vmul.f32 v19, v19  }
0x8e: {  	v55 =	vld [tilespmem:s12+$0xFFFFFE20];
	v24 =	vsub.f32 v29, v11;
	v29 =	vsub.f32 v28, v10;
	v28 =	vperm.xlane v22, v2  }
0x8f: {  	v47 =	vperm.xlane v18, v2;
	v30 =	vld [tilespmem:s12+$0xFFFFFD50];
	v27 =	vadd.f32 v27, v23;
	v26 =	vadd.f32 v19, v26  }
0x90: {  	v51 =	vmul.f32 v40, v40;
	v59 =	vsub.f32 v60, v6;
	v19 =	vadd.f32 v22, v28;
	v22 =	vld [tilespmem:s12+$0xFFFFFE90]  }
0x91: {  	v18 =	vadd.f32 v18, v47;
	v47 =	vld [tilespmem:s12+$0xFFFFFDC0];
	v49 =	vperm.xlane v27, v0;
	v61 =	vadd.f32 v41, v26  }
0x92: {  	v33 =	vmul.f32 v33, v33;
	v42 =	vld [tilespmem:s12+$0xFFFFFCE0];
	v23 =	vmul.f32 v39, v39;
	v39 =	vsub.f32 v48, v7  }
0x93: {  	v54 =	vmul.f32 v36, v36;
	v31 =	vld [tilespmem:s12+$0xFFFFFC60];
	v62 =	vadd.f32 v27, v49;
	v32 =	vadd.f32 v32, v61  }
0x94: {  	v44 =	vld [tilespmem:s12+$0xFFFFFCB0];
	v26 =	vsub.f32 v57, v11;
	v28 =	vsub.f32 v58, v10;
	v27 =	vmul.f32 v25, v25  }
0x95: {  	v61 =	vld [tilespmem:s12+$0xFFFFFE10];
	v57 =	vperm.xlane v62, v1;
	v25 =	vadd.f32 v35, v32;
	v22 =	vsub.f32 v22, v5  }
0x96: {  	v36 =	vld [tilespmem:s12+$0xFFFFFE00];
	v35 =	vmul.f32 v59, v59;
	v32 =	vsub.f32 v30, v9;
	v59 =	vsub.f32 v47, v8  }
0x97: {  	v40 =	vld [tilespmem:s12+$0xFFFFFE30];
	v58 =	vadd.f32 v62, v57;
	v25 =	vadd.f32 v34, v25;
	v62 =	vmul.f32 v22, v22  }
0x98: {  	v53 =	vld [tilespmem:s12+$0xFFFFFCD0];
	v30 =	vmul.f32 v43, v43;
	v34 =	vsub.f32 v31, v10;
	v31 =	vsub.f32 v42, v10  }
0x99: {  	v41 =	vld [tilespmem:s12+$0xFFFFFD40];
	v42 =	vmul.f32 v50, v50;
	v50 =	vsub.f32 v55, v4;
	v35 =	vadd.f32 v62, v35  }
0x9a: {  	v43 =	vld [tilespmem:s12+$0xFFFFFCC0];
	v60 =	vperm.xlane v58, v2;
	v48 =	vsub.f32 v61, v5;
	v63 =	vperm.xlane v25, v0  }
0x9b: {  	v56 =	vld [tilespmem:s12+$0xFFFFFC40];
	v29 =	vmul.f32 v29, v29;
	v33 =	vadd.f32 v33, v35;
	v35 =	vsub.f32 v36, v6  }
0x9c: {  	v39 =	vmul.f32 v39, v39;
	v49 =	vld [tilespmem:s12+$0xFFFFFC50];
	v22 =	vadd.f32 v58, v60;
	v25 =	vadd.f32 v25, v63  }
0x9d: {  	v47 =	vld [tilespmem:s12+$0xFFFFFD90];
	v62 =	vsub.f32 v40, v7;
	v36 =	vmul.f32 v48, v48;
	v35 =	vmul.f32 v35, v35  }
0x9e: {  	v58 =	vld [tilespmem:s12+$0xFFFFFDA0];
	v40 =	vsub.f32 v41, v8;
	v55 =	vperm.xlane v25, v1;
	v39 =	vadd.f32 v39, v33  }
0x9f: {  	v60 =	vld [tilespmem:s12+$0xFFFFFC30];
	v63 =	vmul.f32 v50, v50;
	v41 =	vsub.f32 v43, v8;
	v35 =	vadd.f32 v36, v35  }
0xa0: {  	v57 =	vld [tilespmem:s12+$0xFFFFFD30];
	v62 =	vmul.f32 v62, v62;
	v25 =	vadd.f32 v25, v55;
	v39 =	vadd.f32 v42, v39  }
0xa1: {  	v50 =	vld [tilespmem:s12+$0xFFFFFC00];
	v33 =	vmul.f32 v37, v37;
	v42 =	vsub.f32 v49, v9;
	v61 =	vadd.f32 v63, v35  }
0xa2: {  	v48 =	vld [tilespmem:s12+$0xFFFFFC20];
	v37 =	vmul.f32 v59, v59;
	v36 =	vsub.f32 v53, v9;
	v39 =	vadd.f32 v54, v39  }
0xa3: {  	v53 =	vmul.f32 v52, v52;
	v49 =	vld [tilespmem:s12+$0xFFFFFD00];
	v63 =	vsub.f32 v56, v8;
	v55 =	vadd.f32 v62, v61  }
0xa4: {  	v52 =	vld [tilespmem:s12+$0xFFFFFC80];
	v35 =	vmul.f32 v34, v34;
	v54 =	vsub.f32 v58, v4;
	v56 =	vsub.f32 v60, v7  }
0xa5: {  	v34 =	vadd.f32 v51, v39;
	v51 =	vld [tilespmem:s12+$0xFFFFFC10];
	v39 =	vmul.f32 v42, v42;
	v55 =	vadd.f32 v53, v55  }
0xa6: {  	s14 =	simm.s32 $0x40;
	s13 =	simm.s32 $0x0;
	v42 =	vmul.f32 v45, v45;
	v43 =	vmul.f32 v63, v63;
	v45 =	vsub.f32 v57, v7;
	v53 =	vld [tilespmem:s12+$0xFFFFFC90]  }
.LBB2_2:
0xa7: {  	p0 =	sne.s32 s14, $0x3C0;
	v57 =	vld [tilespmem:s12+$0xFFFFFD10];
	v46 =	vsub.f32 v46, v6;
	v54 =	vmul.f32 v54, v54;
	v38 =	vadd.f32 v38, v55  }
0xa8: {  	v44 =	vsub.f32 v44, v7;
	v47 =	vsub.f32 v47, v5;
	v55 =	vmul.f32 v56, v56;
	v56 =	vld [tilespmem:s12+$0xFFFFFCA0]  }
0xa9: {  	v48 =	vsub.f32 v48, v4;
	v49 =	vsub.f32 v49, v6;
	v58 =	vld [tilespmem:s12+$0xFFFFFD20];
	v46 =	vmul.f32 v46, v46  }
0xaa: {  	v50 =	vsub.f32 v50, v6;
	v51 =	vsub.f32 v51, v5;
	v47 =	vmul.f32 v47, v47  }
0xab: {  	v48 =	vmul.f32 v48, v48;
	v52 =	vsub.f32 v52, v6;
	v53 =	vsub.f32 v53, v5  }
0xac: {  	v50 =	vmul.f32 v50, v50;
	v51 =	vmul.f32 v51, v51;
	v57 =	vsub.f32 v57, v5  }
0xad: {  	v52 =	vmul.f32 v52, v52;
	v53 =	vmul.f32 v53, v53;
	v56 =	vsub.f32 v56, v4  }
0xae: {  	v49 =	vmul.f32 v49, v49;
	v57 =	vmul.f32 v57, v57;
	v58 =	vsub.f32 v58, v4  }
0xaf: {  	v50 =	vadd.f32 v51, v50;
	v51 =	vadd.f32 v53, v52;
	v52 =	vmul.f32 v56, v56  }
0xb0: {  	v46 =	vadd.f32 v47, v46;
	v49 =	vadd.f32 v57, v49;
	v53 =	vmul.f32 v58, v58  }
0xb1: {  	v44 =	vmul.f32 v44, v44;
	v47 =	vadd.f32 v48, v50;
	v48 =	vadd.f32 v52, v51  }
0xb2: {  	v45 =	vmul.f32 v45, v45;
	v46 =	vadd.f32 v54, v46;
	v49 =	vadd.f32 v53, v49  }
0xb3: {  	v41 =	vmul.f32 v41, v41;
	v47 =	vadd.f32 v55, v47;
	v44 =	vadd.f32 v44, v48  }
0xb4: {  	v40 =	vmul.f32 v40, v40;
	v42 =	vadd.f32 v42, v46;
	v45 =	vadd.f32 v45, v49  }
0xb5: {  	v36 =	vmul.f32 v36, v36;
	v43 =	vadd.f32 v43, v47;
	v41 =	vadd.f32 v41, v44  }
0xb6: {  	v32 =	vmul.f32 v32, v32;
	v37 =	vadd.f32 v37, v42;
	v40 =	vadd.f32 v40, v45  }
0xb7: {  	v31 =	vmul.f32 v31, v31;
	v39 =	vadd.f32 v39, v43;
	v36 =	vadd.f32 v36, v41  }
0xb8: {  	v28 =	vmul.f32 v28, v28;
	v33 =	vadd.f32 v33, v37;
	v32 =	vadd.f32 v32, v40  }
0xb9: {  	v26 =	vmul.f32 v26, v26;
	v35 =	vadd.f32 v35, v39;
	v31 =	vadd.f32 v31, v36  }
0xba: {  	v24 =	vmul.f32 v24, v24;
	v29 =	vadd.f32 v29, v33;
	v28 =	vadd.f32 v28, v32  }
0xbb: {  	v21 =	vmul.f32 v21, v21;
	v30 =	vadd.f32 v30, v35;
	v26 =	vadd.f32 v26, v31  }
0xbc: {  	v27 =	vadd.f32 v27, v38;
	v24 =	vadd.f32 v24, v28;
	v28 =	vperm.xlane v25, v2  }
0xbd: {  	v21 =	vadd.f32 v21, v29;
	v31 =	vperm.xlane v30, v0;
	v32 =	vperm.xlane v26, v0  }
0xbe: {  	v20 =	vadd.f32 v20, v34;
	v23 =	vadd.f32 v23, v27;
	v29 =	vperm.xlane v24, v0  }
0xbf: {  	v27 =	vadd.f32 v30, v31;
	v30 =	vperm.xlane v21, v0;
	v26 =	vadd.f32 v26, v32  }
0xc0: {  	v31 =	vperm.xlane v20, v0;
	v24 =	vadd.f32 v24, v29;
	v29 =	vperm.xlane v23, v0  }
0xc1: {  	v32 =	vperm.xlane v27, v1;
	v21 =	vadd.f32 v21, v30;
	v33 =	vperm.xlane v26, v1  }
0xc2: {  	v20 =	vadd.f32 v20, v31;
	v30 =	vperm.xlane v24, v1;
	v23 =	vadd.f32 v23, v29  }
0xc3: {  	v27 =	vadd.f32 v27, v32;
	v29 =	vperm.xlane v21, v1;
	v26 =	vadd.f32 v26, v33  }
0xc4: {  	v31 =	vperm.xlane v20, v1;
	v24 =	vadd.f32 v24, v30;
	v30 =	vperm.xlane v23, v1  }
0xc5: {  	v32 =	vperm.xlane v27, v2;
	v21 =	vadd.f32 v21, v29;
	v33 =	vperm.xlane v26, v2  }
0xc6: {  	v20 =	vadd.f32 v20, v31;
	v29 =	vperm.xlane v24, v2;
	v23 =	vadd.f32 v23, v30  }
0xc7: {  	v27 =	vadd.f32 v27, v32;
	v30 =	vperm.xlane v21, v2;
	v26 =	vadd.f32 v26, v33  }
0xc8: {  	v31 =	vperm.xlane v20, v2;
	v24 =	vadd.f32 v24, v29;
	v29 =	vperm.xlane v23, v2  }
0xc9: {  	v32 =	vperm.xlane v27, v3;
	v21 =	vadd.f32 v21, v30;
	v33 =	vperm.xlane v26, v3  }
0xca: {  	v20 =	vadd.f32 v20, v31;
	v30 =	vperm.xlane v24, v3;
	v23 =	vadd.f32 v23, v29  }
0xcb: {  	v27 =	vadd.f32 v27, v32;
	v29 =	vperm.xlane v21, v3;
	v26 =	vadd.f32 v26, v33  }
0xcc: {  	v25 =	vadd.f32 v25, v28;
	v24 =	vadd.f32 v24, v30;
	v30 =	vperm.xlane v23, v3  }
0xcd: {  	v21 =	vadd.f32 v21, v29;
	v26 =	vsel vm0, v27, v26;
	v27 =	vperm.xlane v20, v3  }
0xce: {  	v24 =	vsel vm1, v26, v24;
	v23 =	vadd.f32 v23, v30;
	v26 =	vperm.xlane v25, v3  }
0xcf: {  	v21 =	vsel vm2, v24, v21;
	v20 =	vadd.f32 v20, v27;
	v24 =	vperm.xlane v22, v3  }
0xd0: {  	v21 =	vsel vm3, v21, v23;
	v23 =	vadd.f32 v25, v26;
	v25 =	vperm.xlane v19, v3  }
0xd1: {  	v20 =	vsel vm4, v21, v20;
	v21 =	vadd.f32 v22, v24;
	v22 =	vperm.xlane v18, v3  }
0xd2: {  	v20 =	vsel vm5, v20, v23;
	v19 =	vadd.f32 v19, v25;
	v23 =	vperm.xlane v17, v3  }
0xd3: {  	v20 =	vsel vm6, v20, v21;
	v18 =	vadd.f32 v18, v22;
	v21 =	vperm.xlane v16, v3  }
0xd4: {  	v19 =	vsel vm7, v20, v19;
	v17 =	vadd.f32 v17, v23;
	v20 =	vperm.xlane v15, v3  }
0xd5: {  	v18 =	vsel vm8, v19, v18;
	v16 =	vadd.f32 v16, v21;
	v19 =	vperm.xlane v14, v3  }
0xd6: {  	v17 =	vsel vm9, v18, v17;
	v15 =	vadd.f32 v15, v20;
	v18 =	vperm.xlane v13, v3  }
0xd7: {  	v16 =	vsel vm10, v17, v16;
	v14 =	vadd.f32 v14, v19;
	v17 =	vperm.xlane v12, v3  }
0xd8: {  	v15 =	vsel vm11, v16, v15;
	v13 =	vadd.f32 v13, v18  }
0xd9: {  	v14 =	vsel vm12, v15, v14;
	v12 =	vadd.f32 v12, v17  }
0xda: {  	v13 =	vsel vm13, v14, v13  }
0xdb: {  	s15 =	sshra.s32 s13, $0x2;
	s13 =	smov.u32 s14;
	v12 =	vsel vm14, v13, v12  }
0xdc: {  	s12 =	sadd.s32 $0x800, s12;
	[tilespmem:s15+$0x8080] =	vst v12  }
0xdd: {  	v12 =	vld [tilespmem:s12+$0x3F0]  }
0xde: {  	v13 =	vld [tilespmem:s12+$0x370]  }
0xdf: {  	v14 =	vld [tilespmem:s12+$0x3E0]  }
0xe0: {  	v15 =	vld [tilespmem:s12+$0x2F0]  }
0xe1: {  	v16 =	vld [tilespmem:s12+$0x360]  }
0xe2: {  	v17 =	vld [tilespmem:s12+$0x380]  }
0xe3: {  	v18 =	vld [tilespmem:s12+$0x390]  }
0xe4: {  	v19 =	vld [tilespmem:s12+$0x3D0]  }
0xe5: {  	v20 =	vld [tilespmem:s12+$0x3A0]  }
0xe6: {  	v21 =	vld [tilespmem:s12+$0x270]  }
0xe7: {  	v22 =	vld [tilespmem:s12+$0x3B0]  }
0xe8: {  	v17 =	vsub.f32 v17, v6;
	v23 =	vld [tilespmem:s12+$0x2E0];
	v18 =	vsub.f32 v18, v5  }
0xe9: {  	v24 =	vld [tilespmem:s12+$0x3C0]  }
0xea: {  	v17 =	vmul.f32 v17, v17;
	v25 =	vld [tilespmem:s12+$0x350];
	v18 =	vmul.f32 v18, v18;
	v20 =	vsub.f32 v20, v4  }
0xeb: {  	v26 =	vld [tilespmem:s12+$0x1F0]  }
0xec: {  	v27 =	vld [tilespmem:s12+$0x260];
	v17 =	vadd.f32 v18, v17;
	v18 =	vmul.f32 v20, v20;
	v20 =	vsub.f32 v22, v7  }
0xed: {  	v12 =	vsub.f32 v12, v11;
	v28 =	vsub.f32 v13, v11;
	v22 =	vld [tilespmem:s12+$0x2D0]  }
0xee: {  	v29 =	vld [tilespmem:s12+$0x340];
	v13 =	vadd.f32 v18, v17;
	v17 =	vmul.f32 v20, v20;
	v18 =	vsub.f32 v24, v8  }
0xef: {  	v14 =	vsub.f32 v14, v10;
	v15 =	vsub.f32 v15, v11;
	v20 =	vld [tilespmem:s12+$0x300]  }
0xf0: {  	v24 =	vld [tilespmem:s12+$0x310];
	v13 =	vadd.f32 v17, v13;
	v17 =	vmul.f32 v18, v18;
	v18 =	vsub.f32 v19, v9  }
0xf1: {  	v16 =	vsub.f32 v16, v10;
	v19 =	vsub.f32 v21, v11;
	v21 =	vld [tilespmem:s12+$0x320]  }
0xf2: {  	v23 =	vsub.f32 v23, v10;
	v30 =	vld [tilespmem:s12+$0x170];
	v17 =	vadd.f32 v17, v13;
	v18 =	vmul.f32 v18, v18  }
0xf3: {  	v25 =	vsub.f32 v25, v9;
	v13 =	vsub.f32 v26, v11;
	v31 =	vld [tilespmem:s12+$0x1E0]  }
0xf4: {  	v12 =	vmul.f32 v12, v12;
	v27 =	vsub.f32 v27, v10;
	v26 =	vld [tilespmem:s12+$0x250];
	v17 =	vadd.f32 v18, v17  }
0xf5: {  	v14 =	vmul.f32 v14, v14;
	v18 =	vsub.f32 v20, v6;
	v20 =	vsub.f32 v24, v5;
	v24 =	vld [tilespmem:s12+$0x330]  }
0xf6: {  	v28 =	vmul.f32 v28, v28;
	v22 =	vsub.f32 v22, v9;
	v32 =	vld [tilespmem:s12+$0x280];
	v21 =	vsub.f32 v21, v4  }
0xf7: {  	v18 =	vmul.f32 v18, v18;
	v17 =	vadd.f32 v14, v17;
	v33 =	vld [tilespmem:s12+$0x290];
	v20 =	vmul.f32 v20, v20  }
0xf8: {  	v34 =	vmul.f32 v15, v15;
	v29 =	vsub.f32 v29, v8;
	v14 =	vsub.f32 v30, v11;
	v30 =	vld [tilespmem:s12+$0x2A0]  }
0xf9: {  	v12 =	vadd.f32 v12, v17;
	v35 =	vld [tilespmem:s12+$0x2C0];
	v18 =	vadd.f32 v20, v18;
	v20 =	vmul.f32 v21, v21  }
0xfa: {  	v15 =	vsub.f32 v31, v10;
	v17 =	vld [tilespmem:s12+$0x2B0];
	v21 =	vsub.f32 v24, v7;
	v24 =	vmul.f32 v25, v25  }
0xfb: {  	v25 =	vsub.f32 v26, v9;
	v18 =	vadd.f32 v20, v18;
	v20 =	vperm.xlane v12, v0  }
0xfc: {  	v31 =	vsub.f32 v32, v6;
	v26 =	vld [tilespmem:s12+$0xF0];
	v32 =	vsub.f32 v33, v5;
	v21 =	vmul.f32 v21, v21  }
0xfd: {  	v29 =	vmul.f32 v29, v29;
	v33 =	vld [tilespmem:s12+$0x160];
	v30 =	vsub.f32 v30, v4;
	v12 =	vadd.f32 v12, v20  }
0xfe: {  	v20 =	vmul.f32 v31, v31;
	v36 =	vld [tilespmem:s12+$0x1D0];
	v31 =	vmul.f32 v32, v32;
	v18 =	vadd.f32 v21, v18  }
0xff: {  	v32 =	vsub.f32 v35, v8;
	v21 =	vld [tilespmem:s12+$0x240];
	v17 =	vsub.f32 v17, v7;
	v35 =	vperm.xlane v12, v1  }
0x100: {  	v30 =	vmul.f32 v30, v30;
	v37 =	vld [tilespmem:s12+$0x70];
	v31 =	vadd.f32 v31, v20;
	v18 =	vadd.f32 v29, v18  }
0x101: {  	v16 =	vmul.f32 v16, v16;
	v20 =	vsub.f32 v26, v11;
	v26 =	vld [tilespmem:s12+$0x200];
	v12 =	vadd.f32 v12, v35  }
0x102: {  	v17 =	vmul.f32 v17, v17;
	v29 =	vld [tilespmem:s12+$0x210];
	v30 =	vadd.f32 v30, v31;
	v24 =	vadd.f32 v24, v18  }
0x103: {  	v18 =	vsub.f32 v33, v10;
	v31 =	vsub.f32 v36, v9;
	v33 =	vld [tilespmem:s12+$0x220];
	v35 =	vperm.xlane v12, v2  }
0x104: {  	v17 =	vadd.f32 v17, v30;
	v30 =	vmul.f32 v32, v32;
	v16 =	vadd.f32 v16, v24  }
0x105: {  	v21 =	vsub.f32 v21, v8;
	v32 =	vmul.f32 v19, v19;
	v24 =	vld [tilespmem:s12+$0xE0];
	v12 =	vadd.f32 v12, v35  }
0x106: {  	v23 =	vmul.f32 v23, v23;
	v35 =	vld [tilespmem:s12+$0x150];
	v17 =	vadd.f32 v30, v17;
	v28 =	vadd.f32 v28, v16  }
0x107: {  	v22 =	vmul.f32 v22, v22;
	v16 =	vsub.f32 v26, v6;
	v26 =	vsub.f32 v29, v5;
	v29 =	vld [tilespmem:s12+$0x230]  }
0x108: {  	v19 =	vsub.f32 v37, v11;
	v30 =	vld [tilespmem:s12+$0x180];
	v33 =	vsub.f32 v33, v4;
	v36 =	vperm.xlane v28, v0  }
0x109: {  	v38 =	vmul.f32 v16, v16;
	v17 =	vadd.f32 v22, v17;
	v37 =	vld [tilespmem:s12+$0x190];
	v26 =	vmul.f32 v26, v26  }
0x10a: {  	v27 =	vmul.f32 v27, v27;
	v16 =	vsub.f32 v24, v10;
	v24 =	vld [tilespmem:s12+$0x1A0];
	v28 =	vadd.f32 v28, v36  }
0x10b: {  	v33 =	vmul.f32 v33, v33;
	v17 =	vadd.f32 v23, v17;
	v26 =	vadd.f32 v26, v38  }
0x10c: {  	v21 =	vmul.f32 v21, v21;
	v22 =	vsub.f32 v35, v9;
	v23 =	vld [tilespmem:s12+$0x1B0];
	v29 =	vsub.f32 v29, v7  }
0x10d: {  	v17 =	vadd.f32 v34, v17;
	v26 =	vadd.f32 v33, v26;
	v33 =	vperm.xlane v28, v1  }
0x10e: {  	v30 =	vsub.f32 v30, v6;
	v34 =	vsub.f32 v37, v5;
	v35 =	vld [tilespmem:s12+$0x1C0];
	v29 =	vmul.f32 v29, v29  }
0x10f: {  	v36 =	vperm.xlane v17, v0;
	v24 =	vsub.f32 v24, v4;
	v28 =	vadd.f32 v28, v33  }
0x110: {  	v30 =	vmul.f32 v30, v30;
	v33 =	vmul.f32 v34, v34;
	v26 =	vadd.f32 v29, v26  }
0x111: {  	v25 =	vmul.f32 v25, v25;
	v17 =	vadd.f32 v17, v36;
	v29 =	vld [tilespmem:s12+$0xFFFFFFF0];
	v23 =	vsub.f32 v23, v7  }
0x112: {  	v24 =	vmul.f32 v24, v24;
	v34 =	vld [tilespmem:s12+$0x60];
	v30 =	vadd.f32 v33, v30;
	v21 =	vadd.f32 v21, v26  }
0x113: {  	v36 =	vperm.xlane v28, v2;
	v26 =	vld [tilespmem:s12+$0xD0];
	v33 =	vsub.f32 v35, v8;
	v35 =	vperm.xlane v17, v1  }
0x114: {  	v23 =	vmul.f32 v23, v23;
	v37 =	vld [tilespmem:s12+$0x140];
	v24 =	vadd.f32 v24, v30;
	v21 =	vadd.f32 v25, v21  }
0x115: {  	v30 =	vmul.f32 v13, v13;
	v13 =	vadd.f32 v28, v36;
	v25 =	vld [tilespmem:s12+$0x100];
	v35 =	vadd.f32 v17, v35  }
0x116: {  	v28 =	vld [tilespmem:s12+$0x110];
	v23 =	vadd.f32 v23, v24;
	v24 =	vmul.f32 v33, v33;
	v21 =	vadd.f32 v27, v21  }
0x117: {  	v31 =	vmul.f32 v31, v31;
	v27 =	vsub.f32 v29, v11;
	v17 =	vsub.f32 v34, v10;
	v29 =	vld [tilespmem:s12+$0x120]  }
0x118: {  	v33 =	vld [tilespmem:s12+$0xFFFFFF70];
	v23 =	vadd.f32 v24, v23;
	v21 =	vadd.f32 v32, v21;
	v24 =	vperm.xlane v35, v2  }
0x119: {  	v36 =	vmul.f32 v14, v14;
	v26 =	vsub.f32 v26, v9;
	v32 =	vld [tilespmem:s12+$0x130];
	v34 =	vsub.f32 v37, v8  }
0x11a: {  	v23 =	vadd.f32 v31, v23;
	v31 =	vperm.xlane v21, v0;
	v14 =	vadd.f32 v35, v24  }
0x11b: {  	v15 =	vmul.f32 v15, v15;
	v25 =	vsub.f32 v25, v6;
	v24 =	vld [tilespmem:s12+$0xFFFFFFE0];
	v28 =	vsub.f32 v28, v5  }
0x11c: {  	v20 =	vmul.f32 v20, v20;
	v35 =	vld [tilespmem:s12+$0x50];
	v29 =	vsub.f32 v29, v4;
	v31 =	vadd.f32 v21, v31  }
0x11d: {  	v21 =	vmul.f32 v25, v25;
	v15 =	vadd.f32 v15, v23;
	v37 =	vld [tilespmem:s12+$0xC0];
	v25 =	vmul.f32 v28, v28  }
0x11e: {  	v28 =	vsub.f32 v33, v11;
	v23 =	vld [tilespmem:s12+$0xFFFFFEF0];
	v32 =	vsub.f32 v32, v7;
	v33 =	vperm.xlane v31, v1  }
0x11f: {  	v29 =	vmul.f32 v29, v29;
	v15 =	vadd.f32 v30, v15;
	v38 =	vld [tilespmem:s12+$0xFFFFFF60];
	v25 =	vadd.f32 v25, v21  }
0x120: {  	v39 =	vmul.f32 v18, v18;
	v21 =	vsub.f32 v24, v10;
	v30 =	vld [tilespmem:s12+$0x80];
	v18 =	vadd.f32 v31, v33  }
0x121: {  	v31 =	vld [tilespmem:s12+$0x90];
	v24 =	vadd.f32 v29, v25;
	v25 =	vmul.f32 v32, v32;
	v29 =	vperm.xlane v15, v0  }
0x122: {  	v32 =	vsub.f32 v35, v9;
	v33 =	vld [tilespmem:s12+$0xA0];
	v35 =	vsub.f32 v37, v8;
	v37 =	vperm.xlane v18, v2  }
0x123: {  	v34 =	vmul.f32 v34, v34;
	v40 =	vld [tilespmem:s12+$0xFFFFFFD0];
	v25 =	vadd.f32 v25, v24;
	v29 =	vadd.f32 v15, v29  }
0x124: {  	v41 =	vmul.f32 v19, v19;
	v24 =	vsub.f32 v23, v11;
	v23 =	vld [tilespmem:s12+$0x40];
	v15 =	vadd.f32 v18, v37  }
0x125: {  	v18 =	vsub.f32 v38, v10;
	v37 =	vld [tilespmem:s12+$0xB0];
	v19 =	vadd.f32 v34, v25;
	v25 =	vperm.xlane v29, v1  }
0x126: {  	v22 =	vmul.f32 v22, v22;
	v30 =	vsub.f32 v30, v6;
	v34 =	vld [tilespmem:s12+$0xFFFFFE70];
	v31 =	vsub.f32 v31, v5  }
0x127: {  	v42 =	vmul.f32 v16, v16;
	v38 =	vld [tilespmem:s12+$0x0];
	v33 =	vsub.f32 v33, v4;
	v16 =	vadd.f32 v29, v25  }
0x128: {  	v29 =	vmul.f32 v30, v30;
	v19 =	vadd.f32 v22, v19;
	v25 =	vld [tilespmem:s12+$0x10];
	v30 =	vmul.f32 v31, v31  }
0x129: {  	v31 =	vsub.f32 v40, v9;
	v22 =	vld [tilespmem:s12+$0x20];
	v40 =	vsub.f32 v23, v8;
	v23 =	vperm.xlane v16, v2  }
0x12a: {  	v29 =	vadd.f32 v30, v29;
	v30 =	vmul.f32 v33, v33;
	v33 =	vadd.f32 v39, v19  }
0x12b: {  	v19 =	vmul.f32 v27, v27;
	v37 =	vsub.f32 v37, v7;
	v27 =	vld [tilespmem:s12+$0x30];
	v16 =	vadd.f32 v16, v23  }
0x12c: {  	v39 =	vld [tilespmem:s12+$0xFFFFFEE0];
	v29 =	vadd.f32 v30, v29;
	v30 =	vmul.f32 v35, v35;
	v33 =	vadd.f32 v36, v33  }
0x12d: {  	v36 =	vsub.f32 v38, v6;
	v37 =	vmul.f32 v37, v37;
	v35 =	vld [tilespmem:s12+$0xFFFFFF50];
	v25 =	vsub.f32 v25, v5  }
0x12e: {  	v23 =	vsub.f32 v34, v11;
	v22 =	vsub.f32 v22, v4;
	v34 =	vperm.xlane v33, v0  }
0x12f: {  	v36 =	vmul.f32 v36, v36;
	v29 =	vadd.f32 v37, v29;
	v38 =	vld [tilespmem:s12+$0xFFFFFFC0];
	v25 =	vmul.f32 v25, v25  }
0x130: {  	v26 =	vmul.f32 v26, v26;
	v37 =	vld [tilespmem:s12+$0xFFFFFF80];
	v27 =	vsub.f32 v27, v7;
	v33 =	vadd.f32 v33, v34  }
0x131: {  	v22 =	vmul.f32 v22, v22;
	v29 =	vadd.f32 v30, v29;
	v34 =	vld [tilespmem:s12+$0xFFFFFF90];
	v36 =	vadd.f32 v25, v36  }
0x132: {  	v25 =	vsub.f32 v39, v10;
	v30 =	vsub.f32 v35, v9;
	v35 =	vld [tilespmem:s12+$0xFFFFFFA0];
	v39 =	vperm.xlane v33, v1  }
0x133: {  	v27 =	vmul.f32 v27, v27;
	v26 =	vadd.f32 v26, v29;
	v43 =	vld [tilespmem:s12+$0xFFFFFDF0];
	v36 =	vadd.f32 v22, v36  }
0x134: {  	v44 =	vmul.f32 v17, v17;
	v29 =	vld [tilespmem:s12+$0xFFFFFFB0];
	v38 =	vsub.f32 v38, v8;
	v17 =	vadd.f32 v33, v39  }
0x135: {  	v22 =	vmul.f32 v28, v28;
	v26 =	vadd.f32 v42, v26;
	v33 =	vld [tilespmem:s12+$0xFFFFFE60];
	v27 =	vadd.f32 v27, v36  }
0x136: {  	v36 =	vsub.f32 v37, v6;
	v37 =	vmul.f32 v40, v40;
	v28 =	vld [tilespmem:s12+$0xFFFFFED0];
	v34 =	vsub.f32 v34, v5  }
0x137: {  	v32 =	vmul.f32 v32, v32;
	v20 =	vadd.f32 v20, v26;
	v39 =	vld [tilespmem:s12+$0xFFFFFF40];
	v35 =	vsub.f32 v35, v4  }
0x138: {  	v36 =	vmul.f32 v36, v36;
	v27 =	vadd.f32 v37, v27;
	v26 =	vld [tilespmem:s12+$0xFFFFFD70];
	v34 =	vmul.f32 v34, v34  }
0x139: {  	v42 =	vperm.xlane v17, v2;
	v40 =	vperm.xlane v20, v0;
	v37 =	vld [tilespmem:s12+$0xFFFFFDE0];
	v29 =	vsub.f32 v29, v7  }
0x13a: {  	v35 =	vmul.f32 v35, v35;
	v27 =	vadd.f32 v32, v27;
	v45 =	vld [tilespmem:s12+$0xFFFFFE50];
	v34 =	vadd.f32 v34, v36  }
0x13b: {  	v17 =	vadd.f32 v17, v42;
	v36 =	vmul.f32 v21, v21;
	v40 =	vadd.f32 v20, v40;
	v32 =	vld [tilespmem:s12+$0xFFFFFF00]  }
0x13c: {  	v29 =	vmul.f32 v29, v29;
	v27 =	vadd.f32 v44, v27;
	v42 =	vld [tilespmem:s12+$0xFFFFFF10];
	v20 =	vadd.f32 v35, v34  }
0x13d: {  	v21 =	vsub.f32 v43, v11;
	v33 =	vsub.f32 v33, v10;
	v35 =	vmul.f32 v38, v38;
	v34 =	vld [tilespmem:s12+$0xFFFFFF20]  }
0x13e: {  	v27 =	vadd.f32 v41, v27;
	v41 =	vperm.xlane v40, v1;
	v38 =	vld [tilespmem:s12+$0xFFFFFEC0];
	v29 =	vadd.f32 v29, v20  }
0x13f: {  	v43 =	vsub.f32 v28, v9;
	v28 =	vsub.f32 v39, v8;
	v20 =	vmul.f32 v24, v24;
	v24 =	vld [tilespmem:s12+$0xFFFFFF30]  }
0x140: {  	v40 =	vadd.f32 v40, v41;
	v39 =	vld [tilespmem:s12+$0xFFFFFC70];
	v29 =	vadd.f32 v35, v29;
	v35 =	vperm.xlane v27, v0  }
0x141: {  	v31 =	vmul.f32 v31, v31;
	v32 =	vsub.f32 v32, v6;
	v41 =	vld [tilespmem:s12+$0xFFFFFCF0];
	v42 =	vsub.f32 v42, v5  }
0x142: {  	v46 =	vmul.f32 v18, v18;
	v44 =	vld [tilespmem:s12+$0xFFFFFD60];
	v34 =	vsub.f32 v34, v4;
	v18 =	vadd.f32 v27, v35  }
0x143: {  	v32 =	vmul.f32 v32, v32;
	v29 =	vadd.f32 v31, v29;
	v27 =	vld [tilespmem:s12+$0xFFFFFDD0];
	v35 =	vmul.f32 v42, v42  }
0x144: {  	v47 =	vperm.xlane v40, v2;
	v31 =	vld [tilespmem:s12+$0xFFFFFE40];
	v24 =	vsub.f32 v24, v7;
	v42 =	vperm.xlane v18, v1  }
0x145: {  	v34 =	vmul.f32 v34, v34;
	v29 =	vadd.f32 v36, v29;
	v48 =	vld [tilespmem:s12+$0xFFFFFEB0];
	v32 =	vadd.f32 v35, v32  }
0x146: {  	v28 =	vmul.f32 v28, v28;
	v35 =	vld [tilespmem:s12+$0xFFFFFC60];
	v36 =	vadd.f32 v18, v42;
	v18 =	vadd.f32 v40, v47  }
0x147: {  	v29 =	vadd.f32 v19, v29;
	v40 =	vld [tilespmem:s12+$0xFFFFFCE0];
	v32 =	vadd.f32 v34, v32;
	v34 =	vmul.f32 v24, v24  }
0x148: {  	v37 =	vsub.f32 v37, v10;
	v24 =	vsub.f32 v26, v11;
	v42 =	vld [tilespmem:s12+$0xFFFFFD50];
	v19 =	vperm.xlane v36, v2  }
0x149: {  	v45 =	vsub.f32 v45, v9;
	v47 =	vld [tilespmem:s12+$0xFFFFFDC0];
	v26 =	vadd.f32 v34, v32;
	v32 =	vperm.xlane v29, v0  }
0x14a: {  	v23 =	vmul.f32 v23, v23;
	v49 =	vsub.f32 v38, v8;
	v34 =	vld [tilespmem:s12+$0xFFFFFE80];
	v19 =	vadd.f32 v36, v19  }
0x14b: {  	v30 =	vmul.f32 v30, v30;
	v36 =	vld [tilespmem:s12+$0xFFFFFE90];
	v38 =	vadd.f32 v28, v26;
	v29 =	vadd.f32 v29, v32  }
0x14c: {  	v39 =	vsub.f32 v39, v11;
	v26 =	vsub.f32 v41, v11;
	v41 =	vmul.f32 v25, v25;
	v32 =	vld [tilespmem:s12+$0xFFFFFEA0]  }
0x14d: {  	v28 =	vsub.f32 v44, v10;
	v25 =	vld [tilespmem:s12+$0xFFFFFE30];
	v30 =	vadd.f32 v30, v38;
	v38 =	vperm.xlane v29, v1  }
0x14e: {  	v51 =	vsub.f32 v27, v9;
	v27 =	vmul.f32 v33, v33;
	v52 =	vsub.f32 v31, v8;
	v50 =	vld [tilespmem:s12+$0xFFFFFC50]  }
0x14f: {  	v43 =	vmul.f32 v43, v43;
	v53 =	vld [tilespmem:s12+$0xFFFFFCD0];
	v30 =	vadd.f32 v46, v30;
	v31 =	vadd.f32 v29, v38  }
0x150: {  	v29 =	vmul.f32 v37, v37;
	v33 =	vsub.f32 v34, v6;
	v54 =	vld [tilespmem:s12+$0xFFFFFD40];
	v34 =	vsub.f32 v36, v5  }
0x151: {  	v37 =	vsub.f32 v48, v7;
	v36 =	vld [tilespmem:s12+$0xFFFFFE00];
	v32 =	vsub.f32 v32, v4;
	v44 =	vperm.xlane v31, v2  }
0x152: {  	v33 =	vmul.f32 v33, v33;
	v48 =	vadd.f32 v22, v30;
	v46 =	vld [tilespmem:s12+$0xFFFFFE10];
	v34 =	vmul.f32 v34, v34  }
0x153: {  	v35 =	vsub.f32 v35, v10;
	v38 =	vmul.f32 v45, v45;
	v55 =	vld [tilespmem:s12+$0xFFFFFE20];
	v22 =	vadd.f32 v31, v44  }
0x154: {  	v44 =	vperm.xlane v48, v0;
	v45 =	vld [tilespmem:s12+$0xFFFFFDB0];
	v33 =	vadd.f32 v34, v33;
	v34 =	vmul.f32 v32, v32  }
0x155: {  	v31 =	vsub.f32 v40, v10;
	v40 =	vmul.f32 v49, v49;
	v32 =	vsub.f32 v42, v9;
	v56 =	vld [tilespmem:s12+$0xFFFFFC40]  }
0x156: {  	v30 =	vmul.f32 v39, v39;
	v42 =	vld [tilespmem:s12+$0xFFFFFCC0];
	v33 =	vadd.f32 v34, v33;
	v34 =	vadd.f32 v48, v44  }
0x157: {  	v37 =	vmul.f32 v37, v37;
	v36 =	vsub.f32 v36, v6;
	v57 =	vld [tilespmem:s12+$0xFFFFFD30];
	v39 =	vsub.f32 v46, v5  }
0x158: {  	v59 =	vsub.f32 v47, v8;
	v58 =	vld [tilespmem:s12+$0xFFFFFDA0];
	v47 =	vsub.f32 v55, v4;
	v46 =	vperm.xlane v34, v1  }
0x159: {  	v36 =	vmul.f32 v36, v36;
	v37 =	vadd.f32 v37, v33;
	v60 =	vld [tilespmem:s12+$0xFFFFFC30];
	v39 =	vmul.f32 v39, v39  }
0x15a: {  	v49 =	vsub.f32 v25, v7;
	v33 =	vmul.f32 v51, v51;
	v44 =	vld [tilespmem:s12+$0xFFFFFCB0];
	v25 =	vadd.f32 v34, v46  }
0x15b: {  	v37 =	vadd.f32 v40, v37;
	v46 =	vld [tilespmem:s12+$0xFFFFFD80];
	v34 =	vadd.f32 v39, v36;
	v39 =	vmul.f32 v47, v47  }
0x15c: {  	v55 =	vsub.f32 v50, v9;
	v36 =	vsub.f32 v53, v9;
	v53 =	vmul.f32 v52, v52;
	v47 =	vld [tilespmem:s12+$0xFFFFFD90]  }
0x15d: {  	v43 =	vadd.f32 v43, v37;
	v48 =	vld [tilespmem:s12+$0xFFFFFC20];
	v34 =	vadd.f32 v39, v34;
	v39 =	vmul.f32 v49, v49  }
.Ltmp0:
0x15e: {  	v35 =	vmul.f32 v35, v35;
	v45 =	vsub.f32 v45, v7;
	v40 =	vsub.f32 v54, v8;
	v49 =	vld [tilespmem:s12+$0xFFFFFD00];
	(pc) =	sbr.rel @p0 .LBB2_2-.Ltmp0, $4  }
0x15f: {  	v37 =	vmul.f32 v59, v59;
	v50 =	vld [tilespmem:s12+$0xFFFFFC00];
	v59 =	vadd.f32 v39, v34;
	v34 =	vadd.f32 v41, v43  }
0x160: {  	v43 =	vsub.f32 v56, v8;
	v39 =	vmul.f32 v55, v55;
	v41 =	vsub.f32 v42, v8;
	v51 =	vld [tilespmem:s12+$0xFFFFFC10]  }
0x161: {  	v54 =	vsub.f32 v58, v4;
	v42 =	vmul.f32 v45, v45;
	v52 =	vld [tilespmem:s12+$0xFFFFFC80];
	v55 =	vadd.f32 v53, v59  }
0x162: {  	s14 =	sadd.s32 $0x40, s14;
	v56 =	vsub.f32 v60, v7;
	v45 =	vsub.f32 v57, v7;
	v43 =	vmul.f32 v43, v43;
	v53 =	vld [tilespmem:s12+$0xFFFFFC90]  }
0x163: {  	v9 =	vsub.f32 v46, v6;
	v11 =	vadd.f32 v38, v55  }
0x164: {  	v8 =	vld [tilespmem:s12+$0xFFFFFD10];
	v7 =	vsub.f32 v44, v7;
	v58 =	vsub.f32 v47, v5  }
0x165: {  	v10 =	vmul.f32 v54, v54;
	v57 =	vld [tilespmem:s12+$0xFFFFFCA0];
	v59 =	vsub.f32 v48, v4;
	v60 =	vsub.f32 v49, v6  }
0x166: {  	v61 =	vld [tilespmem:s12+$0xFFFFFD20];
	v20 =	vadd.f32 v20, v34;
	v38 =	vmul.f32 v56, v56;
	v50 =	vsub.f32 v50, v6  }
0x167: {  	v9 =	vmul.f32 v9, v9;
	v51 =	vsub.f32 v51, v5;
	v44 =	vmul.f32 v58, v58  }
0x168: {  	v47 =	vmul.f32 v59, v59;
	v62 =	vsub.f32 v52, v6;
	v63 =	vsub.f32 v53, v5  }
0x169: {  	v50 =	vmul.f32 v50, v50;
	v51 =	vmul.f32 v51, v51;
	v5 =	vsub.f32 v8, v5  }
0x16a: {  	v6 =	vmul.f32 v62, v62;
	v46 =	vsub.f32 v57, v4;
	v54 =	vmul.f32 v63, v63  }
0x16b: {  	v48 =	vmul.f32 v60, v60;
	v4 =	vsub.f32 v61, v4;
	v5 =	vmul.f32 v5, v5  }
0x16c: {  	v55 =	vadd.f32 v51, v50;
	v56 =	vmul.f32 v46, v46;
	v6 =	vadd.f32 v54, v6  }
0x16d: {  	v9 =	vadd.f32 v44, v9;
	v4 =	vmul.f32 v4, v4;
	v5 =	vadd.f32 v5, v48  }
0x16e: {  	v7 =	vmul.f32 v7, v7;
	v57 =	vadd.f32 v47, v55;
	v6 =	vadd.f32 v56, v6  }
0x16f: {  	v58 =	vadd.f32 v10, v9;
	v4 =	vadd.f32 v4, v5;
	v5 =	vmul.f32 v45, v45  }
0x170: {  	v60 =	vmul.f32 v41, v41;
	v59 =	vadd.f32 v38, v57;
	v6 =	vadd.f32 v7, v6  }
0x171: {  	v8 =	vadd.f32 v42, v58;
	v4 =	vadd.f32 v5, v4;
	v5 =	vmul.f32 v40, v40  }
0x172: {  	v61 =	vmul.f32 v36, v36;
	v9 =	vadd.f32 v43, v59;
	v6 =	vadd.f32 v60, v6  }
0x173: {  	v8 =	vadd.f32 v37, v8;
	v4 =	vadd.f32 v5, v4;
	v5 =	vmul.f32 v32, v32  }
0x174: {  	v62 =	vmul.f32 v31, v31;
	v9 =	vadd.f32 v39, v9;
	v6 =	vadd.f32 v61, v6  }
0x175: {  	v8 =	vadd.f32 v33, v8;
	v4 =	vadd.f32 v5, v4;
	v5 =	vmul.f32 v28, v28  }
0x176: {  	v63 =	vmul.f32 v26, v26;
	v9 =	vadd.f32 v35, v9;
	v6 =	vadd.f32 v62, v6  }
0x177: {  	v8 =	vadd.f32 v29, v8;
	v4 =	vadd.f32 v5, v4;
	v5 =	vmul.f32 v24, v24  }
0x178: {  	v26 =	vmul.f32 v21, v21;
	v9 =	vadd.f32 v30, v9;
	v6 =	vadd.f32 v63, v6  }
0x179: {  	v4 =	vadd.f32 v5, v4;
	v5 =	vadd.f32 v27, v11  }
0x17a: {  	v7 =	vadd.f32 v26, v8;
	v29 =	vperm.xlane v9, v0;
	v30 =	vperm.xlane v6, v0  }
0x17b: {  	v34 =	vperm.xlane v20, v0;
	v31 =	vperm.xlane v4, v0;
	v5 =	vadd.f32 v23, v5  }
0x17c: {  	v32 =	vperm.xlane v7, v0;
	v9 =	vadd.f32 v9, v29;
	v6 =	vadd.f32 v6, v30  }
0x17d: {  	v38 =	vadd.f32 v20, v34;
	v4 =	vadd.f32 v4, v31;
	v33 =	vperm.xlane v5, v0  }
0x17e: {  	v7 =	vadd.f32 v7, v32;
	v35 =	vperm.xlane v9, v1;
	v36 =	vperm.xlane v6, v1  }
0x17f: {  	v21 =	vperm.xlane v38, v1;
	v37 =	vperm.xlane v4, v1;
	v5 =	vadd.f32 v5, v33  }
0x180: {  	v39 =	vperm.xlane v7, v1;
	v9 =	vadd.f32 v9, v35;
	v6 =	vadd.f32 v6, v36  }
0x181: {  	v8 =	vadd.f32 v38, v21;
	v4 =	vadd.f32 v4, v37;
	v40 =	vperm.xlane v5, v1  }
0x182: {  	v7 =	vadd.f32 v7, v39;
	v23 =	vperm.xlane v9, v2;
	v24 =	vperm.xlane v6, v2  }
0x183: {  	v28 =	vperm.xlane v25, v2;
	v41 =	vperm.xlane v4, v2;
	v5 =	vadd.f32 v5, v40  }
0x184: {  	v42 =	vperm.xlane v7, v2;
	v9 =	vadd.f32 v9, v23;
	v6 =	vadd.f32 v6, v24  }
0x185: {  	v21 =	vperm.xlane v8, v2;
	v4 =	vadd.f32 v4, v41;
	v43 =	vperm.xlane v5, v2  }
0x186: {  	v7 =	vadd.f32 v7, v42;
	v23 =	vperm.xlane v9, v3;
	v24 =	vperm.xlane v6, v3  }
0x187: {  	v8 =	vadd.f32 v8, v21;
	v44 =	vperm.xlane v4, v3;
	v5 =	vadd.f32 v5, v43  }
0x188: {  	v45 =	vperm.xlane v7, v3;
	v9 =	vadd.f32 v9, v23;
	v6 =	vadd.f32 v6, v24  }
0x189: {  	v10 =	vadd.f32 v25, v28;
	v4 =	vadd.f32 v4, v44;
	v46 =	vperm.xlane v5, v3  }
0x18a: {  	v47 =	vperm.xlane v8, v3;
	v7 =	vadd.f32 v7, v45;
	v6 =	vsel vm0, v9, v6  }
0x18b: {  	v48 =	vperm.xlane v10, v3;
	v4 =	vsel vm1, v6, v4;
	v5 =	vadd.f32 v5, v46  }
0x18c: {  	v50 =	vperm.xlane v22, v3;
	v49 =	vadd.f32 v8, v47;
	v4 =	vsel vm2, v4, v7  }
0x18d: {  	v51 =	vperm.xlane v19, v3;
	v4 =	vsel vm3, v4, v5;
	v5 =	vadd.f32 v10, v48  }
0x18e: {  	v53 =	vperm.xlane v18, v3;
	v52 =	vadd.f32 v22, v50;
	v4 =	vsel vm4, v4, v49  }
0x18f: {  	v54 =	vperm.xlane v17, v3;
	v4 =	vsel vm5, v4, v5;
	v5 =	vadd.f32 v19, v51  }
0x190: {  	v55 =	vadd.f32 v18, v53;
	v56 =	vperm.xlane v16, v3;
	v4 =	vsel vm6, v4, v52  }
0x191: {  	v57 =	vperm.xlane v15, v3;
	v4 =	vsel vm7, v4, v5;
	v5 =	vadd.f32 v17, v54  }
0x192: {  	v58 =	vadd.f32 v16, v56;
	v59 =	vperm.xlane v14, v3;
	v4 =	vsel vm8, v4, v55  }
0x193: {  	v60 =	vperm.xlane v13, v3;
	v4 =	vsel vm9, v4, v5;
	v5 =	vadd.f32 v15, v57  }
0x194: {  	v61 =	vadd.f32 v14, v59;
	v62 =	vperm.xlane v12, v3;
	v4 =	vsel vm10, v4, v58  }
0x195: {  	v4 =	vsel vm11, v4, v5;
	v5 =	vadd.f32 v13, v60  }
0x196: {  	v63 =	vadd.f32 v12, v62;
	v4 =	vsel vm12, v4, v61  }
0x197: {  	s11 =	sadd.s32 $0x1, s11;
	v4 =	vsel vm13, v4, v5  }
0x198: {  	s31 =	sshra.s32 s13, $0x2;
	p0 =	sne.s32 s11, s6;
	v4 =	vsel vm14, v4, v63  }
.Ltmp1:
0x199: {  	[tilespmem:s31+$0x8080] =	vst v4;
	(pc) =	sbr.rel @p0 .LBB2_1-.Ltmp1, $4  }
0x19a: {  	[hbm4b:s5+s3] =	stream.linear.scatter [tilespmem:s10], [sflag:$0x2], $0x100, $0x38;
	[tilespmem:$0x8180] =	vst v63  }
0x19b: {  	_ =	swait.ge [sflag:s7], $0x100  }
0x19c: {  	[sflag:s7] =	ssyncset.done $0x0  }
0x19d: {  	[sflag:s7] =	ssyncadd.s32 $0xFFFFFF00  }
0x19e: {  	_ =	sfence.sel $0x180000  }
0x19f: {  	[bflag:$0x0] =	sbarrier.arrive $0xFFFF  }
0x1a0: {  	p0 =	sne.s32 s2, $0x0;
	_ =	strace $0x90000047  }
0x1a1: {  	s0 =	sadd.s32 @!p0 $0x100000, s1;
	[bflag:$0x2] =	sbarrier.arrive $0xFFFF  }
0x1a2: {  	[sflag:s0] =	ssyncadd.tile.s32 @!p0 $0x1;
	_ =	shalt  }
.Lfunc_end2:
_tile_overlayer_lowered:
.L_overlay_start_2:
0x1a3: {  	(tag) =	ssettag $0x2  }
0x1a4: {  	s0 =	rddreg [dreg:$0x0];
	s2 =	stileid.u32  }
0x1a5: {  	s1 =	rddreg [dreg:$0x1];
	p0 =	sne.s32 s2, $0x0  }
0x1a6: {  	s3 =	rddreg [dreg:$0x2];
	[bflag:$0x3] =	sbarrier.arrive $0xFFFF;
	s2 =	simm.s32 @!p0 $0x1C02  }
0x1a7: {  	[timem:s3], [sflag:s2] =	dma.local @!p0 [hbm:s0], s1  }
0x1a8: {  	s0 =	simm.s32 @!p0 $0x2  }
0x1a9: {  	_ =	swait.ge @!p0 [sflag:s0], s1  }
0x1aa: {  	s1 =	ssub.s32 @!p0 $0x0, s1;
	[sflag:s0] =	ssyncset.done @!p0 $0x0  }
0x1ab: {  	[sflag:s0] =	ssyncadd.s32 @!p0 s1  }
0x1ac: {  	[bflag:$0x3] =	sbarrier.arrive $0xFFFF  }
0x1ad: {  	_ =	shalt  }

</sc_bundles>
